<compile_context>
chip_gen: v7x
topology: tpu7x:2x2x1
jax: 0.10.2.dev20260603
libtpu: 0.0.44.dev20260713+nightly
codegen_flags: <defaults>
</compile_context>

<pallas_src>
import functools

import jax
import jax.numpy as jnp
from jax import lax
from jax.experimental import pallas as pl
from jax.experimental.pallas import tpu as pltpu
from jax.experimental.pallas import tpu_sc as plsc

NW = 32
CHUNK = 10000
NBUF = 3


def _fill_1d(ref, total, value):
    v = jnp.full((16,), value, jnp.float32)

    def body(i, _):
        ref[pl.ds(i * 16, 16)] = v
        return 0

    lax.fori_loop(0, total // 16, body, 0)


def _worker_id():
    return lax.axis_index("s") * 2 + lax.axis_index("c")



CHUNKD = 20000


def _deg_pass(dst, n_pad):
    nch = dst.shape[0] // CHUNKD
    ncw = nch // NW
    stripe = n_pad // 16
    mesh = plsc.VectorSubcoreMesh(core_axis_name="c", subcore_axis_name="s")

    @functools.partial(
        pl.kernel,
        out_type=jax.ShapeDtypeStruct((2, n_pad), jnp.float32),
        mesh=mesh,
        scratch_types=[
            [pltpu.VMEM((CHUNKD,), jnp.int32)] * NBUF,
            pltpu.VMEM((CHUNKD,), jnp.float32),
            pltpu.VMEM((stripe,), jnp.float32),
            pltpu.VMEM_SHARED((n_pad,), jnp.float32),
            [pltpu.SemaphoreType.DMA] * NBUF,
            [pltpu.SemaphoreType.DMA] * NBUF,
        ],
    )
    def body(dst_hbm, out_hbm, didx, ones_v, zer_v, acc, lsem, ssem):
        cid = lax.axis_index("c")
        sid = lax.axis_index("s")
        w = _worker_id()
        _fill_1d(ones_v, CHUNKD, 1.0)
        _fill_1d(zer_v, stripe, 0.0)
        pltpu.sync_copy(zer_v, acc.at[pl.ds(sid * stripe, stripe)])
        plsc.subcore_barrier()

        ldp = [None] * NBUF
        scp = [None] * NBUF

        def loads(j):
            s = j % NBUF
            ci = w + j * NW
            ldp[s] = pltpu.async_copy(
                dst_hbm.at[pl.ds(ci * CHUNKD, CHUNKD)], didx[s], lsem[s])

        loads(0)
        if ncw > 1:
            loads(1)
        for j in range(ncw):
            s = j % NBUF
            ldp[s].wait()
            if j >= 1:
                scp[(j - 1) % NBUF].wait()
            if j + 2 < ncw:
                loads(j + 2)
            scp[s] = pltpu.async_copy(ones_v, acc.at[didx[s]], ssem[s],
                                      add=True)
        scp[(ncw - 1) % NBUF].wait()
        plsc.subcore_barrier()
        pltpu.sync_copy(acc.at[pl.ds(sid * stripe, stripe)],
                        out_hbm.at[cid, pl.ds(sid * stripe, stripe)])

    return body(dst)


def _edge_pass1(src, dst, tab, n_pad):
    nch = dst.shape[0] // CHUNK
    ncw = nch // NW
    stripe = n_pad // 16
    mesh = plsc.VectorSubcoreMesh(core_axis_name="c", subcore_axis_name="s")

    @functools.partial(
        pl.kernel,
        out_type=jax.ShapeDtypeStruct((2, n_pad), jnp.float32),
        mesh=mesh,
        scratch_types=[
            [pltpu.VMEM((CHUNK,), jnp.int32)] * NBUF,
            [pltpu.VMEM((CHUNK,), jnp.int32)] * NBUF,
            [pltpu.VMEM((CHUNK,), jnp.float32)] * NBUF,
            pltpu.VMEM((stripe,), jnp.float32),
            pltpu.VMEM_SHARED((n_pad,), jnp.float32),
            pltpu.VMEM_SHARED((n_pad,), jnp.float32),
            [pltpu.SemaphoreType.DMA] * NBUF,
            [pltpu.SemaphoreType.DMA] * NBUF,
            [pltpu.SemaphoreType.DMA] * NBUF,
        ],
    )
    def body(src_hbm, dst_hbm, tab_hbm, out_hbm,
             sidx, didx, val, zer_v, acc, tab_sh, lsem, gsem, ssem):
        cid = lax.axis_index("c")
        sid = lax.axis_index("s")
        w = _worker_id()
        _fill_1d(zer_v, stripe, 0.0)
        pltpu.sync_copy(zer_v, acc.at[pl.ds(sid * stripe, stripe)])
        pltpu.sync_copy(tab_hbm.at[pl.ds(sid * stripe, stripe)],
                        tab_sh.at[pl.ds(sid * stripe, stripe)])
        plsc.subcore_barrier()

        ldp = [None] * NBUF
        scp = [None] * NBUF

        def loads(j):
            s = j % NBUF
            ci = w + j * NW
            a = pltpu.async_copy(
                src_hbm.at[pl.ds(ci * CHUNK, CHUNK)], sidx[s], lsem[s])
            b = pltpu.async_copy(
                dst_hbm.at[pl.ds(ci * CHUNK, CHUNK)], didx[s], lsem[s])
            ldp[s] = (a, b)

        loads(0)
        if ncw > 1:
            loads(1)
        for j in range(ncw):
            s = j % NBUF
            ldp[s][0].wait()
            ldp[s][1].wait()
            gat = pltpu.async_copy(tab_sh.at[sidx[s]], val[s], gsem[s])
            if j >= 1:
                scp[(j - 1) % NBUF].wait()
            if j + 2 < ncw:
                loads(j + 2)
            gat.wait()
            scp[s] = pltpu.async_copy(val[s], acc.at[didx[s]], ssem[s],
                                      add=True)
        scp[(ncw - 1) % NBUF].wait()
        plsc.subcore_barrier()
        pltpu.sync_copy(acc.at[pl.ds(sid * stripe, stripe)],
                        out_hbm.at[cid, pl.ds(sid * stripe, stripe)])

    return body(src, dst, tab)


CHUNK2 = 10000


def _edge_pass2(src, dst, tab0, tab1, n_pad):
    nch = dst.shape[0] // CHUNK2
    ncw = nch // NW
    stripe = n_pad // 16
    mesh = plsc.VectorSubcoreMesh(core_axis_name="c", subcore_axis_name="s")

    @functools.partial(
        pl.kernel,
        out_type=[jax.ShapeDtypeStruct((2, n_pad), jnp.float32)] * 2,
        mesh=mesh,
        scratch_types=[
            [pltpu.VMEM((CHUNK2,), jnp.int32)] * 2,
            [pltpu.VMEM((CHUNK2,), jnp.int32)] * 2,
            [pltpu.VMEM((CHUNK2,), jnp.float32)] * 2,
            [pltpu.VMEM((CHUNK2,), jnp.float32)] * 2,
            pltpu.VMEM_SHARED((n_pad,), jnp.float32),
            pltpu.VMEM_SHARED((n_pad,), jnp.float32),
            pltpu.VMEM_SHARED((n_pad,), jnp.float32),
            pltpu.VMEM_SHARED((n_pad,), jnp.float32),
            [pltpu.SemaphoreType.DMA] * 2,
            [pltpu.SemaphoreType.DMA] * 2,
            [pltpu.SemaphoreType.DMA] * 2,
            [pltpu.SemaphoreType.DMA] * 2,
            [pltpu.SemaphoreType.DMA] * 2,
        ],
    )
    def body(src_hbm, dst_hbm, tab0_hbm, tab1_hbm, out0_hbm, out1_hbm,
             sidx, didx, val0, val1, acc0, acc1, tab0_sh, tab1_sh,
             lsem, g0sem, g1sem, s0sem, s1sem):
        cid = lax.axis_index("c")
        sid = lax.axis_index("s")
        w = _worker_id()
        sl = pl.ds(sid * stripe, stripe)
        _fill_1d(val0[0], stripe, 0.0)
        zsl = val0[0].at[pl.ds(0, stripe)]
        pltpu.sync_copy(zsl, acc0.at[sl])
        pltpu.sync_copy(zsl, acc1.at[sl])
        pltpu.sync_copy(tab0_hbm.at[sl], tab0_sh.at[sl])
        pltpu.sync_copy(tab1_hbm.at[sl], tab1_sh.at[sl])
        plsc.subcore_barrier()

        ldp = [None] * 2
        sc0 = [None] * 2
        sc1 = [None] * 2

        def loads(j):
            s = j % 2
            ci = w + j * NW
            a = pltpu.async_copy(
                src_hbm.at[pl.ds(ci * CHUNK2, CHUNK2)], sidx[s], lsem[s])
            b = pltpu.async_copy(
                dst_hbm.at[pl.ds(ci * CHUNK2, CHUNK2)], didx[s], lsem[s])
            ldp[s] = (a, b)

        loads(0)
        for j in range(ncw):
            s = j % 2
            o = 1 - s
            ldp[s][0].wait()
            ldp[s][1].wait()
            if sc0[s] is not None:
                sc0[s].wait()
                sc1[s].wait()
            g0 = pltpu.async_copy(tab0_sh.at[sidx[s]], val0[s], g0sem[s])
            g1 = pltpu.async_copy(tab1_sh.at[sidx[s]], val1[s], g1sem[s])
            if sc0[o] is not None:
                sc0[o].wait()
                sc1[o].wait()
                sc0[o] = sc1[o] = None
            if j + 1 < ncw:
                loads(j + 1)
            g0.wait()
            sc0[s] = pltpu.async_copy(val0[s], acc0.at[didx[s]], s0sem[s],
                                      add=True)
            g1.wait()
            sc1[s] = pltpu.async_copy(val1[s], acc1.at[didx[s]], s1sem[s],
                                      add=True)
        sc0[(ncw - 1) % 2].wait()
        sc1[(ncw - 1) % 2].wait()
        plsc.subcore_barrier()
        pltpu.sync_copy(acc0.at[sl], out0_hbm.at[cid, sl])
        pltpu.sync_copy(acc1.at[sl], out1_hbm.at[cid, sl])

    return body(src, dst, tab0, tab1)



def _tc_node1(degp2, x2):

    def body(degp_ref, x_ref, dinv_ref, y_ref):
        deg = degp_ref[0] + degp_ref[1] + 1.0
        dinv = lax.rsqrt(deg)
        dinv_ref[...] = dinv
        y_ref[...] = dinv * x_ref[...]

    return pl.pallas_call(
        body,
        out_shape=[jax.ShapeDtypeStruct(x2.shape, jnp.float32)] * 2,
    )(degp2, x2)


def _tc_node2(tp2, dinv2, y2, W1, b1, W2):

    def body(tp_ref, dinv_ref, y_ref, w1_ref, b1_ref, w2_ref, z0_ref, z1_ref):
        dinv = dinv_ref[...]
        s1 = dinv * (tp_ref[0] + tp_ref[1] + y_ref[...])
        h0 = jnp.zeros_like(s1)
        h1 = jnp.zeros_like(s1)
        for k in range(16):
            a = jnp.maximum(s1 * w1_ref[0, k] + b1_ref[k], 0.0)
            h0 += a * w2_ref[k, 0]
            h1 += a * w2_ref[k, 1]
        z0_ref[...] = dinv * h0
        z1_ref[...] = dinv * h1

    return pl.pallas_call(
        body,
        out_shape=[jax.ShapeDtypeStruct(dinv2.shape, jnp.float32)] * 2,
        in_specs=[
            pl.BlockSpec(memory_space=pltpu.MemorySpace.VMEM),
            pl.BlockSpec(memory_space=pltpu.MemorySpace.VMEM),
            pl.BlockSpec(memory_space=pltpu.MemorySpace.VMEM),
            pl.BlockSpec(memory_space=pltpu.SMEM),
            pl.BlockSpec(memory_space=pltpu.SMEM),
            pl.BlockSpec(memory_space=pltpu.SMEM),
        ],
    )(tp2, dinv2, y2, W1, b1, W2)


def _tc_node3(t02, t12, z0, z1, dinv2, b2):

    def body(t0_ref, t1_ref, z0_ref, z1_ref, dinv_ref, b2_ref, o0_ref, o1_ref):
        dinv = dinv_ref[...]
        s0 = dinv * (t0_ref[0] + t0_ref[1] + z0_ref[...]) + b2_ref[0]
        s1 = dinv * (t1_ref[0] + t1_ref[1] + z1_ref[...]) + b2_ref[1]
        m = jnp.maximum(s0, s1)
        lse = m + jnp.log(jnp.exp(s0 - m) + jnp.exp(s1 - m))
        o0_ref[...] = s0 - lse
        o1_ref[...] = s1 - lse

    return pl.pallas_call(
        body,
        out_shape=[jax.ShapeDtypeStruct(dinv2.shape, jnp.float32)] * 2,
        in_specs=[
            pl.BlockSpec(memory_space=pltpu.MemorySpace.VMEM),
            pl.BlockSpec(memory_space=pltpu.MemorySpace.VMEM),
            pl.BlockSpec(memory_space=pltpu.MemorySpace.VMEM),
            pl.BlockSpec(memory_space=pltpu.MemorySpace.VMEM),
            pl.BlockSpec(memory_space=pltpu.MemorySpace.VMEM),
            pl.BlockSpec(memory_space=pltpu.SMEM),
        ],
    )(t02, t12, z0, z1, dinv2, b2)



def kernel(x, edge_index, W1, b1, W2, b2):
    n = x.shape[0]
    r = -(-n // 128)
    r = -(-r // 8) * 8
    n_pad = r * 128

    src = edge_index[0]
    dst = edge_index[1]
    x2 = jnp.pad(x[:, 0], (0, n_pad - n)).reshape(r, 128)

    degp = _deg_pass(dst, n_pad)
    dinv2, y2 = _tc_node1(degp.reshape(2, r, 128), x2)

    tp = _edge_pass1(src, dst, y2.reshape(-1), n_pad)
    z0, z1 = _tc_node2(tp.reshape(2, r, 128), dinv2, y2, W1, b1, W2)

    t0, t1 = _edge_pass2(src, dst, z0.reshape(-1), z1.reshape(-1), n_pad)
    o0, o1 = _tc_node3(t0.reshape(2, r, 128), t1.reshape(2, r, 128),
                       z0, z1, dinv2, b2)

    return jnp.stack([o0.reshape(-1)[:n], o1.reshape(-1)[:n]], axis=1)

# --- scband reference (transcript-rebuilt; emitter-appended) ---
"""Pipeline reference for scband-gcn-14559939134162 (READ-ONLY COPY).

The authoritative reference and input builder live on the scoring server;
editing this copy changes nothing except your own understanding.
"""

import jax, jax.numpy as jnp
import numpy as np

N = 100000
E = 3200000


def gcn_conv(x, edge_index, W, b, num_nodes):
    # GCNConv: add self-loops, symmetric normalization D^-1/2 (A+I) D^-1/2, then linear
    src = edge_index[0]
    dst = edge_index[1]
    loop = jnp.arange(num_nodes, dtype=src.dtype)
    src = jnp.concatenate([src, loop])
    dst = jnp.concatenate([dst, loop])
    deg = jnp.zeros((num_nodes,), dtype=x.dtype).at[dst].add(1.0)
    deg_inv_sqrt = jnp.where(deg > 0, deg ** -0.5, 0.0)
    norm = deg_inv_sqrt[src] * deg_inv_sqrt[dst]
    h = x @ W
    msg = h[src] * norm[:, None]
    out = jnp.zeros((num_nodes, h.shape[1]), dtype=x.dtype).at[dst].add(msg)
    return out + b


def setup_inputs(seed: int = 0):
    key = jax.random.key(seed)
    k1, k2, k3, k4, k5, k6 = jax.random.split(key, 6)
    x = jax.random.normal(k1, (N, 1), dtype=jnp.float32)
    edge_index = jax.random.randint(k2, (2, E), 0, N, dtype=jnp.int32)
    W1 = jax.random.normal(k3, (1, 16), dtype=jnp.float32) * (1.0 / np.sqrt(1))
    b1 = jnp.zeros((16,), dtype=jnp.float32)
    W2 = jax.random.normal(k4, (16, 2), dtype=jnp.float32) * (1.0 / np.sqrt(16))
    b2 = jnp.zeros((2,), dtype=jnp.float32)
    return {"x": x, "edge_index": edge_index, "W1": W1, "b1": b1, "W2": W2, "b2": b2}


def reference(x, edge_index, W1, b1, W2, b2):
    num_nodes = x.shape[0]
    h = gcn_conv(x, edge_index, W1, b1, num_nodes)
    h = jax.nn.relu(h)
    h = gcn_conv(h, edge_index, W2, b2, num_nodes)
    return jax.nn.log_softmax(h, axis=1)

if __name__ == "__main__":
    import jax
    _d = setup_inputs()
    print(jax.jit(kernel)(*tuple(_d.values())))

</pallas_src>

<mosaic_0001>
#map = affine_map<(d0, d1) -> (0)>
#map1 = affine_map<(d0, d1) -> (0, 0)>
module attributes {stable_mosaic.version = 14 : i64} {
  func.func @body(%arg0: i32, %arg1: i32, %arg2: memref<3200000xi32, #tpu.memory_space<hbm>>, %arg3: memref<3200000xi32, #tpu.memory_space<hbm>>, %arg4: memref<100352xf32, #tpu.memory_space<hbm>>, %arg5: memref<100352xf32, #tpu.memory_space<hbm>>, %arg6: memref<2x100352xf32, #tpu.memory_space<hbm>>, %arg7: memref<2x100352xf32, #tpu.memory_space<hbm>>, %arg8: memref<10000xi32, #tpu.memory_space<vmem>>, %arg9: memref<10000xi32, #tpu.memory_space<vmem>>, %arg10: memref<10000xi32, #tpu.memory_space<vmem>>, %arg11: memref<10000xi32, #tpu.memory_space<vmem>>, %arg12: memref<10000xf32, #tpu.memory_space<vmem>>, %arg13: memref<10000xf32, #tpu.memory_space<vmem>>, %arg14: memref<10000xf32, #tpu.memory_space<vmem>>, %arg15: memref<10000xf32, #tpu.memory_space<vmem>>, %arg16: memref<100352xf32, #tpu.memory_space<vmem_shared>>, %arg17: memref<100352xf32, #tpu.memory_space<vmem_shared>>, %arg18: memref<100352xf32, #tpu.memory_space<vmem_shared>>, %arg19: memref<100352xf32, #tpu.memory_space<vmem_shared>>, %arg20: memref<!tpu.dma_semaphore, #tpu.memory_space<semaphore_mem>>, %arg21: memref<!tpu.dma_semaphore, #tpu.memory_space<semaphore_mem>>, %arg22: memref<!tpu.dma_semaphore, #tpu.memory_space<semaphore_mem>>, %arg23: memref<!tpu.dma_semaphore, #tpu.memory_space<semaphore_mem>>, %arg24: memref<!tpu.dma_semaphore, #tpu.memory_space<semaphore_mem>>, %arg25: memref<!tpu.dma_semaphore, #tpu.memory_space<semaphore_mem>>, %arg26: memref<!tpu.dma_semaphore, #tpu.memory_space<semaphore_mem>>, %arg27: memref<!tpu.dma_semaphore, #tpu.memory_space<semaphore_mem>>, %arg28: memref<!tpu.dma_semaphore, #tpu.memory_space<semaphore_mem>>, %arg29: memref<!tpu.dma_semaphore, #tpu.memory_space<semaphore_mem>>) attributes {dimension_semantics = [#tpu.dimension_semantics<core_parallel>, #tpu.dimension_semantics<subcore_parallel>], iteration_bounds = array<i64: 2, 16>, scalar_prefetch = 0 : i64, scratch_operands = 22 : i64, tpu.core_type = #tpu.core_type<sc_vector_subcore>, window_params = [{transform_indices = #map}, {transform_indices = #map}, {transform_indices = #map}, {transform_indices = #map}, {transform_indices = #map1}, {transform_indices = #map1}]} {
    %mul3A = arith.constant 2 : i32
    %mul3A_0 = arith.muli %arg1, %mul3A : i32
    %add3A = arith.addi %mul3A_0, %arg0 : i32
    %mul3A_1 = arith.constant 6272 : i32
    %mul3A_2 = arith.muli %arg1, %mul3A_1 : i32
    %broadcast_in_dim3A = arith.constant 0.000000e+00 : f32
    %broadcast_in_dim3A_3 = vector.broadcast %broadcast_in_dim3A : f32 to vector<16xf32>
    %scan3A = arith.constant 0 : i32
    %scan3A_4 = arith.constant 0 : i32
    %scan3A_5 = arith.constant 392 : i32
    %scan3A_6 = arith.addi %scan3A_4, %scan3A_5 : i32
    %scan3A_7 = arith.constant 1 : i32
    %scan3A_8 = scf.for %scan3A_309 = %scan3A_4 to %scan3A_6 step %scan3A_7 iter_args(%scan3A_310 = %scan3A) -> (i32)  : i32 {
      %mul3A_311 = arith.constant 16 : i32
      %mul3A_312 = arith.muli %scan3A_309, %mul3A_311 : i32
      %swap3A = arith.index_cast %mul3A_312 : i32 to index
      %swap3A_313 = tpu.vector_load %arg12[%swap3A] {strides = array<i32>} : memref<10000xf32, #tpu.memory_space<vmem>>, vector<16xf32>,
      %swap3A_314 = vector.shape_cast %swap3A_313 : vector<16xf32> to vector<16xf32>
      %swap3A_315 = vector.shape_cast %broadcast_in_dim3A_3 : vector<16xf32> to vector<16xf32>
      tpu.vector_store %arg12[%swap3A], %swap3A_315 {strides = array<i32>} : memref<10000xf32, #tpu.memory_space<vmem>>, vector<16xf32>,
      %scan3A_316 = arith.constant 0 : i32
      scf.yield %scan3A_316 : i32
    }
    %scan3A_9 = arith.constant 392 : i32
    "tpu.region"() ({
      %run_scoped3A = tpu.sem_alloc : memref<!tpu.dma_semaphore, #tpu.memory_space<semaphore_mem>>
      %dma_start3A_309 = arith.constant 0 : i32
      %dma_start3A_310 = tpu.memref_slice %arg12[%dma_start3A_309] : memref<10000xf32, #tpu.memory_space<vmem>> -> memref<6272xf32, #tpu.memory_space<vmem>>
      %dma_start3A_311 = tpu.memref_slice %arg16[%mul3A_2] : memref<100352xf32, #tpu.memory_space<vmem_shared>> -> memref<6272xf32, #tpu.memory_space<vmem_shared>>
      %dma_start3A_312 = tpu.memref_slice %arg16[%mul3A_2] : memref<100352xf32, #tpu.memory_space<vmem_shared>> -> memref<6272xf32, #tpu.memory_space<vmem_shared>>
      %dma_start3A_313 = arith.constant 0 : i32
      %dma_start3A_314 = tpu.memref_slice %arg12[%dma_start3A_313] : memref<10000xf32, #tpu.memory_space<vmem>> -> memref<6272xf32, #tpu.memory_space<vmem>>
      tpu.enqueue_dma source(%dma_start3A_314 : memref<6272xf32, #tpu.memory_space<vmem>>) target(%dma_start3A_312 : memref<6272xf32, #tpu.memory_space<vmem_shared>>) target_semaphore(%run_scoped3A : memref<!tpu.dma_semaphore, #tpu.memory_space<semaphore_mem>>)
      %dma_wait3A_315 = arith.constant 0 : i32
      %dma_wait3A_316 = tpu.memref_slice %arg12[%dma_wait3A_315] : memref<10000xf32, #tpu.memory_space<vmem>> -> memref<6272xf32, #tpu.memory_space<vmem>>
      %dma_wait3A_317 = tpu.memref_slice %arg16[%mul3A_2] : memref<100352xf32, #tpu.memory_space<vmem_shared>> -> memref<6272xf32, #tpu.memory_space<vmem_shared>>
      %dma_wait3A_318 = tpu.memref_slice %arg16[%mul3A_2] : memref<100352xf32, #tpu.memory_space<vmem_shared>> -> memref<6272xf32, #tpu.memory_space<vmem_shared>>
      %dma_wait3A_319 = arith.constant 0 : i32
      %dma_wait3A_320 = tpu.memref_slice %arg12[%dma_wait3A_319] : memref<10000xf32, #tpu.memory_space<vmem>> -> memref<6272xf32, #tpu.memory_space<vmem>>
      tpu.wait_dma2 semaphore(%run_scoped3A : memref<!tpu.dma_semaphore, #tpu.memory_space<semaphore_mem>>) src(%dma_wait3A_320 : memref<6272xf32, #tpu.memory_space<vmem>>) dst(%dma_wait3A_318 : memref<6272xf32, #tpu.memory_space<vmem_shared>>)
      tpu.yield
    }) : () -> ()
    "tpu.region"() ({
      %run_scoped3A = tpu.sem_alloc : memref<!tpu.dma_semaphore, #tpu.memory_space<semaphore_mem>>
      %dma_start3A_309 = arith.constant 0 : i32
      %dma_start3A_310 = tpu.memref_slice %arg12[%dma_start3A_309] : memref<10000xf32, #tpu.memory_space<vmem>> -> memref<6272xf32, #tpu.memory_space<vmem>>
      %dma_start3A_311 = tpu.memref_slice %arg17[%mul3A_2] : memref<100352xf32, #tpu.memory_space<vmem_shared>> -> memref<6272xf32, #tpu.memory_space<vmem_shared>>
      %dma_start3A_312 = tpu.memref_slice %arg17[%mul3A_2] : memref<100352xf32, #tpu.memory_space<vmem_shared>> -> memref<6272xf32, #tpu.memory_space<vmem_shared>>
      %dma_start3A_313 = arith.constant 0 : i32
      %dma_start3A_314 = tpu.memref_slice %arg12[%dma_start3A_313] : memref<10000xf32, #tpu.memory_space<vmem>> -> memref<6272xf32, #tpu.memory_space<vmem>>
      tpu.enqueue_dma source(%dma_start3A_314 : memref<6272xf32, #tpu.memory_space<vmem>>) target(%dma_start3A_312 : memref<6272xf32, #tpu.memory_space<vmem_shared>>) target_semaphore(%run_scoped3A : memref<!tpu.dma_semaphore, #tpu.memory_space<semaphore_mem>>)
      %dma_wait3A_315 = arith.constant 0 : i32
      %dma_wait3A_316 = tpu.memref_slice %arg12[%dma_wait3A_315] : memref<10000xf32, #tpu.memory_space<vmem>> -> memref<6272xf32, #tpu.memory_space<vmem>>
      %dma_wait3A_317 = tpu.memref_slice %arg17[%mul3A_2] : memref<100352xf32, #tpu.memory_space<vmem_shared>> -> memref<6272xf32, #tpu.memory_space<vmem_shared>>
      %dma_wait3A_318 = tpu.memref_slice %arg17[%mul3A_2] : memref<100352xf32, #tpu.memory_space<vmem_shared>> -> memref<6272xf32, #tpu.memory_space<vmem_shared>>
      %dma_wait3A_319 = arith.constant 0 : i32
      %dma_wait3A_320 = tpu.memref_slice %arg12[%dma_wait3A_319] : memref<10000xf32, #tpu.memory_space<vmem>> -> memref<6272xf32, #tpu.memory_space<vmem>>
      tpu.wait_dma2 semaphore(%run_scoped3A : memref<!tpu.dma_semaphore, #tpu.memory_space<semaphore_mem>>) src(%dma_wait3A_320 : memref<6272xf32, #tpu.memory_space<vmem>>) dst(%dma_wait3A_318 : memref<6272xf32, #tpu.memory_space<vmem_shared>>)
      tpu.yield
    }) : () -> ()
    "tpu.region"() ({
      %run_scoped3A = tpu.sem_alloc : memref<!tpu.dma_semaphore, #tpu.memory_space<semaphore_mem>>
      %dma_start3A_309 = tpu.memref_slice %arg18[%mul3A_2] : memref<100352xf32, #tpu.memory_space<vmem_shared>> -> memref<6272xf32, #tpu.memory_space<vmem_shared>>
      %dma_start3A_310 = tpu.memref_slice %arg4[%mul3A_2] : memref<100352xf32, #tpu.memory_space<hbm>> -> memref<6272xf32, #tpu.memory_space<hbm>>
      tpu.enqueue_dma source(%dma_start3A_310 : memref<6272xf32, #tpu.memory_space<hbm>>) target(%dma_start3A_309 : memref<6272xf32, #tpu.memory_space<vmem_shared>>) target_semaphore(%run_scoped3A : memref<!tpu.dma_semaphore, #tpu.memory_space<semaphore_mem>>)
      %dma_wait3A_311 = tpu.memref_slice %arg18[%mul3A_2] : memref<100352xf32, #tpu.memory_space<vmem_shared>> -> memref<6272xf32, #tpu.memory_space<vmem_shared>>
      %dma_wait3A_312 = tpu.memref_slice %arg4[%mul3A_2] : memref<100352xf32, #tpu.memory_space<hbm>> -> memref<6272xf32, #tpu.memory_space<hbm>>
      tpu.wait_dma2 semaphore(%run_scoped3A : memref<!tpu.dma_semaphore, #tpu.memory_space<semaphore_mem>>) src(%dma_wait3A_312 : memref<6272xf32, #tpu.memory_space<hbm>>) dst(%dma_wait3A_311 : memref<6272xf32, #tpu.memory_space<vmem_shared>>)
      tpu.yield
    }) : () -> ()
    "tpu.region"() ({
      %run_scoped3A = tpu.sem_alloc : memref<!tpu.dma_semaphore, #tpu.memory_space<semaphore_mem>>
      %dma_start3A_309 = tpu.memref_slice %arg19[%mul3A_2] : memref<100352xf32, #tpu.memory_space<vmem_shared>> -> memref<6272xf32, #tpu.memory_space<vmem_shared>>
      %dma_start3A_310 = tpu.memref_slice %arg5[%mul3A_2] : memref<100352xf32, #tpu.memory_space<hbm>> -> memref<6272xf32, #tpu.memory_space<hbm>>
      tpu.enqueue_dma source(%dma_start3A_310 : memref<6272xf32, #tpu.memory_space<hbm>>) target(%dma_start3A_309 : memref<6272xf32, #tpu.memory_space<vmem_shared>>) target_semaphore(%run_scoped3A : memref<!tpu.dma_semaphore, #tpu.memory_space<semaphore_mem>>)
      %dma_wait3A_311 = tpu.memref_slice %arg19[%mul3A_2] : memref<100352xf32, #tpu.memory_space<vmem_shared>> -> memref<6272xf32, #tpu.memory_space<vmem_shared>>
      %dma_wait3A_312 = tpu.memref_slice %arg5[%mul3A_2] : memref<100352xf32, #tpu.memory_space<hbm>> -> memref<6272xf32, #tpu.memory_space<hbm>>
      tpu.wait_dma2 semaphore(%run_scoped3A : memref<!tpu.dma_semaphore, #tpu.memory_space<semaphore_mem>>) src(%dma_wait3A_312 : memref<6272xf32, #tpu.memory_space<hbm>>) dst(%dma_wait3A_311 : memref<6272xf32, #tpu.memory_space<vmem_shared>>)
      tpu.yield
    }) : () -> ()
    %barrier3A = arith.constant 0 : index
    tpu.barrier barrier_id(%barrier3A)
    %add3A_10 = arith.constant 0 : i32
    %add3A_11 = arith.addi %add3A, %add3A_10 : i32
    %mul3A_12 = arith.constant 10000 : i32
    %mul3A_13 = arith.muli %add3A_11, %mul3A_12 : i32
    %dma_start3A = tpu.memref_slice %arg2[%mul3A_13] : memref<3200000xi32, #tpu.memory_space<hbm>> -> memref<10000xi32, #tpu.memory_space<hbm>>
    %dma_start3A_14 = tpu.memref_slice %arg2[%mul3A_13] : memref<3200000xi32, #tpu.memory_space<hbm>> -> memref<10000xi32, #tpu.memory_space<hbm>>
    tpu.enqueue_dma source(%dma_start3A_14 : memref<10000xi32, #tpu.memory_space<hbm>>) target(%arg8 : memref<10000xi32, #tpu.memory_space<vmem>>) target_semaphore(%arg20 : memref<!tpu.dma_semaphore, #tpu.memory_space<semaphore_mem>>)
    %mul3A_15 = arith.constant 10000 : i32
    %mul3A_16 = arith.muli %add3A_11, %mul3A_15 : i32
    %dma_start3A_17 = tpu.memref_slice %arg3[%mul3A_16] : memref<3200000xi32, #tpu.memory_space<hbm>> -> memref<10000xi32, #tpu.memory_space<hbm>>
    %dma_start3A_18 = tpu.memref_slice %arg3[%mul3A_16] : memref<3200000xi32, #tpu.memory_space<hbm>> -> memref<10000xi32, #tpu.memory_space<hbm>>
    tpu.enqueue_dma source(%dma_start3A_18 : memref<10000xi32, #tpu.memory_space<hbm>>) target(%arg10 : memref<10000xi32, #tpu.memory_space<vmem>>) target_semaphore(%arg20 : memref<!tpu.dma_semaphore, #tpu.memory_space<semaphore_mem>>)
    %dma_wait3A = tpu.memref_slice %arg2[%mul3A_13] : memref<3200000xi32, #tpu.memory_space<hbm>> -> memref<10000xi32, #tpu.memory_space<hbm>>
    %dma_wait3A_19 = tpu.memref_slice %arg2[%mul3A_13] : memref<3200000xi32, #tpu.memory_space<hbm>> -> memref<10000xi32, #tpu.memory_space<hbm>>
    tpu.wait_dma2 semaphore(%arg20 : memref<!tpu.dma_semaphore, #tpu.memory_space<semaphore_mem>>) src(%dma_wait3A_19 : memref<10000xi32, #tpu.memory_space<hbm>>) dst(%arg8 : memref<10000xi32, #tpu.memory_space<vmem>>)
    %dma_wait3A_20 = tpu.memref_slice %arg3[%mul3A_16] : memref<3200000xi32, #tpu.memory_space<hbm>> -> memref<10000xi32, #tpu.memory_space<hbm>>
    %dma_wait3A_21 = tpu.memref_slice %arg3[%mul3A_16] : memref<3200000xi32, #tpu.memory_space<hbm>> -> memref<10000xi32, #tpu.memory_space<hbm>>
    tpu.wait_dma2 semaphore(%arg20 : memref<!tpu.dma_semaphore, #tpu.memory_space<semaphore_mem>>) src(%dma_wait3A_21 : memref<10000xi32, #tpu.memory_space<hbm>>) dst(%arg10 : memref<10000xi32, #tpu.memory_space<vmem>>)
    %dma_start3A_22 = arith.constant 0 : i32
    %dma_start3A_23 = tpu.memref_slice %arg18[%dma_start3A_22] : memref<100352xf32, #tpu.memory_space<vmem_shared>> -> memref<100352xf32, #tpu.memory_space<vmem_shared>>
    tpu.enqueue_indirect_dma source(%dma_start3A_23 : memref<100352xf32, #tpu.memory_space<vmem_shared>>) target(%arg12 : memref<10000xf32, #tpu.memory_space<vmem>>) offsets(%arg8 : memref<10000xi32, #tpu.memory_space<vmem>>) semaphore(%arg22 : memref<!tpu.dma_semaphore, #tpu.memory_space<semaphore_mem>>)
    %dma_start3A_24 = arith.constant 0 : i32
    %dma_start3A_25 = tpu.memref_slice %arg19[%dma_start3A_24] : memref<100352xf32, #tpu.memory_space<vmem_shared>> -> memref<100352xf32, #tpu.memory_space<vmem_shared>>
    tpu.enqueue_indirect_dma source(%dma_start3A_25 : memref<100352xf32, #tpu.memory_space<vmem_shared>>) target(%arg14 : memref<10000xf32, #tpu.memory_space<vmem>>) offsets(%arg8 : memref<10000xi32, #tpu.memory_space<vmem>>) semaphore(%arg24 : memref<!tpu.dma_semaphore, #tpu.memory_space<semaphore_mem>>)
    %add3A_26 = arith.constant 32 : i32
    %add3A_27 = arith.addi %add3A, %add3A_26 : i32
    %mul3A_28 = arith.constant 10000 : i32
    %mul3A_29 = arith.muli %add3A_27, %mul3A_28 : i32
    %dma_start3A_30 = tpu.memref_slice %arg2[%mul3A_29] : memref<3200000xi32, #tpu.memory_space<hbm>> -> memref<10000xi32, #tpu.memory_space<hbm>>
    %dma_start3A_31 = tpu.memref_slice %arg2[%mul3A_29] : memref<3200000xi32, #tpu.memory_space<hbm>> -> memref<10000xi32, #tpu.memory_space<hbm>>
    tpu.enqueue_dma source(%dma_start3A_31 : memref<10000xi32, #tpu.memory_space<hbm>>) target(%arg9 : memref<10000xi32, #tpu.memory_space<vmem>>) target_semaphore(%arg21 : memref<!tpu.dma_semaphore, #tpu.memory_space<semaphore_mem>>)
    %mul3A_32 = arith.constant 10000 : i32
    %mul3A_33 = arith.muli %add3A_27, %mul3A_32 : i32
    %dma_start3A_34 = tpu.memref_slice %arg3[%mul3A_33] : memref<3200000xi32, #tpu.memory_space<hbm>> -> memref<10000xi32, #tpu.memory_space<hbm>>
    %dma_start3A_35 = tpu.memref_slice %arg3[%mul3A_33] : memref<3200000xi32, #tpu.memory_space<hbm>> -> memref<10000xi32, #tpu.memory_space<hbm>>
    tpu.enqueue_dma source(%dma_start3A_35 : memref<10000xi32, #tpu.memory_space<hbm>>) target(%arg11 : memref<10000xi32, #tpu.memory_space<vmem>>) target_semaphore(%arg21 : memref<!tpu.dma_semaphore, #tpu.memory_space<semaphore_mem>>)
    %dma_wait3A_36 = arith.constant 0 : i32
    %dma_wait3A_37 = tpu.memref_slice %arg18[%dma_wait3A_36] : memref<100352xf32, #tpu.memory_space<vmem_shared>> -> memref<100352xf32, #tpu.memory_space<vmem_shared>>
    tpu.wait_indirect_dma semaphore(%arg22 : memref<!tpu.dma_semaphore, #tpu.memory_space<semaphore_mem>>) src(%dma_wait3A_37 : memref<100352xf32, #tpu.memory_space<vmem_shared>>) dst(%arg12 : memref<10000xf32, #tpu.memory_space<vmem>>)
    %dma_start3A_38 = arith.constant 0 : i32
    %dma_start3A_39 = tpu.memref_slice %arg16[%dma_start3A_38] : memref<100352xf32, #tpu.memory_space<vmem_shared>> -> memref<100352xf32, #tpu.memory_space<vmem_shared>>
    tpu.enqueue_indirect_dma source(%arg12 : memref<10000xf32, #tpu.memory_space<vmem>>) target(%dma_start3A_39 : memref<100352xf32, #tpu.memory_space<vmem_shared>>) offsets(%arg10 : memref<10000xi32, #tpu.memory_space<vmem>>) semaphore(%arg26 : memref<!tpu.dma_semaphore, #tpu.memory_space<semaphore_mem>>) {add = true}
    %dma_wait3A_40 = arith.constant 0 : i32
    %dma_wait3A_41 = tpu.memref_slice %arg19[%dma_wait3A_40] : memref<100352xf32, #tpu.memory_space<vmem_shared>> -> memref<100352xf32, #tpu.memory_space<vmem_shared>>
    tpu.wait_indirect_dma semaphore(%arg24 : memref<!tpu.dma_semaphore, #tpu.memory_space<semaphore_mem>>) src(%dma_wait3A_41 : memref<100352xf32, #tpu.memory_space<vmem_shared>>) dst(%arg14 : memref<10000xf32, #tpu.memory_space<vmem>>)
    %dma_start3A_42 = arith.constant 0 : i32
    %dma_start3A_43 = tpu.memref_slice %arg17[%dma_start3A_42] : memref<100352xf32, #tpu.memory_space<vmem_shared>> -> memref<100352xf32, #tpu.memory_space<vmem_shared>>
    tpu.enqueue_indirect_dma source(%arg14 : memref<10000xf32, #tpu.memory_space<vmem>>) target(%dma_start3A_43 : memref<100352xf32, #tpu.memory_space<vmem_shared>>) offsets(%arg10 : memref<10000xi32, #tpu.memory_space<vmem>>) semaphore(%arg28 : memref<!tpu.dma_semaphore, #tpu.memory_space<semaphore_mem>>) {add = true}
    %dma_wait3A_44 = tpu.memref_slice %arg2[%mul3A_29] : memref<3200000xi32, #tpu.memory_space<hbm>> -> memref<10000xi32, #tpu.memory_space<hbm>>
    %dma_wait3A_45 = tpu.memref_slice %arg2[%mul3A_29] : memref<3200000xi32, #tpu.memory_space<hbm>> -> memref<10000xi32, #tpu.memory_space<hbm>>
    tpu.wait_dma2 semaphore(%arg21 : memref<!tpu.dma_semaphore, #tpu.memory_space<semaphore_mem>>) src(%dma_wait3A_45 : memref<10000xi32, #tpu.memory_space<hbm>>) dst(%arg9 : memref<10000xi32, #tpu.memory_space<vmem>>)
    %dma_wait3A_46 = tpu.memref_slice %arg3[%mul3A_33] : memref<3200000xi32, #tpu.memory_space<hbm>> -> memref<10000xi32, #tpu.memory_space<hbm>>
    %dma_wait3A_47 = tpu.memref_slice %arg3[%mul3A_33] : memref<3200000xi32, #tpu.memory_space<hbm>> -> memref<10000xi32, #tpu.memory_space<hbm>>
    tpu.wait_dma2 semaphore(%arg21 : memref<!tpu.dma_semaphore, #tpu.memory_space<semaphore_mem>>) src(%dma_wait3A_47 : memref<10000xi32, #tpu.memory_space<hbm>>) dst(%arg11 : memref<10000xi32, #tpu.memory_space<vmem>>)
    %dma_start3A_48 = arith.constant 0 : i32
    %dma_start3A_49 = tpu.memref_slice %arg18[%dma_start3A_48] : memref<100352xf32, #tpu.memory_space<vmem_shared>> -> memref<100352xf32, #tpu.memory_space<vmem_shared>>
    tpu.enqueue_indirect_dma source(%dma_start3A_49 : memref<100352xf32, #tpu.memory_space<vmem_shared>>) target(%arg13 : memref<10000xf32, #tpu.memory_space<vmem>>) offsets(%arg9 : memref<10000xi32, #tpu.memory_space<vmem>>) semaphore(%arg23 : memref<!tpu.dma_semaphore, #tpu.memory_space<semaphore_mem>>)
    %dma_start3A_50 = arith.constant 0 : i32
    %dma_start3A_51 = tpu.memref_slice %arg19[%dma_start3A_50] : memref<100352xf32, #tpu.memory_space<vmem_shared>> -> memref<100352xf32, #tpu.memory_space<vmem_shared>>
    tpu.enqueue_indirect_dma source(%dma_start3A_51 : memref<100352xf32, #tpu.memory_space<vmem_shared>>) target(%arg15 : memref<10000xf32, #tpu.memory_space<vmem>>) offsets(%arg9 : memref<10000xi32, #tpu.memory_space<vmem>>) semaphore(%arg25 : memref<!tpu.dma_semaphore, #tpu.memory_space<semaphore_mem>>)
    %dma_wait3A_52 = arith.constant 0 : i32
    %dma_wait3A_53 = tpu.memref_slice %arg16[%dma_wait3A_52] : memref<100352xf32, #tpu.memory_space<vmem_shared>> -> memref<100352xf32, #tpu.memory_space<vmem_shared>>
    tpu.wait_indirect_dma semaphore(%arg26 : memref<!tpu.dma_semaphore, #tpu.memory_space<semaphore_mem>>) src(%arg12 : memref<10000xf32, #tpu.memory_space<vmem>>) dst(%dma_wait3A_53 : memref<100352xf32, #tpu.memory_space<vmem_shared>>)
    %dma_wait3A_54 = arith.constant 0 : i32
    %dma_wait3A_55 = tpu.memref_slice %arg17[%dma_wait3A_54] : memref<100352xf32, #tpu.memory_space<vmem_shared>> -> memref<100352xf32, #tpu.memory_space<vmem_shared>>
    tpu.wait_indirect_dma semaphore(%arg28 : memref<!tpu.dma_semaphore, #tpu.memory_space<semaphore_mem>>) src(%arg14 : memref<10000xf32, #tpu.memory_space<vmem>>) dst(%dma_wait3A_55 : memref<100352xf32, #tpu.memory_space<vmem_shared>>)
    %add3A_56 = arith.constant 64 : i32
    %add3A_57 = arith.addi %add3A, %add3A_56 : i32
    %mul3A_58 = arith.constant 10000 : i32
    %mul3A_59 = arith.muli %add3A_57, %mul3A_58 : i32
    %dma_start3A_60 = tpu.memref_slice %arg2[%mul3A_59] : memref<3200000xi32, #tpu.memory_space<hbm>> -> memref<10000xi32, #tpu.memory_space<hbm>>
    %dma_start3A_61 = tpu.memref_slice %arg2[%mul3A_59] : memref<3200000xi32, #tpu.memory_space<hbm>> -> memref<10000xi32, #tpu.memory_space<hbm>>
    tpu.enqueue_dma source(%dma_start3A_61 : memref<10000xi32, #tpu.memory_space<hbm>>) target(%arg8 : memref<10000xi32, #tpu.memory_space<vmem>>) target_semaphore(%arg20 : memref<!tpu.dma_semaphore, #tpu.memory_space<semaphore_mem>>)
    %mul3A_62 = arith.constant 10000 : i32
    %mul3A_63 = arith.muli %add3A_57, %mul3A_62 : i32
    %dma_start3A_64 = tpu.memref_slice %arg3[%mul3A_63] : memref<3200000xi32, #tpu.memory_space<hbm>> -> memref<10000xi32, #tpu.memory_space<hbm>>
    %dma_start3A_65 = tpu.memref_slice %arg3[%mul3A_63] : memref<3200000xi32, #tpu.memory_space<hbm>> -> memref<10000xi32, #tpu.memory_space<hbm>>
    tpu.enqueue_dma source(%dma_start3A_65 : memref<10000xi32, #tpu.memory_space<hbm>>) target(%arg10 : memref<10000xi32, #tpu.memory_space<vmem>>) target_semaphore(%arg20 : memref<!tpu.dma_semaphore, #tpu.memory_space<semaphore_mem>>)
    %dma_wait3A_66 = arith.constant 0 : i32
    %dma_wait3A_67 = tpu.memref_slice %arg18[%dma_wait3A_66] : memref<100352xf32, #tpu.memory_space<vmem_shared>> -> memref<100352xf32, #tpu.memory_space<vmem_shared>>
    tpu.wait_indirect_dma semaphore(%arg23 : memref<!tpu.dma_semaphore, #tpu.memory_space<semaphore_mem>>) src(%dma_wait3A_67 : memref<100352xf32, #tpu.memory_space<vmem_shared>>) dst(%arg13 : memref<10000xf32, #tpu.memory_space<vmem>>)
    %dma_start3A_68 = arith.constant 0 : i32
    %dma_start3A_69 = tpu.memref_slice %arg16[%dma_start3A_68] : memref<100352xf32, #tpu.memory_space<vmem_shared>> -> memref<100352xf32, #tpu.memory_space<vmem_shared>>
    tpu.enqueue_indirect_dma source(%arg13 : memref<10000xf32, #tpu.memory_space<vmem>>) target(%dma_start3A_69 : memref<100352xf32, #tpu.memory_space<vmem_shared>>) offsets(%arg11 : memref<10000xi32, #tpu.memory_space<vmem>>) semaphore(%arg27 : memref<!tpu.dma_semaphore, #tpu.memory_space<semaphore_mem>>) {add = true}
    %dma_wait3A_70 = arith.constant 0 : i32
    %dma_wait3A_71 = tpu.memref_slice %arg19[%dma_wait3A_70] : memref<100352xf32, #tpu.memory_space<vmem_shared>> -> memref<100352xf32, #tpu.memory_space<vmem_shared>>
    tpu.wait_indirect_dma semaphore(%arg25 : memref<!tpu.dma_semaphore, #tpu.memory_space<semaphore_mem>>) src(%dma_wait3A_71 : memref<100352xf32, #tpu.memory_space<vmem_shared>>) dst(%arg15 : memref<10000xf32, #tpu.memory_space<vmem>>)
    %dma_start3A_72 = arith.constant 0 : i32
    %dma_start3A_73 = tpu.memref_slice %arg17[%dma_start3A_72] : memref<100352xf32, #tpu.memory_space<vmem_shared>> -> memref<100352xf32, #tpu.memory_space<vmem_shared>>
    tpu.enqueue_indirect_dma source(%arg15 : memref<10000xf32, #tpu.memory_space<vmem>>) target(%dma_start3A_73 : memref<100352xf32, #tpu.memory_space<vmem_shared>>) offsets(%arg11 : memref<10000xi32, #tpu.memory_space<vmem>>) semaphore(%arg29 : memref<!tpu.dma_semaphore, #tpu.memory_space<semaphore_mem>>) {add = true}
    %dma_wait3A_74 = tpu.memref_slice %arg2[%mul3A_59] : memref<3200000xi32, #tpu.memory_space<hbm>> -> memref<10000xi32, #tpu.memory_space<hbm>>
    %dma_wait3A_75 = tpu.memref_slice %arg2[%mul3A_59] : memref<3200000xi32, #tpu.memory_space<hbm>> -> memref<10000xi32, #tpu.memory_space<hbm>>
    tpu.wait_dma2 semaphore(%arg20 : memref<!tpu.dma_semaphore, #tpu.memory_space<semaphore_mem>>) src(%dma_wait3A_75 : memref<10000xi32, #tpu.memory_space<hbm>>) dst(%arg8 : memref<10000xi32, #tpu.memory_space<vmem>>)
    %dma_wait3A_76 = tpu.memref_slice %arg3[%mul3A_63] : memref<3200000xi32, #tpu.memory_space<hbm>> -> memref<10000xi32, #tpu.memory_space<hbm>>
    %dma_wait3A_77 = tpu.memref_slice %arg3[%mul3A_63] : memref<3200000xi32, #tpu.memory_space<hbm>> -> memref<10000xi32, #tpu.memory_space<hbm>>
    tpu.wait_dma2 semaphore(%arg20 : memref<!tpu.dma_semaphore, #tpu.memory_space<semaphore_mem>>) src(%dma_wait3A_77 : memref<10000xi32, #tpu.memory_space<hbm>>) dst(%arg10 : memref<10000xi32, #tpu.memory_space<vmem>>)
    %dma_start3A_78 = arith.constant 0 : i32
    %dma_start3A_79 = tpu.memref_slice %arg18[%dma_start3A_78] : memref<100352xf32, #tpu.memory_space<vmem_shared>> -> memref<100352xf32, #tpu.memory_space<vmem_shared>>
    tpu.enqueue_indirect_dma source(%dma_start3A_79 : memref<100352xf32, #tpu.memory_space<vmem_shared>>) target(%arg12 : memref<10000xf32, #tpu.memory_space<vmem>>) offsets(%arg8 : memref<10000xi32, #tpu.memory_space<vmem>>) semaphore(%arg22 : memref<!tpu.dma_semaphore, #tpu.memory_space<semaphore_mem>>)
    %dma_start3A_80 = arith.constant 0 : i32
    %dma_start3A_81 = tpu.memref_slice %arg19[%dma_start3A_80] : memref<100352xf32, #tpu.memory_space<vmem_shared>> -> memref<100352xf32, #tpu.memory_space<vmem_shared>>
    tpu.enqueue_indirect_dma source(%dma_start3A_81 : memref<100352xf32, #tpu.memory_space<vmem_shared>>) target(%arg14 : memref<10000xf32, #tpu.memory_space<vmem>>) offsets(%arg8 : memref<10000xi32, #tpu.memory_space<vmem>>) semaphore(%arg24 : memref<!tpu.dma_semaphore, #tpu.memory_space<semaphore_mem>>)
    %dma_wait3A_82 = arith.constant 0 : i32
    %dma_wait3A_83 = tpu.memref_slice %arg16[%dma_wait3A_82] : memref<100352xf32, #tpu.memory_space<vmem_shared>> -> memref<100352xf32, #tpu.memory_space<vmem_shared>>
    tpu.wait_indirect_dma semaphore(%arg27 : memref<!tpu.dma_semaphore, #tpu.memory_space<semaphore_mem>>) src(%arg13 : memref<10000xf32, #tpu.memory_space<vmem>>) dst(%dma_wait3A_83 : memref<100352xf32, #tpu.memory_space<vmem_shared>>)
    %dma_wait3A_84 = arith.constant 0 : i32
    %dma_wait3A_85 = tpu.memref_slice %arg17[%dma_wait3A_84] : memref<100352xf32, #tpu.memory_space<vmem_shared>> -> memref<100352xf32, #tpu.memory_space<vmem_shared>>
    tpu.wait_indirect_dma semaphore(%arg29 : memref<!tpu.dma_semaphore, #tpu.memory_space<semaphore_mem>>) src(%arg15 : memref<10000xf32, #tpu.memory_space<vmem>>) dst(%dma_wait3A_85 : memref<100352xf32, #tpu.memory_space<vmem_shared>>)
    %add3A_86 = arith.constant 96 : i32
    %add3A_87 = arith.addi %add3A, %add3A_86 : i32
    %mul3A_88 = arith.constant 10000 : i32
    %mul3A_89 = arith.muli %add3A_87, %mul3A_88 : i32
    %dma_start3A_90 = tpu.memref_slice %arg2[%mul3A_89] : memref<3200000xi32, #tpu.memory_space<hbm>> -> memref<10000xi32, #tpu.memory_space<hbm>>
    %dma_start3A_91 = tpu.memref_slice %arg2[%mul3A_89] : memref<3200000xi32, #tpu.memory_space<hbm>> -> memref<10000xi32, #tpu.memory_space<hbm>>
    tpu.enqueue_dma source(%dma_start3A_91 : memref<10000xi32, #tpu.memory_space<hbm>>) target(%arg9 : memref<10000xi32, #tpu.memory_space<vmem>>) target_semaphore(%arg21 : memref<!tpu.dma_semaphore, #tpu.memory_space<semaphore_mem>>)
    %mul3A_92 = arith.constant 10000 : i32
    %mul3A_93 = arith.muli %add3A_87, %mul3A_92 : i32
    %dma_start3A_94 = tpu.memref_slice %arg3[%mul3A_93] : memref<3200000xi32, #tpu.memory_space<hbm>> -> memref<10000xi32, #tpu.memory_space<hbm>>
    %dma_start3A_95 = tpu.memref_slice %arg3[%mul3A_93] : memref<3200000xi32, #tpu.memory_space<hbm>> -> memref<10000xi32, #tpu.memory_space<hbm>>
    tpu.enqueue_dma source(%dma_start3A_95 : memref<10000xi32, #tpu.memory_space<hbm>>) target(%arg11 : memref<10000xi32, #tpu.memory_space<vmem>>) target_semaphore(%arg21 : memref<!tpu.dma_semaphore, #tpu.memory_space<semaphore_mem>>)
    %dma_wait3A_96 = arith.constant 0 : i32
    %dma_wait3A_97 = tpu.memref_slice %arg18[%dma_wait3A_96] : memref<100352xf32, #tpu.memory_space<vmem_shared>> -> memref<100352xf32, #tpu.memory_space<vmem_shared>>
    tpu.wait_indirect_dma semaphore(%arg22 : memref<!tpu.dma_semaphore, #tpu.memory_space<semaphore_mem>>) src(%dma_wait3A_97 : memref<100352xf32, #tpu.memory_space<vmem_shared>>) dst(%arg12 : memref<10000xf32, #tpu.memory_space<vmem>>)
    %dma_start3A_98 = arith.constant 0 : i32
    %dma_start3A_99 = tpu.memref_slice %arg16[%dma_start3A_98] : memref<100352xf32, #tpu.memory_space<vmem_shared>> -> memref<100352xf32, #tpu.memory_space<vmem_shared>>
    tpu.enqueue_indirect_dma source(%arg12 : memref<10000xf32, #tpu.memory_space<vmem>>) target(%dma_start3A_99 : memref<100352xf32, #tpu.memory_space<vmem_shared>>) offsets(%arg10 : memref<10000xi32, #tpu.memory_space<vmem>>) semaphore(%arg26 : memref<!tpu.dma_semaphore, #tpu.memory_space<semaphore_mem>>) {add = true}
    %dma_wait3A_100 = arith.constant 0 : i32
    %dma_wait3A_101 = tpu.memref_slice %arg19[%dma_wait3A_100] : memref<100352xf32, #tpu.memory_space<vmem_shared>> -> memref<100352xf32, #tpu.memory_space<vmem_shared>>
    tpu.wait_indirect_dma semaphore(%arg24 : memref<!tpu.dma_semaphore, #tpu.memory_space<semaphore_mem>>) src(%dma_wait3A_101 : memref<100352xf32, #tpu.memory_space<vmem_shared>>) dst(%arg14 : memref<10000xf32, #tpu.memory_space<vmem>>)
    %dma_start3A_102 = arith.constant 0 : i32
    %dma_start3A_103 = tpu.memref_slice %arg17[%dma_start3A_102] : memref<100352xf32, #tpu.memory_space<vmem_shared>> -> memref<100352xf32, #tpu.memory_space<vmem_shared>>
    tpu.enqueue_indirect_dma source(%arg14 : memref<10000xf32, #tpu.memory_space<vmem>>) target(%dma_start3A_103 : memref<100352xf32, #tpu.memory_space<vmem_shared>>) offsets(%arg10 : memref<10000xi32, #tpu.memory_space<vmem>>) semaphore(%arg28 : memref<!tpu.dma_semaphore, #tpu.memory_space<semaphore_mem>>) {add = true}
    %dma_wait3A_104 = tpu.memref_slice %arg2[%mul3A_89] : memref<3200000xi32, #tpu.memory_space<hbm>> -> memref<10000xi32, #tpu.memory_space<hbm>>
    %dma_wait3A_105 = tpu.memref_slice %arg2[%mul3A_89] : memref<3200000xi32, #tpu.memory_space<hbm>> -> memref<10000xi32, #tpu.memory_space<hbm>>
    tpu.wait_dma2 semaphore(%arg21 : memref<!tpu.dma_semaphore, #tpu.memory_space<semaphore_mem>>) src(%dma_wait3A_105 : memref<10000xi32, #tpu.memory_space<hbm>>) dst(%arg9 : memref<10000xi32, #tpu.memory_space<vmem>>)
    %dma_wait3A_106 = tpu.memref_slice %arg3[%mul3A_93] : memref<3200000xi32, #tpu.memory_space<hbm>> -> memref<10000xi32, #tpu.memory_space<hbm>>
    %dma_wait3A_107 = tpu.memref_slice %arg3[%mul3A_93] : memref<3200000xi32, #tpu.memory_space<hbm>> -> memref<10000xi32, #tpu.memory_space<hbm>>
    tpu.wait_dma2 semaphore(%arg21 : memref<!tpu.dma_semaphore, #tpu.memory_space<semaphore_mem>>) src(%dma_wait3A_107 : memref<10000xi32, #tpu.memory_space<hbm>>) dst(%arg11 : memref<10000xi32, #tpu.memory_space<vmem>>)
    %dma_start3A_108 = arith.constant 0 : i32
    %dma_start3A_109 = tpu.memref_slice %arg18[%dma_start3A_108] : memref<100352xf32, #tpu.memory_space<vmem_shared>> -> memref<100352xf32, #tpu.memory_space<vmem_shared>>
    tpu.enqueue_indirect_dma source(%dma_start3A_109 : memref<100352xf32, #tpu.memory_space<vmem_shared>>) target(%arg13 : memref<10000xf32, #tpu.memory_space<vmem>>) offsets(%arg9 : memref<10000xi32, #tpu.memory_space<vmem>>) semaphore(%arg23 : memref<!tpu.dma_semaphore, #tpu.memory_space<semaphore_mem>>)
    %dma_start3A_110 = arith.constant 0 : i32
    %dma_start3A_111 = tpu.memref_slice %arg19[%dma_start3A_110] : memref<100352xf32, #tpu.memory_space<vmem_shared>> -> memref<100352xf32, #tpu.memory_space<vmem_shared>>
    tpu.enqueue_indirect_dma source(%dma_start3A_111 : memref<100352xf32, #tpu.memory_space<vmem_shared>>) target(%arg15 : memref<10000xf32, #tpu.memory_space<vmem>>) offsets(%arg9 : memref<10000xi32, #tpu.memory_space<vmem>>) semaphore(%arg25 : memref<!tpu.dma_semaphore, #tpu.memory_space<semaphore_mem>>)
    %dma_wait3A_112 = arith.constant 0 : i32
    %dma_wait3A_113 = tpu.memref_slice %arg16[%dma_wait3A_112] : memref<100352xf32, #tpu.memory_space<vmem_shared>> -> memref<100352xf32, #tpu.memory_space<vmem_shared>>
    tpu.wait_indirect_dma semaphore(%arg26 : memref<!tpu.dma_semaphore, #tpu.memory_space<semaphore_mem>>) src(%arg12 : memref<10000xf32, #tpu.memory_space<vmem>>) dst(%dma_wait3A_113 : memref<100352xf32, #tpu.memory_space<vmem_shared>>)
    %dma_wait3A_114 = arith.constant 0 : i32
    %dma_wait3A_115 = tpu.memref_slice %arg17[%dma_wait3A_114] : memref<100352xf32, #tpu.memory_space<vmem_shared>> -> memref<100352xf32, #tpu.memory_space<vmem_shared>>
    tpu.wait_indirect_dma semaphore(%arg28 : memref<!tpu.dma_semaphore, #tpu.memory_space<semaphore_mem>>) src(%arg14 : memref<10000xf32, #tpu.memory_space<vmem>>) dst(%dma_wait3A_115 : memref<100352xf32, #tpu.memory_space<vmem_shared>>)
    %add3A_116 = arith.constant 128 : i32
    %add3A_117 = arith.addi %add3A, %add3A_116 : i32
    %mul3A_118 = arith.constant 10000 : i32
    %mul3A_119 = arith.muli %add3A_117, %mul3A_118 : i32
    %dma_start3A_120 = tpu.memref_slice %arg2[%mul3A_119] : memref<3200000xi32, #tpu.memory_space<hbm>> -> memref<10000xi32, #tpu.memory_space<hbm>>
    %dma_start3A_121 = tpu.memref_slice %arg2[%mul3A_119] : memref<3200000xi32, #tpu.memory_space<hbm>> -> memref<10000xi32, #tpu.memory_space<hbm>>
    tpu.enqueue_dma source(%dma_start3A_121 : memref<10000xi32, #tpu.memory_space<hbm>>) target(%arg8 : memref<10000xi32, #tpu.memory_space<vmem>>) target_semaphore(%arg20 : memref<!tpu.dma_semaphore, #tpu.memory_space<semaphore_mem>>)
    %mul3A_122 = arith.constant 10000 : i32
    %mul3A_123 = arith.muli %add3A_117, %mul3A_122 : i32
    %dma_start3A_124 = tpu.memref_slice %arg3[%mul3A_123] : memref<3200000xi32, #tpu.memory_space<hbm>> -> memref<10000xi32, #tpu.memory_space<hbm>>
    %dma_start3A_125 = tpu.memref_slice %arg3[%mul3A_123] : memref<3200000xi32, #tpu.memory_space<hbm>> -> memref<10000xi32, #tpu.memory_space<hbm>>
    tpu.enqueue_dma source(%dma_start3A_125 : memref<10000xi32, #tpu.memory_space<hbm>>) target(%arg10 : memref<10000xi32, #tpu.memory_space<vmem>>) target_semaphore(%arg20 : memref<!tpu.dma_semaphore, #tpu.memory_space<semaphore_mem>>)
    %dma_wait3A_126 = arith.constant 0 : i32
    %dma_wait3A_127 = tpu.memref_slice %arg18[%dma_wait3A_126] : memref<100352xf32, #tpu.memory_space<vmem_shared>> -> memref<100352xf32, #tpu.memory_space<vmem_shared>>
    tpu.wait_indirect_dma semaphore(%arg23 : memref<!tpu.dma_semaphore, #tpu.memory_space<semaphore_mem>>) src(%dma_wait3A_127 : memref<100352xf32, #tpu.memory_space<vmem_shared>>) dst(%arg13 : memref<10000xf32, #tpu.memory_space<vmem>>)
    %dma_start3A_128 = arith.constant 0 : i32
    %dma_start3A_129 = tpu.memref_slice %arg16[%dma_start3A_128] : memref<100352xf32, #tpu.memory_space<vmem_shared>> -> memref<100352xf32, #tpu.memory_space<vmem_shared>>
    tpu.enqueue_indirect_dma source(%arg13 : memref<10000xf32, #tpu.memory_space<vmem>>) target(%dma_start3A_129 : memref<100352xf32, #tpu.memory_space<vmem_shared>>) offsets(%arg11 : memref<10000xi32, #tpu.memory_space<vmem>>) semaphore(%arg27 : memref<!tpu.dma_semaphore, #tpu.memory_space<semaphore_mem>>) {add = true}
    %dma_wait3A_130 = arith.constant 0 : i32
    %dma_wait3A_131 = tpu.memref_slice %arg19[%dma_wait3A_130] : memref<100352xf32, #tpu.memory_space<vmem_shared>> -> memref<100352xf32, #tpu.memory_space<vmem_shared>>
    tpu.wait_indirect_dma semaphore(%arg25 : memref<!tpu.dma_semaphore, #tpu.memory_space<semaphore_mem>>) src(%dma_wait3A_131 : memref<100352xf32, #tpu.memory_space<vmem_shared>>) dst(%arg15 : memref<10000xf32, #tpu.memory_space<vmem>>)
    %dma_start3A_132 = arith.constant 0 : i32
    %dma_start3A_133 = tpu.memref_slice %arg17[%dma_start3A_132] : memref<100352xf32, #tpu.memory_space<vmem_shared>> -> memref<100352xf32, #tpu.memory_space<vmem_shared>>
    tpu.enqueue_indirect_dma source(%arg15 : memref<10000xf32, #tpu.memory_space<vmem>>) target(%dma_start3A_133 : memref<100352xf32, #tpu.memory_space<vmem_shared>>) offsets(%arg11 : memref<10000xi32, #tpu.memory_space<vmem>>) semaphore(%arg29 : memref<!tpu.dma_semaphore, #tpu.memory_space<semaphore_mem>>) {add = true}
    %dma_wait3A_134 = tpu.memref_slice %arg2[%mul3A_119] : memref<3200000xi32, #tpu.memory_space<hbm>> -> memref<10000xi32, #tpu.memory_space<hbm>>
    %dma_wait3A_135 = tpu.memref_slice %arg2[%mul3A_119] : memref<3200000xi32, #tpu.memory_space<hbm>> -> memref<10000xi32, #tpu.memory_space<hbm>>
    tpu.wait_dma2 semaphore(%arg20 : memref<!tpu.dma_semaphore, #tpu.memory_space<semaphore_mem>>) src(%dma_wait3A_135 : memref<10000xi32, #tpu.memory_space<hbm>>) dst(%arg8 : memref<10000xi32, #tpu.memory_space<vmem>>)
    %dma_wait3A_136 = tpu.memref_slice %arg3[%mul3A_123] : memref<3200000xi32, #tpu.memory_space<hbm>> -> memref<10000xi32, #tpu.memory_space<hbm>>
    %dma_wait3A_137 = tpu.memref_slice %arg3[%mul3A_123] : memref<3200000xi32, #tpu.memory_space<hbm>> -> memref<10000xi32, #tpu.memory_space<hbm>>
    tpu.wait_dma2 semaphore(%arg20 : memref<!tpu.dma_semaphore, #tpu.memory_space<semaphore_mem>>) src(%dma_wait3A_137 : memref<10000xi32, #tpu.memory_space<hbm>>) dst(%arg10 : memref<10000xi32, #tpu.memory_space<vmem>>)
    %dma_start3A_138 = arith.constant 0 : i32
    %dma_start3A_139 = tpu.memref_slice %arg18[%dma_start3A_138] : memref<100352xf32, #tpu.memory_space<vmem_shared>> -> memref<100352xf32, #tpu.memory_space<vmem_shared>>
    tpu.enqueue_indirect_dma source(%dma_start3A_139 : memref<100352xf32, #tpu.memory_space<vmem_shared>>) target(%arg12 : memref<10000xf32, #tpu.memory_space<vmem>>) offsets(%arg8 : memref<10000xi32, #tpu.memory_space<vmem>>) semaphore(%arg22 : memref<!tpu.dma_semaphore, #tpu.memory_space<semaphore_mem>>)
    %dma_start3A_140 = arith.constant 0 : i32
    %dma_start3A_141 = tpu.memref_slice %arg19[%dma_start3A_140] : memref<100352xf32, #tpu.memory_space<vmem_shared>> -> memref<100352xf32, #tpu.memory_space<vmem_shared>>
    tpu.enqueue_indirect_dma source(%dma_start3A_141 : memref<100352xf32, #tpu.memory_space<vmem_shared>>) target(%arg14 : memref<10000xf32, #tpu.memory_space<vmem>>) offsets(%arg8 : memref<10000xi32, #tpu.memory_space<vmem>>) semaphore(%arg24 : memref<!tpu.dma_semaphore, #tpu.memory_space<semaphore_mem>>)
    %dma_wait3A_142 = arith.constant 0 : i32
    %dma_wait3A_143 = tpu.memref_slice %arg16[%dma_wait3A_142] : memref<100352xf32, #tpu.memory_space<vmem_shared>> -> memref<100352xf32, #tpu.memory_space<vmem_shared>>
    tpu.wait_indirect_dma semaphore(%arg27 : memref<!tpu.dma_semaphore, #tpu.memory_space<semaphore_mem>>) src(%arg13 : memref<10000xf32, #tpu.memory_space<vmem>>) dst(%dma_wait3A_143 : memref<100352xf32, #tpu.memory_space<vmem_shared>>)
    %dma_wait3A_144 = arith.constant 0 : i32
    %dma_wait3A_145 = tpu.memref_slice %arg17[%dma_wait3A_144] : memref<100352xf32, #tpu.memory_space<vmem_shared>> -> memref<100352xf32, #tpu.memory_space<vmem_shared>>
    tpu.wait_indirect_dma semaphore(%arg29 : memref<!tpu.dma_semaphore, #tpu.memory_space<semaphore_mem>>) src(%arg15 : memref<10000xf32, #tpu.memory_space<vmem>>) dst(%dma_wait3A_145 : memref<100352xf32, #tpu.memory_space<vmem_shared>>)
    %add3A_146 = arith.constant 160 : i32
    %add3A_147 = arith.addi %add3A, %add3A_146 : i32
    %mul3A_148 = arith.constant 10000 : i32
    %mul3A_149 = arith.muli %add3A_147, %mul3A_148 : i32
    %dma_start3A_150 = tpu.memref_slice %arg2[%mul3A_149] : memref<3200000xi32, #tpu.memory_space<hbm>> -> memref<10000xi32, #tpu.memory_space<hbm>>
    %dma_start3A_151 = tpu.memref_slice %arg2[%mul3A_149] : memref<3200000xi32, #tpu.memory_space<hbm>> -> memref<10000xi32, #tpu.memory_space<hbm>>
    tpu.enqueue_dma source(%dma_start3A_151 : memref<10000xi32, #tpu.memory_space<hbm>>) target(%arg9 : memref<10000xi32, #tpu.memory_space<vmem>>) target_semaphore(%arg21 : memref<!tpu.dma_semaphore, #tpu.memory_space<semaphore_mem>>)
    %mul3A_152 = arith.constant 10000 : i32
    %mul3A_153 = arith.muli %add3A_147, %mul3A_152 : i32
    %dma_start3A_154 = tpu.memref_slice %arg3[%mul3A_153] : memref<3200000xi32, #tpu.memory_space<hbm>> -> memref<10000xi32, #tpu.memory_space<hbm>>
    %dma_start3A_155 = tpu.memref_slice %arg3[%mul3A_153] : memref<3200000xi32, #tpu.memory_space<hbm>> -> memref<10000xi32, #tpu.memory_space<hbm>>
    tpu.enqueue_dma source(%dma_start3A_155 : memref<10000xi32, #tpu.memory_space<hbm>>) target(%arg11 : memref<10000xi32, #tpu.memory_space<vmem>>) target_semaphore(%arg21 : memref<!tpu.dma_semaphore, #tpu.memory_space<semaphore_mem>>)
    %dma_wait3A_156 = arith.constant 0 : i32
    %dma_wait3A_157 = tpu.memref_slice %arg18[%dma_wait3A_156] : memref<100352xf32, #tpu.memory_space<vmem_shared>> -> memref<100352xf32, #tpu.memory_space<vmem_shared>>
    tpu.wait_indirect_dma semaphore(%arg22 : memref<!tpu.dma_semaphore, #tpu.memory_space<semaphore_mem>>) src(%dma_wait3A_157 : memref<100352xf32, #tpu.memory_space<vmem_shared>>) dst(%arg12 : memref<10000xf32, #tpu.memory_space<vmem>>)
    %dma_start3A_158 = arith.constant 0 : i32
    %dma_start3A_159 = tpu.memref_slice %arg16[%dma_start3A_158] : memref<100352xf32, #tpu.memory_space<vmem_shared>> -> memref<100352xf32, #tpu.memory_space<vmem_shared>>
    tpu.enqueue_indirect_dma source(%arg12 : memref<10000xf32, #tpu.memory_space<vmem>>) target(%dma_start3A_159 : memref<100352xf32, #tpu.memory_space<vmem_shared>>) offsets(%arg10 : memref<10000xi32, #tpu.memory_space<vmem>>) semaphore(%arg26 : memref<!tpu.dma_semaphore, #tpu.memory_space<semaphore_mem>>) {add = true}
    %dma_wait3A_160 = arith.constant 0 : i32
    %dma_wait3A_161 = tpu.memref_slice %arg19[%dma_wait3A_160] : memref<100352xf32, #tpu.memory_space<vmem_shared>> -> memref<100352xf32, #tpu.memory_space<vmem_shared>>
    tpu.wait_indirect_dma semaphore(%arg24 : memref<!tpu.dma_semaphore, #tpu.memory_space<semaphore_mem>>) src(%dma_wait3A_161 : memref<100352xf32, #tpu.memory_space<vmem_shared>>) dst(%arg14 : memref<10000xf32, #tpu.memory_space<vmem>>)
    %dma_start3A_162 = arith.constant 0 : i32
    %dma_start3A_163 = tpu.memref_slice %arg17[%dma_start3A_162] : memref<100352xf32, #tpu.memory_space<vmem_shared>> -> memref<100352xf32, #tpu.memory_space<vmem_shared>>
    tpu.enqueue_indirect_dma source(%arg14 : memref<10000xf32, #tpu.memory_space<vmem>>) target(%dma_start3A_163 : memref<100352xf32, #tpu.memory_space<vmem_shared>>) offsets(%arg10 : memref<10000xi32, #tpu.memory_space<vmem>>) semaphore(%arg28 : memref<!tpu.dma_semaphore, #tpu.memory_space<semaphore_mem>>) {add = true}
    %dma_wait3A_164 = tpu.memref_slice %arg2[%mul3A_149] : memref<3200000xi32, #tpu.memory_space<hbm>> -> memref<10000xi32, #tpu.memory_space<hbm>>
    %dma_wait3A_165 = tpu.memref_slice %arg2[%mul3A_149] : memref<3200000xi32, #tpu.memory_space<hbm>> -> memref<10000xi32, #tpu.memory_space<hbm>>
    tpu.wait_dma2 semaphore(%arg21 : memref<!tpu.dma_semaphore, #tpu.memory_space<semaphore_mem>>) src(%dma_wait3A_165 : memref<10000xi32, #tpu.memory_space<hbm>>) dst(%arg9 : memref<10000xi32, #tpu.memory_space<vmem>>)
    %dma_wait3A_166 = tpu.memref_slice %arg3[%mul3A_153] : memref<3200000xi32, #tpu.memory_space<hbm>> -> memref<10000xi32, #tpu.memory_space<hbm>>
    %dma_wait3A_167 = tpu.memref_slice %arg3[%mul3A_153] : memref<3200000xi32, #tpu.memory_space<hbm>> -> memref<10000xi32, #tpu.memory_space<hbm>>
    tpu.wait_dma2 semaphore(%arg21 : memref<!tpu.dma_semaphore, #tpu.memory_space<semaphore_mem>>) src(%dma_wait3A_167 : memref<10000xi32, #tpu.memory_space<hbm>>) dst(%arg11 : memref<10000xi32, #tpu.memory_space<vmem>>)
    %dma_start3A_168 = arith.constant 0 : i32
    %dma_start3A_169 = tpu.memref_slice %arg18[%dma_start3A_168] : memref<100352xf32, #tpu.memory_space<vmem_shared>> -> memref<100352xf32, #tpu.memory_space<vmem_shared>>
    tpu.enqueue_indirect_dma source(%dma_start3A_169 : memref<100352xf32, #tpu.memory_space<vmem_shared>>) target(%arg13 : memref<10000xf32, #tpu.memory_space<vmem>>) offsets(%arg9 : memref<10000xi32, #tpu.memory_space<vmem>>) semaphore(%arg23 : memref<!tpu.dma_semaphore, #tpu.memory_space<semaphore_mem>>)
    %dma_start3A_170 = arith.constant 0 : i32
    %dma_start3A_171 = tpu.memref_slice %arg19[%dma_start3A_170] : memref<100352xf32, #tpu.memory_space<vmem_shared>> -> memref<100352xf32, #tpu.memory_space<vmem_shared>>
    tpu.enqueue_indirect_dma source(%dma_start3A_171 : memref<100352xf32, #tpu.memory_space<vmem_shared>>) target(%arg15 : memref<10000xf32, #tpu.memory_space<vmem>>) offsets(%arg9 : memref<10000xi32, #tpu.memory_space<vmem>>) semaphore(%arg25 : memref<!tpu.dma_semaphore, #tpu.memory_space<semaphore_mem>>)
    %dma_wait3A_172 = arith.constant 0 : i32
    %dma_wait3A_173 = tpu.memref_slice %arg16[%dma_wait3A_172] : memref<100352xf32, #tpu.memory_space<vmem_shared>> -> memref<100352xf32, #tpu.memory_space<vmem_shared>>
    tpu.wait_indirect_dma semaphore(%arg26 : memref<!tpu.dma_semaphore, #tpu.memory_space<semaphore_mem>>) src(%arg12 : memref<10000xf32, #tpu.memory_space<vmem>>) dst(%dma_wait3A_173 : memref<100352xf32, #tpu.memory_space<vmem_shared>>)
    %dma_wait3A_174 = arith.constant 0 : i32
    %dma_wait3A_175 = tpu.memref_slice %arg17[%dma_wait3A_174] : memref<100352xf32, #tpu.memory_space<vmem_shared>> -> memref<100352xf32, #tpu.memory_space<vmem_shared>>
    tpu.wait_indirect_dma semaphore(%arg28 : memref<!tpu.dma_semaphore, #tpu.memory_space<semaphore_mem>>) src(%arg14 : memref<10000xf32, #tpu.memory_space<vmem>>) dst(%dma_wait3A_175 : memref<100352xf32, #tpu.memory_space<vmem_shared>>)
    %add3A_176 = arith.constant 192 : i32
    %add3A_177 = arith.addi %add3A, %add3A_176 : i32
    %mul3A_178 = arith.constant 10000 : i32
    %mul3A_179 = arith.muli %add3A_177, %mul3A_178 : i32
    %dma_start3A_180 = tpu.memref_slice %arg2[%mul3A_179] : memref<3200000xi32, #tpu.memory_space<hbm>> -> memref<10000xi32, #tpu.memory_space<hbm>>
    %dma_start3A_181 = tpu.memref_slice %arg2[%mul3A_179] : memref<3200000xi32, #tpu.memory_space<hbm>> -> memref<10000xi32, #tpu.memory_space<hbm>>
    tpu.enqueue_dma source(%dma_start3A_181 : memref<10000xi32, #tpu.memory_space<hbm>>) target(%arg8 : memref<10000xi32, #tpu.memory_space<vmem>>) target_semaphore(%arg20 : memref<!tpu.dma_semaphore, #tpu.memory_space<semaphore_mem>>)
    %mul3A_182 = arith.constant 10000 : i32
    %mul3A_183 = arith.muli %add3A_177, %mul3A_182 : i32
    %dma_start3A_184 = tpu.memref_slice %arg3[%mul3A_183] : memref<3200000xi32, #tpu.memory_space<hbm>> -> memref<10000xi32, #tpu.memory_space<hbm>>
    %dma_start3A_185 = tpu.memref_slice %arg3[%mul3A_183] : memref<3200000xi32, #tpu.memory_space<hbm>> -> memref<10000xi32, #tpu.memory_space<hbm>>
    tpu.enqueue_dma source(%dma_start3A_185 : memref<10000xi32, #tpu.memory_space<hbm>>) target(%arg10 : memref<10000xi32, #tpu.memory_space<vmem>>) target_semaphore(%arg20 : memref<!tpu.dma_semaphore, #tpu.memory_space<semaphore_mem>>)
    %dma_wait3A_186 = arith.constant 0 : i32
    %dma_wait3A_187 = tpu.memref_slice %arg18[%dma_wait3A_186] : memref<100352xf32, #tpu.memory_space<vmem_shared>> -> memref<100352xf32, #tpu.memory_space<vmem_shared>>
    tpu.wait_indirect_dma semaphore(%arg23 : memref<!tpu.dma_semaphore, #tpu.memory_space<semaphore_mem>>) src(%dma_wait3A_187 : memref<100352xf32, #tpu.memory_space<vmem_shared>>) dst(%arg13 : memref<10000xf32, #tpu.memory_space<vmem>>)
    %dma_start3A_188 = arith.constant 0 : i32
    %dma_start3A_189 = tpu.memref_slice %arg16[%dma_start3A_188] : memref<100352xf32, #tpu.memory_space<vmem_shared>> -> memref<100352xf32, #tpu.memory_space<vmem_shared>>
    tpu.enqueue_indirect_dma source(%arg13 : memref<10000xf32, #tpu.memory_space<vmem>>) target(%dma_start3A_189 : memref<100352xf32, #tpu.memory_space<vmem_shared>>) offsets(%arg11 : memref<10000xi32, #tpu.memory_space<vmem>>) semaphore(%arg27 : memref<!tpu.dma_semaphore, #tpu.memory_space<semaphore_mem>>) {add = true}
    %dma_wait3A_190 = arith.constant 0 : i32
    %dma_wait3A_191 = tpu.memref_slice %arg19[%dma_wait3A_190] : memref<100352xf32, #tpu.memory_space<vmem_shared>> -> memref<100352xf32, #tpu.memory_space<vmem_shared>>
    tpu.wait_indirect_dma semaphore(%arg25 : memref<!tpu.dma_semaphore, #tpu.memory_space<semaphore_mem>>) src(%dma_wait3A_191 : memref<100352xf32, #tpu.memory_space<vmem_shared>>) dst(%arg15 : memref<10000xf32, #tpu.memory_space<vmem>>)
    %dma_start3A_192 = arith.constant 0 : i32
    %dma_start3A_193 = tpu.memref_slice %arg17[%dma_start3A_192] : memref<100352xf32, #tpu.memory_space<vmem_shared>> -> memref<100352xf32, #tpu.memory_space<vmem_shared>>
    tpu.enqueue_indirect_dma source(%arg15 : memref<10000xf32, #tpu.memory_space<vmem>>) target(%dma_start3A_193 : memref<100352xf32, #tpu.memory_space<vmem_shared>>) offsets(%arg11 : memref<10000xi32, #tpu.memory_space<vmem>>) semaphore(%arg29 : memref<!tpu.dma_semaphore, #tpu.memory_space<semaphore_mem>>) {add = true}
    %dma_wait3A_194 = tpu.memref_slice %arg2[%mul3A_179] : memref<3200000xi32, #tpu.memory_space<hbm>> -> memref<10000xi32, #tpu.memory_space<hbm>>
    %dma_wait3A_195 = tpu.memref_slice %arg2[%mul3A_179] : memref<3200000xi32, #tpu.memory_space<hbm>> -> memref<10000xi32, #tpu.memory_space<hbm>>
    tpu.wait_dma2 semaphore(%arg20 : memref<!tpu.dma_semaphore, #tpu.memory_space<semaphore_mem>>) src(%dma_wait3A_195 : memref<10000xi32, #tpu.memory_space<hbm>>) dst(%arg8 : memref<10000xi32, #tpu.memory_space<vmem>>)
    %dma_wait3A_196 = tpu.memref_slice %arg3[%mul3A_183] : memref<3200000xi32, #tpu.memory_space<hbm>> -> memref<10000xi32, #tpu.memory_space<hbm>>
    %dma_wait3A_197 = tpu.memref_slice %arg3[%mul3A_183] : memref<3200000xi32, #tpu.memory_space<hbm>> -> memref<10000xi32, #tpu.memory_space<hbm>>
    tpu.wait_dma2 semaphore(%arg20 : memref<!tpu.dma_semaphore, #tpu.memory_space<semaphore_mem>>) src(%dma_wait3A_197 : memref<10000xi32, #tpu.memory_space<hbm>>) dst(%arg10 : memref<10000xi32, #tpu.memory_space<vmem>>)
    %dma_start3A_198 = arith.constant 0 : i32
    %dma_start3A_199 = tpu.memref_slice %arg18[%dma_start3A_198] : memref<100352xf32, #tpu.memory_space<vmem_shared>> -> memref<100352xf32, #tpu.memory_space<vmem_shared>>
    tpu.enqueue_indirect_dma source(%dma_start3A_199 : memref<100352xf32, #tpu.memory_space<vmem_shared>>) target(%arg12 : memref<10000xf32, #tpu.memory_space<vmem>>) offsets(%arg8 : memref<10000xi32, #tpu.memory_space<vmem>>) semaphore(%arg22 : memref<!tpu.dma_semaphore, #tpu.memory_space<semaphore_mem>>)
    %dma_start3A_200 = arith.constant 0 : i32
    %dma_start3A_201 = tpu.memref_slice %arg19[%dma_start3A_200] : memref<100352xf32, #tpu.memory_space<vmem_shared>> -> memref<100352xf32, #tpu.memory_space<vmem_shared>>
    tpu.enqueue_indirect_dma source(%dma_start3A_201 : memref<100352xf32, #tpu.memory_space<vmem_shared>>) target(%arg14 : memref<10000xf32, #tpu.memory_space<vmem>>) offsets(%arg8 : memref<10000xi32, #tpu.memory_space<vmem>>) semaphore(%arg24 : memref<!tpu.dma_semaphore, #tpu.memory_space<semaphore_mem>>)
    %dma_wait3A_202 = arith.constant 0 : i32
    %dma_wait3A_203 = tpu.memref_slice %arg16[%dma_wait3A_202] : memref<100352xf32, #tpu.memory_space<vmem_shared>> -> memref<100352xf32, #tpu.memory_space<vmem_shared>>
    tpu.wait_indirect_dma semaphore(%arg27 : memref<!tpu.dma_semaphore, #tpu.memory_space<semaphore_mem>>) src(%arg13 : memref<10000xf32, #tpu.memory_space<vmem>>) dst(%dma_wait3A_203 : memref<100352xf32, #tpu.memory_space<vmem_shared>>)
    %dma_wait3A_204 = arith.constant 0 : i32
    %dma_wait3A_205 = tpu.memref_slice %arg17[%dma_wait3A_204] : memref<100352xf32, #tpu.memory_space<vmem_shared>> -> memref<100352xf32, #tpu.memory_space<vmem_shared>>
    tpu.wait_indirect_dma semaphore(%arg29 : memref<!tpu.dma_semaphore, #tpu.memory_space<semaphore_mem>>) src(%arg15 : memref<10000xf32, #tpu.memory_space<vmem>>) dst(%dma_wait3A_205 : memref<100352xf32, #tpu.memory_space<vmem_shared>>)
    %add3A_206 = arith.constant 224 : i32
    %add3A_207 = arith.addi %add3A, %add3A_206 : i32
    %mul3A_208 = arith.constant 10000 : i32
    %mul3A_209 = arith.muli %add3A_207, %mul3A_208 : i32
    %dma_start3A_210 = tpu.memref_slice %arg2[%mul3A_209] : memref<3200000xi32, #tpu.memory_space<hbm>> -> memref<10000xi32, #tpu.memory_space<hbm>>
    %dma_start3A_211 = tpu.memref_slice %arg2[%mul3A_209] : memref<3200000xi32, #tpu.memory_space<hbm>> -> memref<10000xi32, #tpu.memory_space<hbm>>
    tpu.enqueue_dma source(%dma_start3A_211 : memref<10000xi32, #tpu.memory_space<hbm>>) target(%arg9 : memref<10000xi32, #tpu.memory_space<vmem>>) target_semaphore(%arg21 : memref<!tpu.dma_semaphore, #tpu.memory_space<semaphore_mem>>)
    %mul3A_212 = arith.constant 10000 : i32
    %mul3A_213 = arith.muli %add3A_207, %mul3A_212 : i32
    %dma_start3A_214 = tpu.memref_slice %arg3[%mul3A_213] : memref<3200000xi32, #tpu.memory_space<hbm>> -> memref<10000xi32, #tpu.memory_space<hbm>>
    %dma_start3A_215 = tpu.memref_slice %arg3[%mul3A_213] : memref<3200000xi32, #tpu.memory_space<hbm>> -> memref<10000xi32, #tpu.memory_space<hbm>>
    tpu.enqueue_dma source(%dma_start3A_215 : memref<10000xi32, #tpu.memory_space<hbm>>) target(%arg11 : memref<10000xi32, #tpu.memory_space<vmem>>) target_semaphore(%arg21 : memref<!tpu.dma_semaphore, #tpu.memory_space<semaphore_mem>>)
    %dma_wait3A_216 = arith.constant 0 : i32
    %dma_wait3A_217 = tpu.memref_slice %arg18[%dma_wait3A_216] : memref<100352xf32, #tpu.memory_space<vmem_shared>> -> memref<100352xf32, #tpu.memory_space<vmem_shared>>
    tpu.wait_indirect_dma semaphore(%arg22 : memref<!tpu.dma_semaphore, #tpu.memory_space<semaphore_mem>>) src(%dma_wait3A_217 : memref<100352xf32, #tpu.memory_space<vmem_shared>>) dst(%arg12 : memref<10000xf32, #tpu.memory_space<vmem>>)
    %dma_start3A_218 = arith.constant 0 : i32
    %dma_start3A_219 = tpu.memref_slice %arg16[%dma_start3A_218] : memref<100352xf32, #tpu.memory_space<vmem_shared>> -> memref<100352xf32, #tpu.memory_space<vmem_shared>>
    tpu.enqueue_indirect_dma source(%arg12 : memref<10000xf32, #tpu.memory_space<vmem>>) target(%dma_start3A_219 : memref<100352xf32, #tpu.memory_space<vmem_shared>>) offsets(%arg10 : memref<10000xi32, #tpu.memory_space<vmem>>) semaphore(%arg26 : memref<!tpu.dma_semaphore, #tpu.memory_space<semaphore_mem>>) {add = true}
    %dma_wait3A_220 = arith.constant 0 : i32
    %dma_wait3A_221 = tpu.memref_slice %arg19[%dma_wait3A_220] : memref<100352xf32, #tpu.memory_space<vmem_shared>> -> memref<100352xf32, #tpu.memory_space<vmem_shared>>
    tpu.wait_indirect_dma semaphore(%arg24 : memref<!tpu.dma_semaphore, #tpu.memory_space<semaphore_mem>>) src(%dma_wait3A_221 : memref<100352xf32, #tpu.memory_space<vmem_shared>>) dst(%arg14 : memref<10000xf32, #tpu.memory_space<vmem>>)
    %dma_start3A_222 = arith.constant 0 : i32
    %dma_start3A_223 = tpu.memref_slice %arg17[%dma_start3A_222] : memref<100352xf32, #tpu.memory_space<vmem_shared>> -> memref<100352xf32, #tpu.memory_space<vmem_shared>>
    tpu.enqueue_indirect_dma source(%arg14 : memref<10000xf32, #tpu.memory_space<vmem>>) target(%dma_start3A_223 : memref<100352xf32, #tpu.memory_space<vmem_shared>>) offsets(%arg10 : memref<10000xi32, #tpu.memory_space<vmem>>) semaphore(%arg28 : memref<!tpu.dma_semaphore, #tpu.memory_space<semaphore_mem>>) {add = true}
    %dma_wait3A_224 = tpu.memref_slice %arg2[%mul3A_209] : memref<3200000xi32, #tpu.memory_space<hbm>> -> memref<10000xi32, #tpu.memory_space<hbm>>
    %dma_wait3A_225 = tpu.memref_slice %arg2[%mul3A_209] : memref<3200000xi32, #tpu.memory_space<hbm>> -> memref<10000xi32, #tpu.memory_space<hbm>>
    tpu.wait_dma2 semaphore(%arg21 : memref<!tpu.dma_semaphore, #tpu.memory_space<semaphore_mem>>) src(%dma_wait3A_225 : memref<10000xi32, #tpu.memory_space<hbm>>) dst(%arg9 : memref<10000xi32, #tpu.memory_space<vmem>>)
    %dma_wait3A_226 = tpu.memref_slice %arg3[%mul3A_213] : memref<3200000xi32, #tpu.memory_space<hbm>> -> memref<10000xi32, #tpu.memory_space<hbm>>
    %dma_wait3A_227 = tpu.memref_slice %arg3[%mul3A_213] : memref<3200000xi32, #tpu.memory_space<hbm>> -> memref<10000xi32, #tpu.memory_space<hbm>>
    tpu.wait_dma2 semaphore(%arg21 : memref<!tpu.dma_semaphore, #tpu.memory_space<semaphore_mem>>) src(%dma_wait3A_227 : memref<10000xi32, #tpu.memory_space<hbm>>) dst(%arg11 : memref<10000xi32, #tpu.memory_space<vmem>>)
    %dma_start3A_228 = arith.constant 0 : i32
    %dma_start3A_229 = tpu.memref_slice %arg18[%dma_start3A_228] : memref<100352xf32, #tpu.memory_space<vmem_shared>> -> memref<100352xf32, #tpu.memory_space<vmem_shared>>
    tpu.enqueue_indirect_dma source(%dma_start3A_229 : memref<100352xf32, #tpu.memory_space<vmem_shared>>) target(%arg13 : memref<10000xf32, #tpu.memory_space<vmem>>) offsets(%arg9 : memref<10000xi32, #tpu.memory_space<vmem>>) semaphore(%arg23 : memref<!tpu.dma_semaphore, #tpu.memory_space<semaphore_mem>>)
    %dma_start3A_230 = arith.constant 0 : i32
    %dma_start3A_231 = tpu.memref_slice %arg19[%dma_start3A_230] : memref<100352xf32, #tpu.memory_space<vmem_shared>> -> memref<100352xf32, #tpu.memory_space<vmem_shared>>
    tpu.enqueue_indirect_dma source(%dma_start3A_231 : memref<100352xf32, #tpu.memory_space<vmem_shared>>) target(%arg15 : memref<10000xf32, #tpu.memory_space<vmem>>) offsets(%arg9 : memref<10000xi32, #tpu.memory_space<vmem>>) semaphore(%arg25 : memref<!tpu.dma_semaphore, #tpu.memory_space<semaphore_mem>>)
    %dma_wait3A_232 = arith.constant 0 : i32
    %dma_wait3A_233 = tpu.memref_slice %arg16[%dma_wait3A_232] : memref<100352xf32, #tpu.memory_space<vmem_shared>> -> memref<100352xf32, #tpu.memory_space<vmem_shared>>
    tpu.wait_indirect_dma semaphore(%arg26 : memref<!tpu.dma_semaphore, #tpu.memory_space<semaphore_mem>>) src(%arg12 : memref<10000xf32, #tpu.memory_space<vmem>>) dst(%dma_wait3A_233 : memref<100352xf32, #tpu.memory_space<vmem_shared>>)
    %dma_wait3A_234 = arith.constant 0 : i32
    %dma_wait3A_235 = tpu.memref_slice %arg17[%dma_wait3A_234] : memref<100352xf32, #tpu.memory_space<vmem_shared>> -> memref<100352xf32, #tpu.memory_space<vmem_shared>>
    tpu.wait_indirect_dma semaphore(%arg28 : memref<!tpu.dma_semaphore, #tpu.memory_space<semaphore_mem>>) src(%arg14 : memref<10000xf32, #tpu.memory_space<vmem>>) dst(%dma_wait3A_235 : memref<100352xf32, #tpu.memory_space<vmem_shared>>)
    %add3A_236 = arith.constant 256 : i32
    %add3A_237 = arith.addi %add3A, %add3A_236 : i32
    %mul3A_238 = arith.constant 10000 : i32
    %mul3A_239 = arith.muli %add3A_237, %mul3A_238 : i32
    %dma_start3A_240 = tpu.memref_slice %arg2[%mul3A_239] : memref<3200000xi32, #tpu.memory_space<hbm>> -> memref<10000xi32, #tpu.memory_space<hbm>>
    %dma_start3A_241 = tpu.memref_slice %arg2[%mul3A_239] : memref<3200000xi32, #tpu.memory_space<hbm>> -> memref<10000xi32, #tpu.memory_space<hbm>>
    tpu.enqueue_dma source(%dma_start3A_241 : memref<10000xi32, #tpu.memory_space<hbm>>) target(%arg8 : memref<10000xi32, #tpu.memory_space<vmem>>) target_semaphore(%arg20 : memref<!tpu.dma_semaphore, #tpu.memory_space<semaphore_mem>>)
    %mul3A_242 = arith.constant 10000 : i32
    %mul3A_243 = arith.muli %add3A_237, %mul3A_242 : i32
    %dma_start3A_244 = tpu.memref_slice %arg3[%mul3A_243] : memref<3200000xi32, #tpu.memory_space<hbm>> -> memref<10000xi32, #tpu.memory_space<hbm>>
    %dma_start3A_245 = tpu.memref_slice %arg3[%mul3A_243] : memref<3200000xi32, #tpu.memory_space<hbm>> -> memref<10000xi32, #tpu.memory_space<hbm>>
    tpu.enqueue_dma source(%dma_start3A_245 : memref<10000xi32, #tpu.memory_space<hbm>>) target(%arg10 : memref<10000xi32, #tpu.memory_space<vmem>>) target_semaphore(%arg20 : memref<!tpu.dma_semaphore, #tpu.memory_space<semaphore_mem>>)
    %dma_wait3A_246 = arith.constant 0 : i32
    %dma_wait3A_247 = tpu.memref_slice %arg18[%dma_wait3A_246] : memref<100352xf32, #tpu.memory_space<vmem_shared>> -> memref<100352xf32, #tpu.memory_space<vmem_shared>>
    tpu.wait_indirect_dma semaphore(%arg23 : memref<!tpu.dma_semaphore, #tpu.memory_space<semaphore_mem>>) src(%dma_wait3A_247 : memref<100352xf32, #tpu.memory_space<vmem_shared>>) dst(%arg13 : memref<10000xf32, #tpu.memory_space<vmem>>)
    %dma_start3A_248 = arith.constant 0 : i32
    %dma_start3A_249 = tpu.memref_slice %arg16[%dma_start3A_248] : memref<100352xf32, #tpu.memory_space<vmem_shared>> -> memref<100352xf32, #tpu.memory_space<vmem_shared>>
    tpu.enqueue_indirect_dma source(%arg13 : memref<10000xf32, #tpu.memory_space<vmem>>) target(%dma_start3A_249 : memref<100352xf32, #tpu.memory_space<vmem_shared>>) offsets(%arg11 : memref<10000xi32, #tpu.memory_space<vmem>>) semaphore(%arg27 : memref<!tpu.dma_semaphore, #tpu.memory_space<semaphore_mem>>) {add = true}
    %dma_wait3A_250 = arith.constant 0 : i32
    %dma_wait3A_251 = tpu.memref_slice %arg19[%dma_wait3A_250] : memref<100352xf32, #tpu.memory_space<vmem_shared>> -> memref<100352xf32, #tpu.memory_space<vmem_shared>>
    tpu.wait_indirect_dma semaphore(%arg25 : memref<!tpu.dma_semaphore, #tpu.memory_space<semaphore_mem>>) src(%dma_wait3A_251 : memref<100352xf32, #tpu.memory_space<vmem_shared>>) dst(%arg15 : memref<10000xf32, #tpu.memory_space<vmem>>)
    %dma_start3A_252 = arith.constant 0 : i32
    %dma_start3A_253 = tpu.memref_slice %arg17[%dma_start3A_252] : memref<100352xf32, #tpu.memory_space<vmem_shared>> -> memref<100352xf32, #tpu.memory_space<vmem_shared>>
    tpu.enqueue_indirect_dma source(%arg15 : memref<10000xf32, #tpu.memory_space<vmem>>) target(%dma_start3A_253 : memref<100352xf32, #tpu.memory_space<vmem_shared>>) offsets(%arg11 : memref<10000xi32, #tpu.memory_space<vmem>>) semaphore(%arg29 : memref<!tpu.dma_semaphore, #tpu.memory_space<semaphore_mem>>) {add = true}
    %dma_wait3A_254 = tpu.memref_slice %arg2[%mul3A_239] : memref<3200000xi32, #tpu.memory_space<hbm>> -> memref<10000xi32, #tpu.memory_space<hbm>>
    %dma_wait3A_255 = tpu.memref_slice %arg2[%mul3A_239] : memref<3200000xi32, #tpu.memory_space<hbm>> -> memref<10000xi32, #tpu.memory_space<hbm>>
    tpu.wait_dma2 semaphore(%arg20 : memref<!tpu.dma_semaphore, #tpu.memory_space<semaphore_mem>>) src(%dma_wait3A_255 : memref<10000xi32, #tpu.memory_space<hbm>>) dst(%arg8 : memref<10000xi32, #tpu.memory_space<vmem>>)
    %dma_wait3A_256 = tpu.memref_slice %arg3[%mul3A_243] : memref<3200000xi32, #tpu.memory_space<hbm>> -> memref<10000xi32, #tpu.memory_space<hbm>>
    %dma_wait3A_257 = tpu.memref_slice %arg3[%mul3A_243] : memref<3200000xi32, #tpu.memory_space<hbm>> -> memref<10000xi32, #tpu.memory_space<hbm>>
    tpu.wait_dma2 semaphore(%arg20 : memref<!tpu.dma_semaphore, #tpu.memory_space<semaphore_mem>>) src(%dma_wait3A_257 : memref<10000xi32, #tpu.memory_space<hbm>>) dst(%arg10 : memref<10000xi32, #tpu.memory_space<vmem>>)
    %dma_start3A_258 = arith.constant 0 : i32
    %dma_start3A_259 = tpu.memref_slice %arg18[%dma_start3A_258] : memref<100352xf32, #tpu.memory_space<vmem_shared>> -> memref<100352xf32, #tpu.memory_space<vmem_shared>>
    tpu.enqueue_indirect_dma source(%dma_start3A_259 : memref<100352xf32, #tpu.memory_space<vmem_shared>>) target(%arg12 : memref<10000xf32, #tpu.memory_space<vmem>>) offsets(%arg8 : memref<10000xi32, #tpu.memory_space<vmem>>) semaphore(%arg22 : memref<!tpu.dma_semaphore, #tpu.memory_space<semaphore_mem>>)
    %dma_start3A_260 = arith.constant 0 : i32
    %dma_start3A_261 = tpu.memref_slice %arg19[%dma_start3A_260] : memref<100352xf32, #tpu.memory_space<vmem_shared>> -> memref<100352xf32, #tpu.memory_space<vmem_shared>>
    tpu.enqueue_indirect_dma source(%dma_start3A_261 : memref<100352xf32, #tpu.memory_space<vmem_shared>>) target(%arg14 : memref<10000xf32, #tpu.memory_space<vmem>>) offsets(%arg8 : memref<10000xi32, #tpu.memory_space<vmem>>) semaphore(%arg24 : memref<!tpu.dma_semaphore, #tpu.memory_space<semaphore_mem>>)
    %dma_wait3A_262 = arith.constant 0 : i32
    %dma_wait3A_263 = tpu.memref_slice %arg16[%dma_wait3A_262] : memref<100352xf32, #tpu.memory_space<vmem_shared>> -> memref<100352xf32, #tpu.memory_space<vmem_shared>>
    tpu.wait_indirect_dma semaphore(%arg27 : memref<!tpu.dma_semaphore, #tpu.memory_space<semaphore_mem>>) src(%arg13 : memref<10000xf32, #tpu.memory_space<vmem>>) dst(%dma_wait3A_263 : memref<100352xf32, #tpu.memory_space<vmem_shared>>)
    %dma_wait3A_264 = arith.constant 0 : i32
    %dma_wait3A_265 = tpu.memref_slice %arg17[%dma_wait3A_264] : memref<100352xf32, #tpu.memory_space<vmem_shared>> -> memref<100352xf32, #tpu.memory_space<vmem_shared>>
    tpu.wait_indirect_dma semaphore(%arg29 : memref<!tpu.dma_semaphore, #tpu.memory_space<semaphore_mem>>) src(%arg15 : memref<10000xf32, #tpu.memory_space<vmem>>) dst(%dma_wait3A_265 : memref<100352xf32, #tpu.memory_space<vmem_shared>>)
    %add3A_266 = arith.constant 288 : i32
    %add3A_267 = arith.addi %add3A, %add3A_266 : i32
    %mul3A_268 = arith.constant 10000 : i32
    %mul3A_269 = arith.muli %add3A_267, %mul3A_268 : i32
    %dma_start3A_270 = tpu.memref_slice %arg2[%mul3A_269] : memref<3200000xi32, #tpu.memory_space<hbm>> -> memref<10000xi32, #tpu.memory_space<hbm>>
    %dma_start3A_271 = tpu.memref_slice %arg2[%mul3A_269] : memref<3200000xi32, #tpu.memory_space<hbm>> -> memref<10000xi32, #tpu.memory_space<hbm>>
    tpu.enqueue_dma source(%dma_start3A_271 : memref<10000xi32, #tpu.memory_space<hbm>>) target(%arg9 : memref<10000xi32, #tpu.memory_space<vmem>>) target_semaphore(%arg21 : memref<!tpu.dma_semaphore, #tpu.memory_space<semaphore_mem>>)
    %mul3A_272 = arith.constant 10000 : i32
    %mul3A_273 = arith.muli %add3A_267, %mul3A_272 : i32
    %dma_start3A_274 = tpu.memref_slice %arg3[%mul3A_273] : memref<3200000xi32, #tpu.memory_space<hbm>> -> memref<10000xi32, #tpu.memory_space<hbm>>
    %dma_start3A_275 = tpu.memref_slice %arg3[%mul3A_273] : memref<3200000xi32, #tpu.memory_space<hbm>> -> memref<10000xi32, #tpu.memory_space<hbm>>
    tpu.enqueue_dma source(%dma_start3A_275 : memref<10000xi32, #tpu.memory_space<hbm>>) target(%arg11 : memref<10000xi32, #tpu.memory_space<vmem>>) target_semaphore(%arg21 : memref<!tpu.dma_semaphore, #tpu.memory_space<semaphore_mem>>)
    %dma_wait3A_276 = arith.constant 0 : i32
    %dma_wait3A_277 = tpu.memref_slice %arg18[%dma_wait3A_276] : memref<100352xf32, #tpu.memory_space<vmem_shared>> -> memref<100352xf32, #tpu.memory_space<vmem_shared>>
    tpu.wait_indirect_dma semaphore(%arg22 : memref<!tpu.dma_semaphore, #tpu.memory_space<semaphore_mem>>) src(%dma_wait3A_277 : memref<100352xf32, #tpu.memory_space<vmem_shared>>) dst(%arg12 : memref<10000xf32, #tpu.memory_space<vmem>>)
    %dma_start3A_278 = arith.constant 0 : i32
    %dma_start3A_279 = tpu.memref_slice %arg16[%dma_start3A_278] : memref<100352xf32, #tpu.memory_space<vmem_shared>> -> memref<100352xf32, #tpu.memory_space<vmem_shared>>
    tpu.enqueue_indirect_dma source(%arg12 : memref<10000xf32, #tpu.memory_space<vmem>>) target(%dma_start3A_279 : memref<100352xf32, #tpu.memory_space<vmem_shared>>) offsets(%arg10 : memref<10000xi32, #tpu.memory_space<vmem>>) semaphore(%arg26 : memref<!tpu.dma_semaphore, #tpu.memory_space<semaphore_mem>>) {add = true}
    %dma_wait3A_280 = arith.constant 0 : i32
    %dma_wait3A_281 = tpu.memref_slice %arg19[%dma_wait3A_280] : memref<100352xf32, #tpu.memory_space<vmem_shared>> -> memref<100352xf32, #tpu.memory_space<vmem_shared>>
    tpu.wait_indirect_dma semaphore(%arg24 : memref<!tpu.dma_semaphore, #tpu.memory_space<semaphore_mem>>) src(%dma_wait3A_281 : memref<100352xf32, #tpu.memory_space<vmem_shared>>) dst(%arg14 : memref<10000xf32, #tpu.memory_space<vmem>>)
    %dma_start3A_282 = arith.constant 0 : i32
    %dma_start3A_283 = tpu.memref_slice %arg17[%dma_start3A_282] : memref<100352xf32, #tpu.memory_space<vmem_shared>> -> memref<100352xf32, #tpu.memory_space<vmem_shared>>
    tpu.enqueue_indirect_dma source(%arg14 : memref<10000xf32, #tpu.memory_space<vmem>>) target(%dma_start3A_283 : memref<100352xf32, #tpu.memory_space<vmem_shared>>) offsets(%arg10 : memref<10000xi32, #tpu.memory_space<vmem>>) semaphore(%arg28 : memref<!tpu.dma_semaphore, #tpu.memory_space<semaphore_mem>>) {add = true}
    %dma_wait3A_284 = tpu.memref_slice %arg2[%mul3A_269] : memref<3200000xi32, #tpu.memory_space<hbm>> -> memref<10000xi32, #tpu.memory_space<hbm>>
    %dma_wait3A_285 = tpu.memref_slice %arg2[%mul3A_269] : memref<3200000xi32, #tpu.memory_space<hbm>> -> memref<10000xi32, #tpu.memory_space<hbm>>
    tpu.wait_dma2 semaphore(%arg21 : memref<!tpu.dma_semaphore, #tpu.memory_space<semaphore_mem>>) src(%dma_wait3A_285 : memref<10000xi32, #tpu.memory_space<hbm>>) dst(%arg9 : memref<10000xi32, #tpu.memory_space<vmem>>)
    %dma_wait3A_286 = tpu.memref_slice %arg3[%mul3A_273] : memref<3200000xi32, #tpu.memory_space<hbm>> -> memref<10000xi32, #tpu.memory_space<hbm>>
    %dma_wait3A_287 = tpu.memref_slice %arg3[%mul3A_273] : memref<3200000xi32, #tpu.memory_space<hbm>> -> memref<10000xi32, #tpu.memory_space<hbm>>
    tpu.wait_dma2 semaphore(%arg21 : memref<!tpu.dma_semaphore, #tpu.memory_space<semaphore_mem>>) src(%dma_wait3A_287 : memref<10000xi32, #tpu.memory_space<hbm>>) dst(%arg11 : memref<10000xi32, #tpu.memory_space<vmem>>)
    %dma_start3A_288 = arith.constant 0 : i32
    %dma_start3A_289 = tpu.memref_slice %arg18[%dma_start3A_288] : memref<100352xf32, #tpu.memory_space<vmem_shared>> -> memref<100352xf32, #tpu.memory_space<vmem_shared>>
    tpu.enqueue_indirect_dma source(%dma_start3A_289 : memref<100352xf32, #tpu.memory_space<vmem_shared>>) target(%arg13 : memref<10000xf32, #tpu.memory_space<vmem>>) offsets(%arg9 : memref<10000xi32, #tpu.memory_space<vmem>>) semaphore(%arg23 : memref<!tpu.dma_semaphore, #tpu.memory_space<semaphore_mem>>)
    %dma_start3A_290 = arith.constant 0 : i32
    %dma_start3A_291 = tpu.memref_slice %arg19[%dma_start3A_290] : memref<100352xf32, #tpu.memory_space<vmem_shared>> -> memref<100352xf32, #tpu.memory_space<vmem_shared>>
    tpu.enqueue_indirect_dma source(%dma_start3A_291 : memref<100352xf32, #tpu.memory_space<vmem_shared>>) target(%arg15 : memref<10000xf32, #tpu.memory_space<vmem>>) offsets(%arg9 : memref<10000xi32, #tpu.memory_space<vmem>>) semaphore(%arg25 : memref<!tpu.dma_semaphore, #tpu.memory_space<semaphore_mem>>)
    %dma_wait3A_292 = arith.constant 0 : i32
    %dma_wait3A_293 = tpu.memref_slice %arg16[%dma_wait3A_292] : memref<100352xf32, #tpu.memory_space<vmem_shared>> -> memref<100352xf32, #tpu.memory_space<vmem_shared>>
    tpu.wait_indirect_dma semaphore(%arg26 : memref<!tpu.dma_semaphore, #tpu.memory_space<semaphore_mem>>) src(%arg12 : memref<10000xf32, #tpu.memory_space<vmem>>) dst(%dma_wait3A_293 : memref<100352xf32, #tpu.memory_space<vmem_shared>>)
    %dma_wait3A_294 = arith.constant 0 : i32
    %dma_wait3A_295 = tpu.memref_slice %arg17[%dma_wait3A_294] : memref<100352xf32, #tpu.memory_space<vmem_shared>> -> memref<100352xf32, #tpu.memory_space<vmem_shared>>
    tpu.wait_indirect_dma semaphore(%arg28 : memref<!tpu.dma_semaphore, #tpu.memory_space<semaphore_mem>>) src(%arg14 : memref<10000xf32, #tpu.memory_space<vmem>>) dst(%dma_wait3A_295 : memref<100352xf32, #tpu.memory_space<vmem_shared>>)
    %dma_wait3A_296 = arith.constant 0 : i32
    %dma_wait3A_297 = tpu.memref_slice %arg18[%dma_wait3A_296] : memref<100352xf32, #tpu.memory_space<vmem_shared>> -> memref<100352xf32, #tpu.memory_space<vmem_shared>>
    tpu.wait_indirect_dma semaphore(%arg23 : memref<!tpu.dma_semaphore, #tpu.memory_space<semaphore_mem>>) src(%dma_wait3A_297 : memref<100352xf32, #tpu.memory_space<vmem_shared>>) dst(%arg13 : memref<10000xf32, #tpu.memory_space<vmem>>)
    %dma_start3A_298 = arith.constant 0 : i32
    %dma_start3A_299 = tpu.memref_slice %arg16[%dma_start3A_298] : memref<100352xf32, #tpu.memory_space<vmem_shared>> -> memref<100352xf32, #tpu.memory_space<vmem_shared>>
    tpu.enqueue_indirect_dma source(%arg13 : memref<10000xf32, #tpu.memory_space<vmem>>) target(%dma_start3A_299 : memref<100352xf32, #tpu.memory_space<vmem_shared>>) offsets(%arg11 : memref<10000xi32, #tpu.memory_space<vmem>>) semaphore(%arg27 : memref<!tpu.dma_semaphore, #tpu.memory_space<semaphore_mem>>) {add = true}
    %dma_wait3A_300 = arith.constant 0 : i32
    %dma_wait3A_301 = tpu.memref_slice %arg19[%dma_wait3A_300] : memref<100352xf32, #tpu.memory_space<vmem_shared>> -> memref<100352xf32, #tpu.memory_space<vmem_shared>>
    tpu.wait_indirect_dma semaphore(%arg25 : memref<!tpu.dma_semaphore, #tpu.memory_space<semaphore_mem>>) src(%dma_wait3A_301 : memref<100352xf32, #tpu.memory_space<vmem_shared>>) dst(%arg15 : memref<10000xf32, #tpu.memory_space<vmem>>)
    %dma_start3A_302 = arith.constant 0 : i32
    %dma_start3A_303 = tpu.memref_slice %arg17[%dma_start3A_302] : memref<100352xf32, #tpu.memory_space<vmem_shared>> -> memref<100352xf32, #tpu.memory_space<vmem_shared>>
    tpu.enqueue_indirect_dma source(%arg15 : memref<10000xf32, #tpu.memory_space<vmem>>) target(%dma_start3A_303 : memref<100352xf32, #tpu.memory_space<vmem_shared>>) offsets(%arg11 : memref<10000xi32, #tpu.memory_space<vmem>>) semaphore(%arg29 : memref<!tpu.dma_semaphore, #tpu.memory_space<semaphore_mem>>) {add = true}
    %dma_wait3A_304 = arith.constant 0 : i32
    %dma_wait3A_305 = tpu.memref_slice %arg16[%dma_wait3A_304] : memref<100352xf32, #tpu.memory_space<vmem_shared>> -> memref<100352xf32, #tpu.memory_space<vmem_shared>>
    tpu.wait_indirect_dma semaphore(%arg27 : memref<!tpu.dma_semaphore, #tpu.memory_space<semaphore_mem>>) src(%arg13 : memref<10000xf32, #tpu.memory_space<vmem>>) dst(%dma_wait3A_305 : memref<100352xf32, #tpu.memory_space<vmem_shared>>)
    %dma_wait3A_306 = arith.constant 0 : i32
    %dma_wait3A_307 = tpu.memref_slice %arg17[%dma_wait3A_306] : memref<100352xf32, #tpu.memory_space<vmem_shared>> -> memref<100352xf32, #tpu.memory_space<vmem_shared>>
    tpu.wait_indirect_dma semaphore(%arg29 : memref<!tpu.dma_semaphore, #tpu.memory_space<semaphore_mem>>) src(%arg15 : memref<10000xf32, #tpu.memory_space<vmem>>) dst(%dma_wait3A_307 : memref<100352xf32, #tpu.memory_space<vmem_shared>>)
    %barrier3A_308 = arith.constant 0 : index
    tpu.barrier barrier_id(%barrier3A_308)
    "tpu.region"() ({
      %run_scoped3A = tpu.sem_alloc : memref<!tpu.dma_semaphore, #tpu.memory_space<semaphore_mem>>
      %dma_start3A_309 = tpu.memref_slice %arg6[%arg0, %mul3A_2] : memref<2x100352xf32, #tpu.memory_space<hbm>> -> memref<1x6272xf32, #tpu.memory_space<hbm>>
      %dma_start3A_310 = tpu.memref_squeeze %dma_start3A_309 : memref<1x6272xf32, #tpu.memory_space<hbm>> -> memref<6272xf32, #tpu.memory_space<hbm>>
      %dma_start3A_311 = tpu.memref_slice %arg16[%mul3A_2] : memref<100352xf32, #tpu.memory_space<vmem_shared>> -> memref<6272xf32, #tpu.memory_space<vmem_shared>>
      tpu.enqueue_dma source(%dma_start3A_311 : memref<6272xf32, #tpu.memory_space<vmem_shared>>) target(%dma_start3A_310 : memref<6272xf32, #tpu.memory_space<hbm>>) target_semaphore(%run_scoped3A : memref<!tpu.dma_semaphore, #tpu.memory_space<semaphore_mem>>)
      %dma_wait3A_312 = tpu.memref_slice %arg6[%arg0, %mul3A_2] : memref<2x100352xf32, #tpu.memory_space<hbm>> -> memref<1x6272xf32, #tpu.memory_space<hbm>>
      %dma_wait3A_313 = tpu.memref_squeeze %dma_wait3A_312 : memref<1x6272xf32, #tpu.memory_space<hbm>> -> memref<6272xf32, #tpu.memory_space<hbm>>
      %dma_wait3A_314 = tpu.memref_slice %arg16[%mul3A_2] : memref<100352xf32, #tpu.memory_space<vmem_shared>> -> memref<6272xf32, #tpu.memory_space<vmem_shared>>
      tpu.wait_dma2 semaphore(%run_scoped3A : memref<!tpu.dma_semaphore, #tpu.memory_space<semaphore_mem>>) src(%dma_wait3A_314 : memref<6272xf32, #tpu.memory_space<vmem_shared>>) dst(%dma_wait3A_313 : memref<6272xf32, #tpu.memory_space<hbm>>)
      tpu.yield
    }) : () -> ()
    "tpu.region"() ({
      %run_scoped3A = tpu.sem_alloc : memref<!tpu.dma_semaphore, #tpu.memory_space<semaphore_mem>>
      %dma_start3A_309 = tpu.memref_slice %arg7[%arg0, %mul3A_2] : memref<2x100352xf32, #tpu.memory_space<hbm>> -> memref<1x6272xf32, #tpu.memory_space<hbm>>
      %dma_start3A_310 = tpu.memref_squeeze %dma_start3A_309 : memref<1x6272xf32, #tpu.memory_space<hbm>> -> memref<6272xf32, #tpu.memory_space<hbm>>
      %dma_start3A_311 = tpu.memref_slice %arg17[%mul3A_2] : memref<100352xf32, #tpu.memory_space<vmem_shared>> -> memref<6272xf32, #tpu.memory_space<vmem_shared>>
      tpu.enqueue_dma source(%dma_start3A_311 : memref<6272xf32, #tpu.memory_space<vmem_shared>>) target(%dma_start3A_310 : memref<6272xf32, #tpu.memory_space<hbm>>) target_semaphore(%run_scoped3A : memref<!tpu.dma_semaphore, #tpu.memory_space<semaphore_mem>>)
      %dma_wait3A_312 = tpu.memref_slice %arg7[%arg0, %mul3A_2] : memref<2x100352xf32, #tpu.memory_space<hbm>> -> memref<1x6272xf32, #tpu.memory_space<hbm>>
      %dma_wait3A_313 = tpu.memref_squeeze %dma_wait3A_312 : memref<1x6272xf32, #tpu.memory_space<hbm>> -> memref<6272xf32, #tpu.memory_space<hbm>>
      %dma_wait3A_314 = tpu.memref_slice %arg17[%mul3A_2] : memref<100352xf32, #tpu.memory_space<vmem_shared>> -> memref<6272xf32, #tpu.memory_space<vmem_shared>>
      tpu.wait_dma2 semaphore(%run_scoped3A : memref<!tpu.dma_semaphore, #tpu.memory_space<semaphore_mem>>) src(%dma_wait3A_314 : memref<6272xf32, #tpu.memory_space<vmem_shared>>) dst(%dma_wait3A_313 : memref<6272xf32, #tpu.memory_space<hbm>>)
      tpu.yield
    }) : () -> ()
    return
  }
}

#map = affine_map<(d0, d1) -> (0)>
#map1 = affine_map<(d0, d1) -> (0, 0)>
module attributes {stable_mosaic.version = 14 : i64} {
  func.func @body(%arg0: i32, %arg1: i32, %arg2: memref<3200000xi32, #tpu.memory_space<hbm>>, %arg3: memref<2x100352xf32, #tpu.memory_space<hbm>>, %arg4: memref<20000xi32, #tpu.memory_space<vmem>>, %arg5: memref<20000xi32, #tpu.memory_space<vmem>>, %arg6: memref<20000xi32, #tpu.memory_space<vmem>>, %arg7: memref<20000xf32, #tpu.memory_space<vmem>>, %arg8: memref<6272xf32, #tpu.memory_space<vmem>>, %arg9: memref<100352xf32, #tpu.memory_space<vmem_shared>>, %arg10: memref<!tpu.dma_semaphore, #tpu.memory_space<semaphore_mem>>, %arg11: memref<!tpu.dma_semaphore, #tpu.memory_space<semaphore_mem>>, %arg12: memref<!tpu.dma_semaphore, #tpu.memory_space<semaphore_mem>>, %arg13: memref<!tpu.dma_semaphore, #tpu.memory_space<semaphore_mem>>, %arg14: memref<!tpu.dma_semaphore, #tpu.memory_space<semaphore_mem>>, %arg15: memref<!tpu.dma_semaphore, #tpu.memory_space<semaphore_mem>>) attributes {dimension_semantics = [#tpu.dimension_semantics<core_parallel>, #tpu.dimension_semantics<subcore_parallel>], iteration_bounds = array<i64: 2, 16>, scalar_prefetch = 0 : i64, scratch_operands = 12 : i64, tpu.core_type = #tpu.core_type<sc_vector_subcore>, window_params = [{transform_indices = #map}, {transform_indices = #map1}]} {
    %mul3A = arith.constant 2 : i32
    %mul3A_0 = arith.muli %arg1, %mul3A : i32
    %add3A = arith.addi %mul3A_0, %arg0 : i32
    %broadcast_in_dim3A = arith.constant 1.000000e+00 : f32
    %broadcast_in_dim3A_1 = vector.broadcast %broadcast_in_dim3A : f32 to vector<16xf32>
    %scan3A = arith.constant 0 : i32
    %scan3A_2 = arith.constant 0 : i32
    %scan3A_3 = arith.constant 1250 : i32
    %scan3A_4 = arith.addi %scan3A_2, %scan3A_3 : i32
    %scan3A_5 = arith.constant 1 : i32
    %scan3A_6 = scf.for %scan3A_82 = %scan3A_2 to %scan3A_4 step %scan3A_5 iter_args(%scan3A_83 = %scan3A) -> (i32)  : i32 {
      %mul3A_84 = arith.constant 16 : i32
      %mul3A_85 = arith.muli %scan3A_82, %mul3A_84 : i32
      %swap3A = arith.index_cast %mul3A_85 : i32 to index
      %swap3A_86 = tpu.vector_load %arg7[%swap3A] {strides = array<i32>} : memref<20000xf32, #tpu.memory_space<vmem>>, vector<16xf32>,
      %swap3A_87 = vector.shape_cast %swap3A_86 : vector<16xf32> to vector<16xf32>
      %swap3A_88 = vector.shape_cast %broadcast_in_dim3A_1 : vector<16xf32> to vector<16xf32>
      tpu.vector_store %arg7[%swap3A], %swap3A_88 {strides = array<i32>} : memref<20000xf32, #tpu.memory_space<vmem>>, vector<16xf32>,
      %scan3A_89 = arith.constant 0 : i32
      scf.yield %scan3A_89 : i32
    }
    %scan3A_7 = arith.constant 1250 : i32
    %broadcast_in_dim3A_8 = arith.constant 0.000000e+00 : f32
    %broadcast_in_dim3A_9 = vector.broadcast %broadcast_in_dim3A_8 : f32 to vector<16xf32>
    %scan3A_10 = arith.constant 0 : i32
    %scan3A_11 = arith.constant 0 : i32
    %scan3A_12 = arith.constant 392 : i32
    %scan3A_13 = arith.addi %scan3A_11, %scan3A_12 : i32
    %scan3A_14 = arith.constant 1 : i32
    %scan3A_15 = scf.for %scan3A_82 = %scan3A_11 to %scan3A_13 step %scan3A_14 iter_args(%scan3A_83 = %scan3A_10) -> (i32)  : i32 {
      %mul3A_84 = arith.constant 16 : i32
      %mul3A_85 = arith.muli %scan3A_82, %mul3A_84 : i32
      %swap3A = arith.index_cast %mul3A_85 : i32 to index
      %swap3A_86 = tpu.vector_load %arg8[%swap3A] {strides = array<i32>} : memref<6272xf32, #tpu.memory_space<vmem>>, vector<16xf32>,
      %swap3A_87 = vector.shape_cast %swap3A_86 : vector<16xf32> to vector<16xf32>
      %swap3A_88 = vector.shape_cast %broadcast_in_dim3A_9 : vector<16xf32> to vector<16xf32>
      tpu.vector_store %arg8[%swap3A], %swap3A_88 {strides = array<i32>} : memref<6272xf32, #tpu.memory_space<vmem>>, vector<16xf32>,
      %scan3A_89 = arith.constant 0 : i32
      scf.yield %scan3A_89 : i32
    }
    %scan3A_16 = arith.constant 392 : i32
    %mul3A_17 = arith.constant 6272 : i32
    %mul3A_18 = arith.muli %arg1, %mul3A_17 : i32
    "tpu.region"() ({
      %run_scoped3A = tpu.sem_alloc : memref<!tpu.dma_semaphore, #tpu.memory_space<semaphore_mem>>
      %dma_start3A_82 = tpu.memref_slice %arg9[%mul3A_18] : memref<100352xf32, #tpu.memory_space<vmem_shared>> -> memref<6272xf32, #tpu.memory_space<vmem_shared>>
      %dma_start3A_83 = tpu.memref_slice %arg9[%mul3A_18] : memref<100352xf32, #tpu.memory_space<vmem_shared>> -> memref<6272xf32, #tpu.memory_space<vmem_shared>>
      tpu.enqueue_dma source(%arg8 : memref<6272xf32, #tpu.memory_space<vmem>>) target(%dma_start3A_83 : memref<6272xf32, #tpu.memory_space<vmem_shared>>) target_semaphore(%run_scoped3A : memref<!tpu.dma_semaphore, #tpu.memory_space<semaphore_mem>>)
      %dma_wait3A_84 = tpu.memref_slice %arg9[%mul3A_18] : memref<100352xf32, #tpu.memory_space<vmem_shared>> -> memref<6272xf32, #tpu.memory_space<vmem_shared>>
      %dma_wait3A_85 = tpu.memref_slice %arg9[%mul3A_18] : memref<100352xf32, #tpu.memory_space<vmem_shared>> -> memref<6272xf32, #tpu.memory_space<vmem_shared>>
      tpu.wait_dma2 semaphore(%run_scoped3A : memref<!tpu.dma_semaphore, #tpu.memory_space<semaphore_mem>>) src(%arg8 : memref<6272xf32, #tpu.memory_space<vmem>>) dst(%dma_wait3A_85 : memref<6272xf32, #tpu.memory_space<vmem_shared>>)
      tpu.yield
    }) : () -> ()
    %barrier3A = arith.constant 0 : index
    tpu.barrier barrier_id(%barrier3A)
    %add3A_19 = arith.constant 0 : i32
    %add3A_20 = arith.addi %add3A, %add3A_19 : i32
    %mul3A_21 = arith.constant 20000 : i32
    %mul3A_22 = arith.muli %add3A_20, %mul3A_21 : i32
    %dma_start3A = tpu.memref_slice %arg2[%mul3A_22] : memref<3200000xi32, #tpu.memory_space<hbm>> -> memref<20000xi32, #tpu.memory_space<hbm>>
    %dma_start3A_23 = tpu.memref_slice %arg2[%mul3A_22] : memref<3200000xi32, #tpu.memory_space<hbm>> -> memref<20000xi32, #tpu.memory_space<hbm>>
    tpu.enqueue_dma source(%dma_start3A_23 : memref<20000xi32, #tpu.memory_space<hbm>>) target(%arg4 : memref<20000xi32, #tpu.memory_space<vmem>>) target_semaphore(%arg10 : memref<!tpu.dma_semaphore, #tpu.memory_space<semaphore_mem>>)
    %add3A_24 = arith.constant 32 : i32
    %add3A_25 = arith.addi %add3A, %add3A_24 : i32
    %mul3A_26 = arith.constant 20000 : i32
    %mul3A_27 = arith.muli %add3A_25, %mul3A_26 : i32
    %dma_start3A_28 = tpu.memref_slice %arg2[%mul3A_27] : memref<3200000xi32, #tpu.memory_space<hbm>> -> memref<20000xi32, #tpu.memory_space<hbm>>
    %dma_start3A_29 = tpu.memref_slice %arg2[%mul3A_27] : memref<3200000xi32, #tpu.memory_space<hbm>> -> memref<20000xi32, #tpu.memory_space<hbm>>
    tpu.enqueue_dma source(%dma_start3A_29 : memref<20000xi32, #tpu.memory_space<hbm>>) target(%arg5 : memref<20000xi32, #tpu.memory_space<vmem>>) target_semaphore(%arg11 : memref<!tpu.dma_semaphore, #tpu.memory_space<semaphore_mem>>)
    %dma_wait3A = tpu.memref_slice %arg2[%mul3A_22] : memref<3200000xi32, #tpu.memory_space<hbm>> -> memref<20000xi32, #tpu.memory_space<hbm>>
    %dma_wait3A_30 = tpu.memref_slice %arg2[%mul3A_22] : memref<3200000xi32, #tpu.memory_space<hbm>> -> memref<20000xi32, #tpu.memory_space<hbm>>
    tpu.wait_dma2 semaphore(%arg10 : memref<!tpu.dma_semaphore, #tpu.memory_space<semaphore_mem>>) src(%dma_wait3A_30 : memref<20000xi32, #tpu.memory_space<hbm>>) dst(%arg4 : memref<20000xi32, #tpu.memory_space<vmem>>)
    %add3A_31 = arith.constant 64 : i32
    %add3A_32 = arith.addi %add3A, %add3A_31 : i32
    %mul3A_33 = arith.constant 20000 : i32
    %mul3A_34 = arith.muli %add3A_32, %mul3A_33 : i32
    %dma_start3A_35 = tpu.memref_slice %arg2[%mul3A_34] : memref<3200000xi32, #tpu.memory_space<hbm>> -> memref<20000xi32, #tpu.memory_space<hbm>>
    %dma_start3A_36 = tpu.memref_slice %arg2[%mul3A_34] : memref<3200000xi32, #tpu.memory_space<hbm>> -> memref<20000xi32, #tpu.memory_space<hbm>>
    tpu.enqueue_dma source(%dma_start3A_36 : memref<20000xi32, #tpu.memory_space<hbm>>) target(%arg6 : memref<20000xi32, #tpu.memory_space<vmem>>) target_semaphore(%arg12 : memref<!tpu.dma_semaphore, #tpu.memory_space<semaphore_mem>>)
    %dma_start3A_37 = arith.constant 0 : i32
    %dma_start3A_38 = tpu.memref_slice %arg9[%dma_start3A_37] : memref<100352xf32, #tpu.memory_space<vmem_shared>> -> memref<100352xf32, #tpu.memory_space<vmem_shared>>
    tpu.enqueue_indirect_dma source(%arg7 : memref<20000xf32, #tpu.memory_space<vmem>>) target(%dma_start3A_38 : memref<100352xf32, #tpu.memory_space<vmem_shared>>) offsets(%arg4 : memref<20000xi32, #tpu.memory_space<vmem>>) semaphore(%arg13 : memref<!tpu.dma_semaphore, #tpu.memory_space<semaphore_mem>>) {add = true}
    %dma_wait3A_39 = tpu.memref_slice %arg2[%mul3A_27] : memref<3200000xi32, #tpu.memory_space<hbm>> -> memref<20000xi32, #tpu.memory_space<hbm>>
    %dma_wait3A_40 = tpu.memref_slice %arg2[%mul3A_27] : memref<3200000xi32, #tpu.memory_space<hbm>> -> memref<20000xi32, #tpu.memory_space<hbm>>
    tpu.wait_dma2 semaphore(%arg11 : memref<!tpu.dma_semaphore, #tpu.memory_space<semaphore_mem>>) src(%dma_wait3A_40 : memref<20000xi32, #tpu.memory_space<hbm>>) dst(%arg5 : memref<20000xi32, #tpu.memory_space<vmem>>)
    %dma_wait3A_41 = arith.constant 0 : i32
    %dma_wait3A_42 = tpu.memref_slice %arg9[%dma_wait3A_41] : memref<100352xf32, #tpu.memory_space<vmem_shared>> -> memref<100352xf32, #tpu.memory_space<vmem_shared>>
    tpu.wait_indirect_dma semaphore(%arg13 : memref<!tpu.dma_semaphore, #tpu.memory_space<semaphore_mem>>) src(%arg7 : memref<20000xf32, #tpu.memory_space<vmem>>) dst(%dma_wait3A_42 : memref<100352xf32, #tpu.memory_space<vmem_shared>>)
    %add3A_43 = arith.constant 96 : i32
    %add3A_44 = arith.addi %add3A, %add3A_43 : i32
    %mul3A_45 = arith.constant 20000 : i32
    %mul3A_46 = arith.muli %add3A_44, %mul3A_45 : i32
    %dma_start3A_47 = tpu.memref_slice %arg2[%mul3A_46] : memref<3200000xi32, #tpu.memory_space<hbm>> -> memref<20000xi32, #tpu.memory_space<hbm>>
    %dma_start3A_48 = tpu.memref_slice %arg2[%mul3A_46] : memref<3200000xi32, #tpu.memory_space<hbm>> -> memref<20000xi32, #tpu.memory_space<hbm>>
    tpu.enqueue_dma source(%dma_start3A_48 : memref<20000xi32, #tpu.memory_space<hbm>>) target(%arg4 : memref<20000xi32, #tpu.memory_space<vmem>>) target_semaphore(%arg10 : memref<!tpu.dma_semaphore, #tpu.memory_space<semaphore_mem>>)
    %dma_start3A_49 = arith.constant 0 : i32
    %dma_start3A_50 = tpu.memref_slice %arg9[%dma_start3A_49] : memref<100352xf32, #tpu.memory_space<vmem_shared>> -> memref<100352xf32, #tpu.memory_space<vmem_shared>>
    tpu.enqueue_indirect_dma source(%arg7 : memref<20000xf32, #tpu.memory_space<vmem>>) target(%dma_start3A_50 : memref<100352xf32, #tpu.memory_space<vmem_shared>>) offsets(%arg5 : memref<20000xi32, #tpu.memory_space<vmem>>) semaphore(%arg14 : memref<!tpu.dma_semaphore, #tpu.memory_space<semaphore_mem>>) {add = true}
    %dma_wait3A_51 = tpu.memref_slice %arg2[%mul3A_34] : memref<3200000xi32, #tpu.memory_space<hbm>> -> memref<20000xi32, #tpu.memory_space<hbm>>
    %dma_wait3A_52 = tpu.memref_slice %arg2[%mul3A_34] : memref<3200000xi32, #tpu.memory_space<hbm>> -> memref<20000xi32, #tpu.memory_space<hbm>>
    tpu.wait_dma2 semaphore(%arg12 : memref<!tpu.dma_semaphore, #tpu.memory_space<semaphore_mem>>) src(%dma_wait3A_52 : memref<20000xi32, #tpu.memory_space<hbm>>) dst(%arg6 : memref<20000xi32, #tpu.memory_space<vmem>>)
    %dma_wait3A_53 = arith.constant 0 : i32
    %dma_wait3A_54 = tpu.memref_slice %arg9[%dma_wait3A_53] : memref<100352xf32, #tpu.memory_space<vmem_shared>> -> memref<100352xf32, #tpu.memory_space<vmem_shared>>
    tpu.wait_indirect_dma semaphore(%arg14 : memref<!tpu.dma_semaphore, #tpu.memory_space<semaphore_mem>>) src(%arg7 : memref<20000xf32, #tpu.memory_space<vmem>>) dst(%dma_wait3A_54 : memref<100352xf32, #tpu.memory_space<vmem_shared>>)
    %add3A_55 = arith.constant 128 : i32
    %add3A_56 = arith.addi %add3A, %add3A_55 : i32
    %mul3A_57 = arith.constant 20000 : i32
    %mul3A_58 = arith.muli %add3A_56, %mul3A_57 : i32
    %dma_start3A_59 = tpu.memref_slice %arg2[%mul3A_58] : memref<3200000xi32, #tpu.memory_space<hbm>> -> memref<20000xi32, #tpu.memory_space<hbm>>
    %dma_start3A_60 = tpu.memref_slice %arg2[%mul3A_58] : memref<3200000xi32, #tpu.memory_space<hbm>> -> memref<20000xi32, #tpu.memory_space<hbm>>
    tpu.enqueue_dma source(%dma_start3A_60 : memref<20000xi32, #tpu.memory_space<hbm>>) target(%arg5 : memref<20000xi32, #tpu.memory_space<vmem>>) target_semaphore(%arg11 : memref<!tpu.dma_semaphore, #tpu.memory_space<semaphore_mem>>)
    %dma_start3A_61 = arith.constant 0 : i32
    %dma_start3A_62 = tpu.memref_slice %arg9[%dma_start3A_61] : memref<100352xf32, #tpu.memory_space<vmem_shared>> -> memref<100352xf32, #tpu.memory_space<vmem_shared>>
    tpu.enqueue_indirect_dma source(%arg7 : memref<20000xf32, #tpu.memory_space<vmem>>) target(%dma_start3A_62 : memref<100352xf32, #tpu.memory_space<vmem_shared>>) offsets(%arg6 : memref<20000xi32, #tpu.memory_space<vmem>>) semaphore(%arg15 : memref<!tpu.dma_semaphore, #tpu.memory_space<semaphore_mem>>) {add = true}
    %dma_wait3A_63 = tpu.memref_slice %arg2[%mul3A_46] : memref<3200000xi32, #tpu.memory_space<hbm>> -> memref<20000xi32, #tpu.memory_space<hbm>>
    %dma_wait3A_64 = tpu.memref_slice %arg2[%mul3A_46] : memref<3200000xi32, #tpu.memory_space<hbm>> -> memref<20000xi32, #tpu.memory_space<hbm>>
    tpu.wait_dma2 semaphore(%arg10 : memref<!tpu.dma_semaphore, #tpu.memory_space<semaphore_mem>>) src(%dma_wait3A_64 : memref<20000xi32, #tpu.memory_space<hbm>>) dst(%arg4 : memref<20000xi32, #tpu.memory_space<vmem>>)
    %dma_wait3A_65 = arith.constant 0 : i32
    %dma_wait3A_66 = tpu.memref_slice %arg9[%dma_wait3A_65] : memref<100352xf32, #tpu.memory_space<vmem_shared>> -> memref<100352xf32, #tpu.memory_space<vmem_shared>>
    tpu.wait_indirect_dma semaphore(%arg15 : memref<!tpu.dma_semaphore, #tpu.memory_space<semaphore_mem>>) src(%arg7 : memref<20000xf32, #tpu.memory_space<vmem>>) dst(%dma_wait3A_66 : memref<100352xf32, #tpu.memory_space<vmem_shared>>)
    %dma_start3A_67 = arith.constant 0 : i32
    %dma_start3A_68 = tpu.memref_slice %arg9[%dma_start3A_67] : memref<100352xf32, #tpu.memory_space<vmem_shared>> -> memref<100352xf32, #tpu.memory_space<vmem_shared>>
    tpu.enqueue_indirect_dma source(%arg7 : memref<20000xf32, #tpu.memory_space<vmem>>) target(%dma_start3A_68 : memref<100352xf32, #tpu.memory_space<vmem_shared>>) offsets(%arg4 : memref<20000xi32, #tpu.memory_space<vmem>>) semaphore(%arg13 : memref<!tpu.dma_semaphore, #tpu.memory_space<semaphore_mem>>) {add = true}
    %dma_wait3A_69 = tpu.memref_slice %arg2[%mul3A_58] : memref<3200000xi32, #tpu.memory_space<hbm>> -> memref<20000xi32, #tpu.memory_space<hbm>>
    %dma_wait3A_70 = tpu.memref_slice %arg2[%mul3A_58] : memref<3200000xi32, #tpu.memory_space<hbm>> -> memref<20000xi32, #tpu.memory_space<hbm>>
    tpu.wait_dma2 semaphore(%arg11 : memref<!tpu.dma_semaphore, #tpu.memory_space<semaphore_mem>>) src(%dma_wait3A_70 : memref<20000xi32, #tpu.memory_space<hbm>>) dst(%arg5 : memref<20000xi32, #tpu.memory_space<vmem>>)
    %dma_wait3A_71 = arith.constant 0 : i32
    %dma_wait3A_72 = tpu.memref_slice %arg9[%dma_wait3A_71] : memref<100352xf32, #tpu.memory_space<vmem_shared>> -> memref<100352xf32, #tpu.memory_space<vmem_shared>>
    tpu.wait_indirect_dma semaphore(%arg13 : memref<!tpu.dma_semaphore, #tpu.memory_space<semaphore_mem>>) src(%arg7 : memref<20000xf32, #tpu.memory_space<vmem>>) dst(%dma_wait3A_72 : memref<100352xf32, #tpu.memory_space<vmem_shared>>)
    %dma_start3A_73 = arith.constant 0 : i32
    %dma_start3A_74 = tpu.memref_slice %arg9[%dma_start3A_73] : memref<100352xf32, #tpu.memory_space<vmem_shared>> -> memref<100352xf32, #tpu.memory_space<vmem_shared>>
    tpu.enqueue_indirect_dma source(%arg7 : memref<20000xf32, #tpu.memory_space<vmem>>) target(%dma_start3A_74 : memref<100352xf32, #tpu.memory_space<vmem_shared>>) offsets(%arg5 : memref<20000xi32, #tpu.memory_space<vmem>>) semaphore(%arg14 : memref<!tpu.dma_semaphore, #tpu.memory_space<semaphore_mem>>) {add = true}
    %dma_wait3A_75 = arith.constant 0 : i32
    %dma_wait3A_76 = tpu.memref_slice %arg9[%dma_wait3A_75] : memref<100352xf32, #tpu.memory_space<vmem_shared>> -> memref<100352xf32, #tpu.memory_space<vmem_shared>>
    tpu.wait_indirect_dma semaphore(%arg14 : memref<!tpu.dma_semaphore, #tpu.memory_space<semaphore_mem>>) src(%arg7 : memref<20000xf32, #tpu.memory_space<vmem>>) dst(%dma_wait3A_76 : memref<100352xf32, #tpu.memory_space<vmem_shared>>)
    %barrier3A_77 = arith.constant 0 : index
    tpu.barrier barrier_id(%barrier3A_77)
    %mul3A_78 = arith.constant 6272 : i32
    %mul3A_79 = arith.muli %arg1, %mul3A_78 : i32
    %mul3A_80 = arith.constant 6272 : i32
    %mul3A_81 = arith.muli %arg1, %mul3A_80 : i32
    "tpu.region"() ({
      %run_scoped3A = tpu.sem_alloc : memref<!tpu.dma_semaphore, #tpu.memory_space<semaphore_mem>>
      %dma_start3A_82 = tpu.memref_slice %arg3[%arg0, %mul3A_81] : memref<2x100352xf32, #tpu.memory_space<hbm>> -> memref<1x6272xf32, #tpu.memory_space<hbm>>
      %dma_start3A_83 = tpu.memref_squeeze %dma_start3A_82 : memref<1x6272xf32, #tpu.memory_space<hbm>> -> memref<6272xf32, #tpu.memory_space<hbm>>
      %dma_start3A_84 = tpu.memref_slice %arg9[%mul3A_79] : memref<100352xf32, #tpu.memory_space<vmem_shared>> -> memref<6272xf32, #tpu.memory_space<vmem_shared>>
      tpu.enqueue_dma source(%dma_start3A_84 : memref<6272xf32, #tpu.memory_space<vmem_shared>>) target(%dma_start3A_83 : memref<6272xf32, #tpu.memory_space<hbm>>) target_semaphore(%run_scoped3A : memref<!tpu.dma_semaphore, #tpu.memory_space<semaphore_mem>>)
      %dma_wait3A_85 = tpu.memref_slice %arg3[%arg0, %mul3A_81] : memref<2x100352xf32, #tpu.memory_space<hbm>> -> memref<1x6272xf32, #tpu.memory_space<hbm>>
      %dma_wait3A_86 = tpu.memref_squeeze %dma_wait3A_85 : memref<1x6272xf32, #tpu.memory_space<hbm>> -> memref<6272xf32, #tpu.memory_space<hbm>>
      %dma_wait3A_87 = tpu.memref_slice %arg9[%mul3A_79] : memref<100352xf32, #tpu.memory_space<vmem_shared>> -> memref<6272xf32, #tpu.memory_space<vmem_shared>>
      tpu.wait_dma2 semaphore(%run_scoped3A : memref<!tpu.dma_semaphore, #tpu.memory_space<semaphore_mem>>) src(%dma_wait3A_87 : memref<6272xf32, #tpu.memory_space<vmem_shared>>) dst(%dma_wait3A_86 : memref<6272xf32, #tpu.memory_space<hbm>>)
      tpu.yield
    }) : () -> ()
    return
  }
}

#map = affine_map<(d0, d1) -> (0)>
#map1 = affine_map<(d0, d1) -> (0, 0)>
module attributes {stable_mosaic.version = 14 : i64} {
  func.func @body(%arg0: i32, %arg1: i32, %arg2: memref<3200000xi32, #tpu.memory_space<hbm>>, %arg3: memref<3200000xi32, #tpu.memory_space<hbm>>, %arg4: memref<100352xf32, #tpu.memory_space<hbm>>, %arg5: memref<2x100352xf32, #tpu.memory_space<hbm>>, %arg6: memref<10000xi32, #tpu.memory_space<vmem>>, %arg7: memref<10000xi32, #tpu.memory_space<vmem>>, %arg8: memref<10000xi32, #tpu.memory_space<vmem>>, %arg9: memref<10000xi32, #tpu.memory_space<vmem>>, %arg10: memref<10000xi32, #tpu.memory_space<vmem>>, %arg11: memref<10000xi32, #tpu.memory_space<vmem>>, %arg12: memref<10000xf32, #tpu.memory_space<vmem>>, %arg13: memref<10000xf32, #tpu.memory_space<vmem>>, %arg14: memref<10000xf32, #tpu.memory_space<vmem>>, %arg15: memref<6272xf32, #tpu.memory_space<vmem>>, %arg16: memref<100352xf32, #tpu.memory_space<vmem_shared>>, %arg17: memref<100352xf32, #tpu.memory_space<vmem_shared>>, %arg18: memref<!tpu.dma_semaphore, #tpu.memory_space<semaphore_mem>>, %arg19: memref<!tpu.dma_semaphore, #tpu.memory_space<semaphore_mem>>, %arg20: memref<!tpu.dma_semaphore, #tpu.memory_space<semaphore_mem>>, %arg21: memref<!tpu.dma_semaphore, #tpu.memory_space<semaphore_mem>>, %arg22: memref<!tpu.dma_semaphore, #tpu.memory_space<semaphore_mem>>, %arg23: memref<!tpu.dma_semaphore, #tpu.memory_space<semaphore_mem>>, %arg24: memref<!tpu.dma_semaphore, #tpu.memory_space<semaphore_mem>>, %arg25: memref<!tpu.dma_semaphore, #tpu.memory_space<semaphore_mem>>, %arg26: memref<!tpu.dma_semaphore, #tpu.memory_space<semaphore_mem>>) attributes {dimension_semantics = [#tpu.dimension_semantics<core_parallel>, #tpu.dimension_semantics<subcore_parallel>], iteration_bounds = array<i64: 2, 16>, scalar_prefetch = 0 : i64, scratch_operands = 21 : i64, tpu.core_type = #tpu.core_type<sc_vector_subcore>, window_params = [{transform_indices = #map}, {transform_indices = #map}, {transform_indices = #map}, {transform_indices = #map1}]} {
    %mul3A = arith.constant 2 : i32
    %mul3A_0 = arith.muli %arg1, %mul3A : i32
    %add3A = arith.addi %mul3A_0, %arg0 : i32
    %broadcast_in_dim3A = arith.constant 0.000000e+00 : f32
    %broadcast_in_dim3A_1 = vector.broadcast %broadcast_in_dim3A : f32 to vector<16xf32>
    %scan3A = arith.constant 0 : i32
    %scan3A_2 = arith.constant 0 : i32
    %scan3A_3 = arith.constant 392 : i32
    %scan3A_4 = arith.addi %scan3A_2, %scan3A_3 : i32
    %scan3A_5 = arith.constant 1 : i32
    %scan3A_6 = scf.for %scan3A_237 = %scan3A_2 to %scan3A_4 step %scan3A_5 iter_args(%scan3A_238 = %scan3A) -> (i32)  : i32 {
      %mul3A_239 = arith.constant 16 : i32
      %mul3A_240 = arith.muli %scan3A_237, %mul3A_239 : i32
      %swap3A = arith.index_cast %mul3A_240 : i32 to index
      %swap3A_241 = tpu.vector_load %arg15[%swap3A] {strides = array<i32>} : memref<6272xf32, #tpu.memory_space<vmem>>, vector<16xf32>,
      %swap3A_242 = vector.shape_cast %swap3A_241 : vector<16xf32> to vector<16xf32>
      %swap3A_243 = vector.shape_cast %broadcast_in_dim3A_1 : vector<16xf32> to vector<16xf32>
      tpu.vector_store %arg15[%swap3A], %swap3A_243 {strides = array<i32>} : memref<6272xf32, #tpu.memory_space<vmem>>, vector<16xf32>,
      %scan3A_244 = arith.constant 0 : i32
      scf.yield %scan3A_244 : i32
    }
    %scan3A_7 = arith.constant 392 : i32
    %mul3A_8 = arith.constant 6272 : i32
    %mul3A_9 = arith.muli %arg1, %mul3A_8 : i32
    "tpu.region"() ({
      %run_scoped3A = tpu.sem_alloc : memref<!tpu.dma_semaphore, #tpu.memory_space<semaphore_mem>>
      %dma_start3A_237 = tpu.memref_slice %arg16[%mul3A_9] : memref<100352xf32, #tpu.memory_space<vmem_shared>> -> memref<6272xf32, #tpu.memory_space<vmem_shared>>
      %dma_start3A_238 = tpu.memref_slice %arg16[%mul3A_9] : memref<100352xf32, #tpu.memory_space<vmem_shared>> -> memref<6272xf32, #tpu.memory_space<vmem_shared>>
      tpu.enqueue_dma source(%arg15 : memref<6272xf32, #tpu.memory_space<vmem>>) target(%dma_start3A_238 : memref<6272xf32, #tpu.memory_space<vmem_shared>>) target_semaphore(%run_scoped3A : memref<!tpu.dma_semaphore, #tpu.memory_space<semaphore_mem>>)
      %dma_wait3A_239 = tpu.memref_slice %arg16[%mul3A_9] : memref<100352xf32, #tpu.memory_space<vmem_shared>> -> memref<6272xf32, #tpu.memory_space<vmem_shared>>
      %dma_wait3A_240 = tpu.memref_slice %arg16[%mul3A_9] : memref<100352xf32, #tpu.memory_space<vmem_shared>> -> memref<6272xf32, #tpu.memory_space<vmem_shared>>
      tpu.wait_dma2 semaphore(%run_scoped3A : memref<!tpu.dma_semaphore, #tpu.memory_space<semaphore_mem>>) src(%arg15 : memref<6272xf32, #tpu.memory_space<vmem>>) dst(%dma_wait3A_240 : memref<6272xf32, #tpu.memory_space<vmem_shared>>)
      tpu.yield
    }) : () -> ()
    %mul3A_10 = arith.constant 6272 : i32
    %mul3A_11 = arith.muli %arg1, %mul3A_10 : i32
    %mul3A_12 = arith.constant 6272 : i32
    %mul3A_13 = arith.muli %arg1, %mul3A_12 : i32
    "tpu.region"() ({
      %run_scoped3A = tpu.sem_alloc : memref<!tpu.dma_semaphore, #tpu.memory_space<semaphore_mem>>
      %dma_start3A_237 = tpu.memref_slice %arg17[%mul3A_13] : memref<100352xf32, #tpu.memory_space<vmem_shared>> -> memref<6272xf32, #tpu.memory_space<vmem_shared>>
      %dma_start3A_238 = tpu.memref_slice %arg4[%mul3A_11] : memref<100352xf32, #tpu.memory_space<hbm>> -> memref<6272xf32, #tpu.memory_space<hbm>>
      tpu.enqueue_dma source(%dma_start3A_238 : memref<6272xf32, #tpu.memory_space<hbm>>) target(%dma_start3A_237 : memref<6272xf32, #tpu.memory_space<vmem_shared>>) target_semaphore(%run_scoped3A : memref<!tpu.dma_semaphore, #tpu.memory_space<semaphore_mem>>)
      %dma_wait3A_239 = tpu.memref_slice %arg17[%mul3A_13] : memref<100352xf32, #tpu.memory_space<vmem_shared>> -> memref<6272xf32, #tpu.memory_space<vmem_shared>>
      %dma_wait3A_240 = tpu.memref_slice %arg4[%mul3A_11] : memref<100352xf32, #tpu.memory_space<hbm>> -> memref<6272xf32, #tpu.memory_space<hbm>>
      tpu.wait_dma2 semaphore(%run_scoped3A : memref<!tpu.dma_semaphore, #tpu.memory_space<semaphore_mem>>) src(%dma_wait3A_240 : memref<6272xf32, #tpu.memory_space<hbm>>) dst(%dma_wait3A_239 : memref<6272xf32, #tpu.memory_space<vmem_shared>>)
      tpu.yield
    }) : () -> ()
    %barrier3A = arith.constant 0 : index
    tpu.barrier barrier_id(%barrier3A)
    %add3A_14 = arith.constant 0 : i32
    %add3A_15 = arith.addi %add3A, %add3A_14 : i32
    %mul3A_16 = arith.constant 10000 : i32
    %mul3A_17 = arith.muli %add3A_15, %mul3A_16 : i32
    %dma_start3A = tpu.memref_slice %arg2[%mul3A_17] : memref<3200000xi32, #tpu.memory_space<hbm>> -> memref<10000xi32, #tpu.memory_space<hbm>>
    %dma_start3A_18 = tpu.memref_slice %arg2[%mul3A_17] : memref<3200000xi32, #tpu.memory_space<hbm>> -> memref<10000xi32, #tpu.memory_space<hbm>>
    tpu.enqueue_dma source(%dma_start3A_18 : memref<10000xi32, #tpu.memory_space<hbm>>) target(%arg6 : memref<10000xi32, #tpu.memory_space<vmem>>) target_semaphore(%arg18 : memref<!tpu.dma_semaphore, #tpu.memory_space<semaphore_mem>>)
    %mul3A_19 = arith.constant 10000 : i32
    %mul3A_20 = arith.muli %add3A_15, %mul3A_19 : i32
    %dma_start3A_21 = tpu.memref_slice %arg3[%mul3A_20] : memref<3200000xi32, #tpu.memory_space<hbm>> -> memref<10000xi32, #tpu.memory_space<hbm>>
    %dma_start3A_22 = tpu.memref_slice %arg3[%mul3A_20] : memref<3200000xi32, #tpu.memory_space<hbm>> -> memref<10000xi32, #tpu.memory_space<hbm>>
    tpu.enqueue_dma source(%dma_start3A_22 : memref<10000xi32, #tpu.memory_space<hbm>>) target(%arg9 : memref<10000xi32, #tpu.memory_space<vmem>>) target_semaphore(%arg18 : memref<!tpu.dma_semaphore, #tpu.memory_space<semaphore_mem>>)
    %add3A_23 = arith.constant 32 : i32
    %add3A_24 = arith.addi %add3A, %add3A_23 : i32
    %mul3A_25 = arith.constant 10000 : i32
    %mul3A_26 = arith.muli %add3A_24, %mul3A_25 : i32
    %dma_start3A_27 = tpu.memref_slice %arg2[%mul3A_26] : memref<3200000xi32, #tpu.memory_space<hbm>> -> memref<10000xi32, #tpu.memory_space<hbm>>
    %dma_start3A_28 = tpu.memref_slice %arg2[%mul3A_26] : memref<3200000xi32, #tpu.memory_space<hbm>> -> memref<10000xi32, #tpu.memory_space<hbm>>
    tpu.enqueue_dma source(%dma_start3A_28 : memref<10000xi32, #tpu.memory_space<hbm>>) target(%arg7 : memref<10000xi32, #tpu.memory_space<vmem>>) target_semaphore(%arg19 : memref<!tpu.dma_semaphore, #tpu.memory_space<semaphore_mem>>)
    %mul3A_29 = arith.constant 10000 : i32
    %mul3A_30 = arith.muli %add3A_24, %mul3A_29 : i32
    %dma_start3A_31 = tpu.memref_slice %arg3[%mul3A_30] : memref<3200000xi32, #tpu.memory_space<hbm>> -> memref<10000xi32, #tpu.memory_space<hbm>>
    %dma_start3A_32 = tpu.memref_slice %arg3[%mul3A_30] : memref<3200000xi32, #tpu.memory_space<hbm>> -> memref<10000xi32, #tpu.memory_space<hbm>>
    tpu.enqueue_dma source(%dma_start3A_32 : memref<10000xi32, #tpu.memory_space<hbm>>) target(%arg10 : memref<10000xi32, #tpu.memory_space<vmem>>) target_semaphore(%arg19 : memref<!tpu.dma_semaphore, #tpu.memory_space<semaphore_mem>>)
    %dma_wait3A = tpu.memref_slice %arg2[%mul3A_17] : memref<3200000xi32, #tpu.memory_space<hbm>> -> memref<10000xi32, #tpu.memory_space<hbm>>
    %dma_wait3A_33 = tpu.memref_slice %arg2[%mul3A_17] : memref<3200000xi32, #tpu.memory_space<hbm>> -> memref<10000xi32, #tpu.memory_space<hbm>>
    tpu.wait_dma2 semaphore(%arg18 : memref<!tpu.dma_semaphore, #tpu.memory_space<semaphore_mem>>) src(%dma_wait3A_33 : memref<10000xi32, #tpu.memory_space<hbm>>) dst(%arg6 : memref<10000xi32, #tpu.memory_space<vmem>>)
    %dma_wait3A_34 = tpu.memref_slice %arg3[%mul3A_20] : memref<3200000xi32, #tpu.memory_space<hbm>> -> memref<10000xi32, #tpu.memory_space<hbm>>
    %dma_wait3A_35 = tpu.memref_slice %arg3[%mul3A_20] : memref<3200000xi32, #tpu.memory_space<hbm>> -> memref<10000xi32, #tpu.memory_space<hbm>>
    tpu.wait_dma2 semaphore(%arg18 : memref<!tpu.dma_semaphore, #tpu.memory_space<semaphore_mem>>) src(%dma_wait3A_35 : memref<10000xi32, #tpu.memory_space<hbm>>) dst(%arg9 : memref<10000xi32, #tpu.memory_space<vmem>>)
    %dma_start3A_36 = arith.constant 0 : i32
    %dma_start3A_37 = tpu.memref_slice %arg17[%dma_start3A_36] : memref<100352xf32, #tpu.memory_space<vmem_shared>> -> memref<100352xf32, #tpu.memory_space<vmem_shared>>
    tpu.enqueue_indirect_dma source(%dma_start3A_37 : memref<100352xf32, #tpu.memory_space<vmem_shared>>) target(%arg12 : memref<10000xf32, #tpu.memory_space<vmem>>) offsets(%arg6 : memref<10000xi32, #tpu.memory_space<vmem>>) semaphore(%arg21 : memref<!tpu.dma_semaphore, #tpu.memory_space<semaphore_mem>>)
    %add3A_38 = arith.constant 64 : i32
    %add3A_39 = arith.addi %add3A, %add3A_38 : i32
    %mul3A_40 = arith.constant 10000 : i32
    %mul3A_41 = arith.muli %add3A_39, %mul3A_40 : i32
    %dma_start3A_42 = tpu.memref_slice %arg2[%mul3A_41] : memref<3200000xi32, #tpu.memory_space<hbm>> -> memref<10000xi32, #tpu.memory_space<hbm>>
    %dma_start3A_43 = tpu.memref_slice %arg2[%mul3A_41] : memref<3200000xi32, #tpu.memory_space<hbm>> -> memref<10000xi32, #tpu.memory_space<hbm>>
    tpu.enqueue_dma source(%dma_start3A_43 : memref<10000xi32, #tpu.memory_space<hbm>>) target(%arg8 : memref<10000xi32, #tpu.memory_space<vmem>>) target_semaphore(%arg20 : memref<!tpu.dma_semaphore, #tpu.memory_space<semaphore_mem>>)
    %mul3A_44 = arith.constant 10000 : i32
    %mul3A_45 = arith.muli %add3A_39, %mul3A_44 : i32
    %dma_start3A_46 = tpu.memref_slice %arg3[%mul3A_45] : memref<3200000xi32, #tpu.memory_space<hbm>> -> memref<10000xi32, #tpu.memory_space<hbm>>
    %dma_start3A_47 = tpu.memref_slice %arg3[%mul3A_45] : memref<3200000xi32, #tpu.memory_space<hbm>> -> memref<10000xi32, #tpu.memory_space<hbm>>
    tpu.enqueue_dma source(%dma_start3A_47 : memref<10000xi32, #tpu.memory_space<hbm>>) target(%arg11 : memref<10000xi32, #tpu.memory_space<vmem>>) target_semaphore(%arg20 : memref<!tpu.dma_semaphore, #tpu.memory_space<semaphore_mem>>)
    %dma_wait3A_48 = arith.constant 0 : i32
    %dma_wait3A_49 = tpu.memref_slice %arg17[%dma_wait3A_48] : memref<100352xf32, #tpu.memory_space<vmem_shared>> -> memref<100352xf32, #tpu.memory_space<vmem_shared>>
    tpu.wait_indirect_dma semaphore(%arg21 : memref<!tpu.dma_semaphore, #tpu.memory_space<semaphore_mem>>) src(%dma_wait3A_49 : memref<100352xf32, #tpu.memory_space<vmem_shared>>) dst(%arg12 : memref<10000xf32, #tpu.memory_space<vmem>>)
    %dma_start3A_50 = arith.constant 0 : i32
    %dma_start3A_51 = tpu.memref_slice %arg16[%dma_start3A_50] : memref<100352xf32, #tpu.memory_space<vmem_shared>> -> memref<100352xf32, #tpu.memory_space<vmem_shared>>
    tpu.enqueue_indirect_dma source(%arg12 : memref<10000xf32, #tpu.memory_space<vmem>>) target(%dma_start3A_51 : memref<100352xf32, #tpu.memory_space<vmem_shared>>) offsets(%arg9 : memref<10000xi32, #tpu.memory_space<vmem>>) semaphore(%arg24 : memref<!tpu.dma_semaphore, #tpu.memory_space<semaphore_mem>>) {add = true}
    %dma_wait3A_52 = tpu.memref_slice %arg2[%mul3A_26] : memref<3200000xi32, #tpu.memory_space<hbm>> -> memref<10000xi32, #tpu.memory_space<hbm>>
    %dma_wait3A_53 = tpu.memref_slice %arg2[%mul3A_26] : memref<3200000xi32, #tpu.memory_space<hbm>> -> memref<10000xi32, #tpu.memory_space<hbm>>
    tpu.wait_dma2 semaphore(%arg19 : memref<!tpu.dma_semaphore, #tpu.memory_space<semaphore_mem>>) src(%dma_wait3A_53 : memref<10000xi32, #tpu.memory_space<hbm>>) dst(%arg7 : memref<10000xi32, #tpu.memory_space<vmem>>)
    %dma_wait3A_54 = tpu.memref_slice %arg3[%mul3A_30] : memref<3200000xi32, #tpu.memory_space<hbm>> -> memref<10000xi32, #tpu.memory_space<hbm>>
    %dma_wait3A_55 = tpu.memref_slice %arg3[%mul3A_30] : memref<3200000xi32, #tpu.memory_space<hbm>> -> memref<10000xi32, #tpu.memory_space<hbm>>
    tpu.wait_dma2 semaphore(%arg19 : memref<!tpu.dma_semaphore, #tpu.memory_space<semaphore_mem>>) src(%dma_wait3A_55 : memref<10000xi32, #tpu.memory_space<hbm>>) dst(%arg10 : memref<10000xi32, #tpu.memory_space<vmem>>)
    %dma_start3A_56 = arith.constant 0 : i32
    %dma_start3A_57 = tpu.memref_slice %arg17[%dma_start3A_56] : memref<100352xf32, #tpu.memory_space<vmem_shared>> -> memref<100352xf32, #tpu.memory_space<vmem_shared>>
    tpu.enqueue_indirect_dma source(%dma_start3A_57 : memref<100352xf32, #tpu.memory_space<vmem_shared>>) target(%arg13 : memref<10000xf32, #tpu.memory_space<vmem>>) offsets(%arg7 : memref<10000xi32, #tpu.memory_space<vmem>>) semaphore(%arg22 : memref<!tpu.dma_semaphore, #tpu.memory_space<semaphore_mem>>)
    %dma_wait3A_58 = arith.constant 0 : i32
    %dma_wait3A_59 = tpu.memref_slice %arg16[%dma_wait3A_58] : memref<100352xf32, #tpu.memory_space<vmem_shared>> -> memref<100352xf32, #tpu.memory_space<vmem_shared>>
    tpu.wait_indirect_dma semaphore(%arg24 : memref<!tpu.dma_semaphore, #tpu.memory_space<semaphore_mem>>) src(%arg12 : memref<10000xf32, #tpu.memory_space<vmem>>) dst(%dma_wait3A_59 : memref<100352xf32, #tpu.memory_space<vmem_shared>>)
    %add3A_60 = arith.constant 96 : i32
    %add3A_61 = arith.addi %add3A, %add3A_60 : i32
    %mul3A_62 = arith.constant 10000 : i32
    %mul3A_63 = arith.muli %add3A_61, %mul3A_62 : i32
    %dma_start3A_64 = tpu.memref_slice %arg2[%mul3A_63] : memref<3200000xi32, #tpu.memory_space<hbm>> -> memref<10000xi32, #tpu.memory_space<hbm>>
    %dma_start3A_65 = tpu.memref_slice %arg2[%mul3A_63] : memref<3200000xi32, #tpu.memory_space<hbm>> -> memref<10000xi32, #tpu.memory_space<hbm>>
    tpu.enqueue_dma source(%dma_start3A_65 : memref<10000xi32, #tpu.memory_space<hbm>>) target(%arg6 : memref<10000xi32, #tpu.memory_space<vmem>>) target_semaphore(%arg18 : memref<!tpu.dma_semaphore, #tpu.memory_space<semaphore_mem>>)
    %mul3A_66 = arith.constant 10000 : i32
    %mul3A_67 = arith.muli %add3A_61, %mul3A_66 : i32
    %dma_start3A_68 = tpu.memref_slice %arg3[%mul3A_67] : memref<3200000xi32, #tpu.memory_space<hbm>> -> memref<10000xi32, #tpu.memory_space<hbm>>
    %dma_start3A_69 = tpu.memref_slice %arg3[%mul3A_67] : memref<3200000xi32, #tpu.memory_space<hbm>> -> memref<10000xi32, #tpu.memory_space<hbm>>
    tpu.enqueue_dma source(%dma_start3A_69 : memref<10000xi32, #tpu.memory_space<hbm>>) target(%arg9 : memref<10000xi32, #tpu.memory_space<vmem>>) target_semaphore(%arg18 : memref<!tpu.dma_semaphore, #tpu.memory_space<semaphore_mem>>)
    %dma_wait3A_70 = arith.constant 0 : i32
    %dma_wait3A_71 = tpu.memref_slice %arg17[%dma_wait3A_70] : memref<100352xf32, #tpu.memory_space<vmem_shared>> -> memref<100352xf32, #tpu.memory_space<vmem_shared>>
    tpu.wait_indirect_dma semaphore(%arg22 : memref<!tpu.dma_semaphore, #tpu.memory_space<semaphore_mem>>) src(%dma_wait3A_71 : memref<100352xf32, #tpu.memory_space<vmem_shared>>) dst(%arg13 : memref<10000xf32, #tpu.memory_space<vmem>>)
    %dma_start3A_72 = arith.constant 0 : i32
    %dma_start3A_73 = tpu.memref_slice %arg16[%dma_start3A_72] : memref<100352xf32, #tpu.memory_space<vmem_shared>> -> memref<100352xf32, #tpu.memory_space<vmem_shared>>
    tpu.enqueue_indirect_dma source(%arg13 : memref<10000xf32, #tpu.memory_space<vmem>>) target(%dma_start3A_73 : memref<100352xf32, #tpu.memory_space<vmem_shared>>) offsets(%arg10 : memref<10000xi32, #tpu.memory_space<vmem>>) semaphore(%arg25 : memref<!tpu.dma_semaphore, #tpu.memory_space<semaphore_mem>>) {add = true}
    %dma_wait3A_74 = tpu.memref_slice %arg2[%mul3A_41] : memref<3200000xi32, #tpu.memory_space<hbm>> -> memref<10000xi32, #tpu.memory_space<hbm>>
    %dma_wait3A_75 = tpu.memref_slice %arg2[%mul3A_41] : memref<3200000xi32, #tpu.memory_space<hbm>> -> memref<10000xi32, #tpu.memory_space<hbm>>
    tpu.wait_dma2 semaphore(%arg20 : memref<!tpu.dma_semaphore, #tpu.memory_space<semaphore_mem>>) src(%dma_wait3A_75 : memref<10000xi32, #tpu.memory_space<hbm>>) dst(%arg8 : memref<10000xi32, #tpu.memory_space<vmem>>)
    %dma_wait3A_76 = tpu.memref_slice %arg3[%mul3A_45] : memref<3200000xi32, #tpu.memory_space<hbm>> -> memref<10000xi32, #tpu.memory_space<hbm>>
    %dma_wait3A_77 = tpu.memref_slice %arg3[%mul3A_45] : memref<3200000xi32, #tpu.memory_space<hbm>> -> memref<10000xi32, #tpu.memory_space<hbm>>
    tpu.wait_dma2 semaphore(%arg20 : memref<!tpu.dma_semaphore, #tpu.memory_space<semaphore_mem>>) src(%dma_wait3A_77 : memref<10000xi32, #tpu.memory_space<hbm>>) dst(%arg11 : memref<10000xi32, #tpu.memory_space<vmem>>)
    %dma_start3A_78 = arith.constant 0 : i32
    %dma_start3A_79 = tpu.memref_slice %arg17[%dma_start3A_78] : memref<100352xf32, #tpu.memory_space<vmem_shared>> -> memref<100352xf32, #tpu.memory_space<vmem_shared>>
    tpu.enqueue_indirect_dma source(%dma_start3A_79 : memref<100352xf32, #tpu.memory_space<vmem_shared>>) target(%arg14 : memref<10000xf32, #tpu.memory_space<vmem>>) offsets(%arg8 : memref<10000xi32, #tpu.memory_space<vmem>>) semaphore(%arg23 : memref<!tpu.dma_semaphore, #tpu.memory_space<semaphore_mem>>)
    %dma_wait3A_80 = arith.constant 0 : i32
    %dma_wait3A_81 = tpu.memref_slice %arg16[%dma_wait3A_80] : memref<100352xf32, #tpu.memory_space<vmem_shared>> -> memref<100352xf32, #tpu.memory_space<vmem_shared>>
    tpu.wait_indirect_dma semaphore(%arg25 : memref<!tpu.dma_semaphore, #tpu.memory_space<semaphore_mem>>) src(%arg13 : memref<10000xf32, #tpu.memory_space<vmem>>) dst(%dma_wait3A_81 : memref<100352xf32, #tpu.memory_space<vmem_shared>>)
    %add3A_82 = arith.constant 128 : i32
    %add3A_83 = arith.addi %add3A, %add3A_82 : i32
    %mul3A_84 = arith.constant 10000 : i32
    %mul3A_85 = arith.muli %add3A_83, %mul3A_84 : i32
    %dma_start3A_86 = tpu.memref_slice %arg2[%mul3A_85] : memref<3200000xi32, #tpu.memory_space<hbm>> -> memref<10000xi32, #tpu.memory_space<hbm>>
    %dma_start3A_87 = tpu.memref_slice %arg2[%mul3A_85] : memref<3200000xi32, #tpu.memory_space<hbm>> -> memref<10000xi32, #tpu.memory_space<hbm>>
    tpu.enqueue_dma source(%dma_start3A_87 : memref<10000xi32, #tpu.memory_space<hbm>>) target(%arg7 : memref<10000xi32, #tpu.memory_space<vmem>>) target_semaphore(%arg19 : memref<!tpu.dma_semaphore, #tpu.memory_space<semaphore_mem>>)
    %mul3A_88 = arith.constant 10000 : i32
    %mul3A_89 = arith.muli %add3A_83, %mul3A_88 : i32
    %dma_start3A_90 = tpu.memref_slice %arg3[%mul3A_89] : memref<3200000xi32, #tpu.memory_space<hbm>> -> memref<10000xi32, #tpu.memory_space<hbm>>
    %dma_start3A_91 = tpu.memref_slice %arg3[%mul3A_89] : memref<3200000xi32, #tpu.memory_space<hbm>> -> memref<10000xi32, #tpu.memory_space<hbm>>
    tpu.enqueue_dma source(%dma_start3A_91 : memref<10000xi32, #tpu.memory_space<hbm>>) target(%arg10 : memref<10000xi32, #tpu.memory_space<vmem>>) target_semaphore(%arg19 : memref<!tpu.dma_semaphore, #tpu.memory_space<semaphore_mem>>)
    %dma_wait3A_92 = arith.constant 0 : i32
    %dma_wait3A_93 = tpu.memref_slice %arg17[%dma_wait3A_92] : memref<100352xf32, #tpu.memory_space<vmem_shared>> -> memref<100352xf32, #tpu.memory_space<vmem_shared>>
    tpu.wait_indirect_dma semaphore(%arg23 : memref<!tpu.dma_semaphore, #tpu.memory_space<semaphore_mem>>) src(%dma_wait3A_93 : memref<100352xf32, #tpu.memory_space<vmem_shared>>) dst(%arg14 : memref<10000xf32, #tpu.memory_space<vmem>>)
    %dma_start3A_94 = arith.constant 0 : i32
    %dma_start3A_95 = tpu.memref_slice %arg16[%dma_start3A_94] : memref<100352xf32, #tpu.memory_space<vmem_shared>> -> memref<100352xf32, #tpu.memory_space<vmem_shared>>
    tpu.enqueue_indirect_dma source(%arg14 : memref<10000xf32, #tpu.memory_space<vmem>>) target(%dma_start3A_95 : memref<100352xf32, #tpu.memory_space<vmem_shared>>) offsets(%arg11 : memref<10000xi32, #tpu.memory_space<vmem>>) semaphore(%arg26 : memref<!tpu.dma_semaphore, #tpu.memory_space<semaphore_mem>>) {add = true}
    %dma_wait3A_96 = tpu.memref_slice %arg2[%mul3A_63] : memref<3200000xi32, #tpu.memory_space<hbm>> -> memref<10000xi32, #tpu.memory_space<hbm>>
    %dma_wait3A_97 = tpu.memref_slice %arg2[%mul3A_63] : memref<3200000xi32, #tpu.memory_space<hbm>> -> memref<10000xi32, #tpu.memory_space<hbm>>
    tpu.wait_dma2 semaphore(%arg18 : memref<!tpu.dma_semaphore, #tpu.memory_space<semaphore_mem>>) src(%dma_wait3A_97 : memref<10000xi32, #tpu.memory_space<hbm>>) dst(%arg6 : memref<10000xi32, #tpu.memory_space<vmem>>)
    %dma_wait3A_98 = tpu.memref_slice %arg3[%mul3A_67] : memref<3200000xi32, #tpu.memory_space<hbm>> -> memref<10000xi32, #tpu.memory_space<hbm>>
    %dma_wait3A_99 = tpu.memref_slice %arg3[%mul3A_67] : memref<3200000xi32, #tpu.memory_space<hbm>> -> memref<10000xi32, #tpu.memory_space<hbm>>
    tpu.wait_dma2 semaphore(%arg18 : memref<!tpu.dma_semaphore, #tpu.memory_space<semaphore_mem>>) src(%dma_wait3A_99 : memref<10000xi32, #tpu.memory_space<hbm>>) dst(%arg9 : memref<10000xi32, #tpu.memory_space<vmem>>)
    %dma_start3A_100 = arith.constant 0 : i32
    %dma_start3A_101 = tpu.memref_slice %arg17[%dma_start3A_100] : memref<100352xf32, #tpu.memory_space<vmem_shared>> -> memref<100352xf32, #tpu.memory_space<vmem_shared>>
    tpu.enqueue_indirect_dma source(%dma_start3A_101 : memref<100352xf32, #tpu.memory_space<vmem_shared>>) target(%arg12 : memref<10000xf32, #tpu.memory_space<vmem>>) offsets(%arg6 : memref<10000xi32, #tpu.memory_space<vmem>>) semaphore(%arg21 : memref<!tpu.dma_semaphore, #tpu.memory_space<semaphore_mem>>)
    %dma_wait3A_102 = arith.constant 0 : i32
    %dma_wait3A_103 = tpu.memref_slice %arg16[%dma_wait3A_102] : memref<100352xf32, #tpu.memory_space<vmem_shared>> -> memref<100352xf32, #tpu.memory_space<vmem_shared>>
    tpu.wait_indirect_dma semaphore(%arg26 : memref<!tpu.dma_semaphore, #tpu.memory_space<semaphore_mem>>) src(%arg14 : memref<10000xf32, #tpu.memory_space<vmem>>) dst(%dma_wait3A_103 : memref<100352xf32, #tpu.memory_space<vmem_shared>>)
    %add3A_104 = arith.constant 160 : i32
    %add3A_105 = arith.addi %add3A, %add3A_104 : i32
    %mul3A_106 = arith.constant 10000 : i32
    %mul3A_107 = arith.muli %add3A_105, %mul3A_106 : i32
    %dma_start3A_108 = tpu.memref_slice %arg2[%mul3A_107] : memref<3200000xi32, #tpu.memory_space<hbm>> -> memref<10000xi32, #tpu.memory_space<hbm>>
    %dma_start3A_109 = tpu.memref_slice %arg2[%mul3A_107] : memref<3200000xi32, #tpu.memory_space<hbm>> -> memref<10000xi32, #tpu.memory_space<hbm>>
    tpu.enqueue_dma source(%dma_start3A_109 : memref<10000xi32, #tpu.memory_space<hbm>>) target(%arg8 : memref<10000xi32, #tpu.memory_space<vmem>>) target_semaphore(%arg20 : memref<!tpu.dma_semaphore, #tpu.memory_space<semaphore_mem>>)
    %mul3A_110 = arith.constant 10000 : i32
    %mul3A_111 = arith.muli %add3A_105, %mul3A_110 : i32
    %dma_start3A_112 = tpu.memref_slice %arg3[%mul3A_111] : memref<3200000xi32, #tpu.memory_space<hbm>> -> memref<10000xi32, #tpu.memory_space<hbm>>
    %dma_start3A_113 = tpu.memref_slice %arg3[%mul3A_111] : memref<3200000xi32, #tpu.memory_space<hbm>> -> memref<10000xi32, #tpu.memory_space<hbm>>
    tpu.enqueue_dma source(%dma_start3A_113 : memref<10000xi32, #tpu.memory_space<hbm>>) target(%arg11 : memref<10000xi32, #tpu.memory_space<vmem>>) target_semaphore(%arg20 : memref<!tpu.dma_semaphore, #tpu.memory_space<semaphore_mem>>)
    %dma_wait3A_114 = arith.constant 0 : i32
    %dma_wait3A_115 = tpu.memref_slice %arg17[%dma_wait3A_114] : memref<100352xf32, #tpu.memory_space<vmem_shared>> -> memref<100352xf32, #tpu.memory_space<vmem_shared>>
    tpu.wait_indirect_dma semaphore(%arg21 : memref<!tpu.dma_semaphore, #tpu.memory_space<semaphore_mem>>) src(%dma_wait3A_115 : memref<100352xf32, #tpu.memory_space<vmem_shared>>) dst(%arg12 : memref<10000xf32, #tpu.memory_space<vmem>>)
    %dma_start3A_116 = arith.constant 0 : i32
    %dma_start3A_117 = tpu.memref_slice %arg16[%dma_start3A_116] : memref<100352xf32, #tpu.memory_space<vmem_shared>> -> memref<100352xf32, #tpu.memory_space<vmem_shared>>
    tpu.enqueue_indirect_dma source(%arg12 : memref<10000xf32, #tpu.memory_space<vmem>>) target(%dma_start3A_117 : memref<100352xf32, #tpu.memory_space<vmem_shared>>) offsets(%arg9 : memref<10000xi32, #tpu.memory_space<vmem>>) semaphore(%arg24 : memref<!tpu.dma_semaphore, #tpu.memory_space<semaphore_mem>>) {add = true}
    %dma_wait3A_118 = tpu.memref_slice %arg2[%mul3A_85] : memref<3200000xi32, #tpu.memory_space<hbm>> -> memref<10000xi32, #tpu.memory_space<hbm>>
    %dma_wait3A_119 = tpu.memref_slice %arg2[%mul3A_85] : memref<3200000xi32, #tpu.memory_space<hbm>> -> memref<10000xi32, #tpu.memory_space<hbm>>
    tpu.wait_dma2 semaphore(%arg19 : memref<!tpu.dma_semaphore, #tpu.memory_space<semaphore_mem>>) src(%dma_wait3A_119 : memref<10000xi32, #tpu.memory_space<hbm>>) dst(%arg7 : memref<10000xi32, #tpu.memory_space<vmem>>)
    %dma_wait3A_120 = tpu.memref_slice %arg3[%mul3A_89] : memref<3200000xi32, #tpu.memory_space<hbm>> -> memref<10000xi32, #tpu.memory_space<hbm>>
    %dma_wait3A_121 = tpu.memref_slice %arg3[%mul3A_89] : memref<3200000xi32, #tpu.memory_space<hbm>> -> memref<10000xi32, #tpu.memory_space<hbm>>
    tpu.wait_dma2 semaphore(%arg19 : memref<!tpu.dma_semaphore, #tpu.memory_space<semaphore_mem>>) src(%dma_wait3A_121 : memref<10000xi32, #tpu.memory_space<hbm>>) dst(%arg10 : memref<10000xi32, #tpu.memory_space<vmem>>)
    %dma_start3A_122 = arith.constant 0 : i32
    %dma_start3A_123 = tpu.memref_slice %arg17[%dma_start3A_122] : memref<100352xf32, #tpu.memory_space<vmem_shared>> -> memref<100352xf32, #tpu.memory_space<vmem_shared>>
    tpu.enqueue_indirect_dma source(%dma_start3A_123 : memref<100352xf32, #tpu.memory_space<vmem_shared>>) target(%arg13 : memref<10000xf32, #tpu.memory_space<vmem>>) offsets(%arg7 : memref<10000xi32, #tpu.memory_space<vmem>>) semaphore(%arg22 : memref<!tpu.dma_semaphore, #tpu.memory_space<semaphore_mem>>)
    %dma_wait3A_124 = arith.constant 0 : i32
    %dma_wait3A_125 = tpu.memref_slice %arg16[%dma_wait3A_124] : memref<100352xf32, #tpu.memory_space<vmem_shared>> -> memref<100352xf32, #tpu.memory_space<vmem_shared>>
    tpu.wait_indirect_dma semaphore(%arg24 : memref<!tpu.dma_semaphore, #tpu.memory_space<semaphore_mem>>) src(%arg12 : memref<10000xf32, #tpu.memory_space<vmem>>) dst(%dma_wait3A_125 : memref<100352xf32, #tpu.memory_space<vmem_shared>>)
    %add3A_126 = arith.constant 192 : i32
    %add3A_127 = arith.addi %add3A, %add3A_126 : i32
    %mul3A_128 = arith.constant 10000 : i32
    %mul3A_129 = arith.muli %add3A_127, %mul3A_128 : i32
    %dma_start3A_130 = tpu.memref_slice %arg2[%mul3A_129] : memref<3200000xi32, #tpu.memory_space<hbm>> -> memref<10000xi32, #tpu.memory_space<hbm>>
    %dma_start3A_131 = tpu.memref_slice %arg2[%mul3A_129] : memref<3200000xi32, #tpu.memory_space<hbm>> -> memref<10000xi32, #tpu.memory_space<hbm>>
    tpu.enqueue_dma source(%dma_start3A_131 : memref<10000xi32, #tpu.memory_space<hbm>>) target(%arg6 : memref<10000xi32, #tpu.memory_space<vmem>>) target_semaphore(%arg18 : memref<!tpu.dma_semaphore, #tpu.memory_space<semaphore_mem>>)
    %mul3A_132 = arith.constant 10000 : i32
    %mul3A_133 = arith.muli %add3A_127, %mul3A_132 : i32
    %dma_start3A_134 = tpu.memref_slice %arg3[%mul3A_133] : memref<3200000xi32, #tpu.memory_space<hbm>> -> memref<10000xi32, #tpu.memory_space<hbm>>
    %dma_start3A_135 = tpu.memref_slice %arg3[%mul3A_133] : memref<3200000xi32, #tpu.memory_space<hbm>> -> memref<10000xi32, #tpu.memory_space<hbm>>
    tpu.enqueue_dma source(%dma_start3A_135 : memref<10000xi32, #tpu.memory_space<hbm>>) target(%arg9 : memref<10000xi32, #tpu.memory_space<vmem>>) target_semaphore(%arg18 : memref<!tpu.dma_semaphore, #tpu.memory_space<semaphore_mem>>)
    %dma_wait3A_136 = arith.constant 0 : i32
    %dma_wait3A_137 = tpu.memref_slice %arg17[%dma_wait3A_136] : memref<100352xf32, #tpu.memory_space<vmem_shared>> -> memref<100352xf32, #tpu.memory_space<vmem_shared>>
    tpu.wait_indirect_dma semaphore(%arg22 : memref<!tpu.dma_semaphore, #tpu.memory_space<semaphore_mem>>) src(%dma_wait3A_137 : memref<100352xf32, #tpu.memory_space<vmem_shared>>) dst(%arg13 : memref<10000xf32, #tpu.memory_space<vmem>>)
    %dma_start3A_138 = arith.constant 0 : i32
    %dma_start3A_139 = tpu.memref_slice %arg16[%dma_start3A_138] : memref<100352xf32, #tpu.memory_space<vmem_shared>> -> memref<100352xf32, #tpu.memory_space<vmem_shared>>
    tpu.enqueue_indirect_dma source(%arg13 : memref<10000xf32, #tpu.memory_space<vmem>>) target(%dma_start3A_139 : memref<100352xf32, #tpu.memory_space<vmem_shared>>) offsets(%arg10 : memref<10000xi32, #tpu.memory_space<vmem>>) semaphore(%arg25 : memref<!tpu.dma_semaphore, #tpu.memory_space<semaphore_mem>>) {add = true}
    %dma_wait3A_140 = tpu.memref_slice %arg2[%mul3A_107] : memref<3200000xi32, #tpu.memory_space<hbm>> -> memref<10000xi32, #tpu.memory_space<hbm>>
    %dma_wait3A_141 = tpu.memref_slice %arg2[%mul3A_107] : memref<3200000xi32, #tpu.memory_space<hbm>> -> memref<10000xi32, #tpu.memory_space<hbm>>
    tpu.wait_dma2 semaphore(%arg20 : memref<!tpu.dma_semaphore, #tpu.memory_space<semaphore_mem>>) src(%dma_wait3A_141 : memref<10000xi32, #tpu.memory_space<hbm>>) dst(%arg8 : memref<10000xi32, #tpu.memory_space<vmem>>)
    %dma_wait3A_142 = tpu.memref_slice %arg3[%mul3A_111] : memref<3200000xi32, #tpu.memory_space<hbm>> -> memref<10000xi32, #tpu.memory_space<hbm>>
    %dma_wait3A_143 = tpu.memref_slice %arg3[%mul3A_111] : memref<3200000xi32, #tpu.memory_space<hbm>> -> memref<10000xi32, #tpu.memory_space<hbm>>
    tpu.wait_dma2 semaphore(%arg20 : memref<!tpu.dma_semaphore, #tpu.memory_space<semaphore_mem>>) src(%dma_wait3A_143 : memref<10000xi32, #tpu.memory_space<hbm>>) dst(%arg11 : memref<10000xi32, #tpu.memory_space<vmem>>)
    %dma_start3A_144 = arith.constant 0 : i32
    %dma_start3A_145 = tpu.memref_slice %arg17[%dma_start3A_144] : memref<100352xf32, #tpu.memory_space<vmem_shared>> -> memref<100352xf32, #tpu.memory_space<vmem_shared>>
    tpu.enqueue_indirect_dma source(%dma_start3A_145 : memref<100352xf32, #tpu.memory_space<vmem_shared>>) target(%arg14 : memref<10000xf32, #tpu.memory_space<vmem>>) offsets(%arg8 : memref<10000xi32, #tpu.memory_space<vmem>>) semaphore(%arg23 : memref<!tpu.dma_semaphore, #tpu.memory_space<semaphore_mem>>)
    %dma_wait3A_146 = arith.constant 0 : i32
    %dma_wait3A_147 = tpu.memref_slice %arg16[%dma_wait3A_146] : memref<100352xf32, #tpu.memory_space<vmem_shared>> -> memref<100352xf32, #tpu.memory_space<vmem_shared>>
    tpu.wait_indirect_dma semaphore(%arg25 : memref<!tpu.dma_semaphore, #tpu.memory_space<semaphore_mem>>) src(%arg13 : memref<10000xf32, #tpu.memory_space<vmem>>) dst(%dma_wait3A_147 : memref<100352xf32, #tpu.memory_space<vmem_shared>>)
    %add3A_148 = arith.constant 224 : i32
    %add3A_149 = arith.addi %add3A, %add3A_148 : i32
    %mul3A_150 = arith.constant 10000 : i32
    %mul3A_151 = arith.muli %add3A_149, %mul3A_150 : i32
    %dma_start3A_152 = tpu.memref_slice %arg2[%mul3A_151] : memref<3200000xi32, #tpu.memory_space<hbm>> -> memref<10000xi32, #tpu.memory_space<hbm>>
    %dma_start3A_153 = tpu.memref_slice %arg2[%mul3A_151] : memref<3200000xi32, #tpu.memory_space<hbm>> -> memref<10000xi32, #tpu.memory_space<hbm>>
    tpu.enqueue_dma source(%dma_start3A_153 : memref<10000xi32, #tpu.memory_space<hbm>>) target(%arg7 : memref<10000xi32, #tpu.memory_space<vmem>>) target_semaphore(%arg19 : memref<!tpu.dma_semaphore, #tpu.memory_space<semaphore_mem>>)
    %mul3A_154 = arith.constant 10000 : i32
    %mul3A_155 = arith.muli %add3A_149, %mul3A_154 : i32
    %dma_start3A_156 = tpu.memref_slice %arg3[%mul3A_155] : memref<3200000xi32, #tpu.memory_space<hbm>> -> memref<10000xi32, #tpu.memory_space<hbm>>
    %dma_start3A_157 = tpu.memref_slice %arg3[%mul3A_155] : memref<3200000xi32, #tpu.memory_space<hbm>> -> memref<10000xi32, #tpu.memory_space<hbm>>
    tpu.enqueue_dma source(%dma_start3A_157 : memref<10000xi32, #tpu.memory_space<hbm>>) target(%arg10 : memref<10000xi32, #tpu.memory_space<vmem>>) target_semaphore(%arg19 : memref<!tpu.dma_semaphore, #tpu.memory_space<semaphore_mem>>)
    %dma_wait3A_158 = arith.constant 0 : i32
    %dma_wait3A_159 = tpu.memref_slice %arg17[%dma_wait3A_158] : memref<100352xf32, #tpu.memory_space<vmem_shared>> -> memref<100352xf32, #tpu.memory_space<vmem_shared>>
    tpu.wait_indirect_dma semaphore(%arg23 : memref<!tpu.dma_semaphore, #tpu.memory_space<semaphore_mem>>) src(%dma_wait3A_159 : memref<100352xf32, #tpu.memory_space<vmem_shared>>) dst(%arg14 : memref<10000xf32, #tpu.memory_space<vmem>>)
    %dma_start3A_160 = arith.constant 0 : i32
    %dma_start3A_161 = tpu.memref_slice %arg16[%dma_start3A_160] : memref<100352xf32, #tpu.memory_space<vmem_shared>> -> memref<100352xf32, #tpu.memory_space<vmem_shared>>
    tpu.enqueue_indirect_dma source(%arg14 : memref<10000xf32, #tpu.memory_space<vmem>>) target(%dma_start3A_161 : memref<100352xf32, #tpu.memory_space<vmem_shared>>) offsets(%arg11 : memref<10000xi32, #tpu.memory_space<vmem>>) semaphore(%arg26 : memref<!tpu.dma_semaphore, #tpu.memory_space<semaphore_mem>>) {add = true}
    %dma_wait3A_162 = tpu.memref_slice %arg2[%mul3A_129] : memref<3200000xi32, #tpu.memory_space<hbm>> -> memref<10000xi32, #tpu.memory_space<hbm>>
    %dma_wait3A_163 = tpu.memref_slice %arg2[%mul3A_129] : memref<3200000xi32, #tpu.memory_space<hbm>> -> memref<10000xi32, #tpu.memory_space<hbm>>
    tpu.wait_dma2 semaphore(%arg18 : memref<!tpu.dma_semaphore, #tpu.memory_space<semaphore_mem>>) src(%dma_wait3A_163 : memref<10000xi32, #tpu.memory_space<hbm>>) dst(%arg6 : memref<10000xi32, #tpu.memory_space<vmem>>)
    %dma_wait3A_164 = tpu.memref_slice %arg3[%mul3A_133] : memref<3200000xi32, #tpu.memory_space<hbm>> -> memref<10000xi32, #tpu.memory_space<hbm>>
    %dma_wait3A_165 = tpu.memref_slice %arg3[%mul3A_133] : memref<3200000xi32, #tpu.memory_space<hbm>> -> memref<10000xi32, #tpu.memory_space<hbm>>
    tpu.wait_dma2 semaphore(%arg18 : memref<!tpu.dma_semaphore, #tpu.memory_space<semaphore_mem>>) src(%dma_wait3A_165 : memref<10000xi32, #tpu.memory_space<hbm>>) dst(%arg9 : memref<10000xi32, #tpu.memory_space<vmem>>)
    %dma_start3A_166 = arith.constant 0 : i32
    %dma_start3A_167 = tpu.memref_slice %arg17[%dma_start3A_166] : memref<100352xf32, #tpu.memory_space<vmem_shared>> -> memref<100352xf32, #tpu.memory_space<vmem_shared>>
    tpu.enqueue_indirect_dma source(%dma_start3A_167 : memref<100352xf32, #tpu.memory_space<vmem_shared>>) target(%arg12 : memref<10000xf32, #tpu.memory_space<vmem>>) offsets(%arg6 : memref<10000xi32, #tpu.memory_space<vmem>>) semaphore(%arg21 : memref<!tpu.dma_semaphore, #tpu.memory_space<semaphore_mem>>)
    %dma_wait3A_168 = arith.constant 0 : i32
    %dma_wait3A_169 = tpu.memref_slice %arg16[%dma_wait3A_168] : memref<100352xf32, #tpu.memory_space<vmem_shared>> -> memref<100352xf32, #tpu.memory_space<vmem_shared>>
    tpu.wait_indirect_dma semaphore(%arg26 : memref<!tpu.dma_semaphore, #tpu.memory_space<semaphore_mem>>) src(%arg14 : memref<10000xf32, #tpu.memory_space<vmem>>) dst(%dma_wait3A_169 : memref<100352xf32, #tpu.memory_space<vmem_shared>>)
    %add3A_170 = arith.constant 256 : i32
    %add3A_171 = arith.addi %add3A, %add3A_170 : i32
    %mul3A_172 = arith.constant 10000 : i32
    %mul3A_173 = arith.muli %add3A_171, %mul3A_172 : i32
    %dma_start3A_174 = tpu.memref_slice %arg2[%mul3A_173] : memref<3200000xi32, #tpu.memory_space<hbm>> -> memref<10000xi32, #tpu.memory_space<hbm>>
    %dma_start3A_175 = tpu.memref_slice %arg2[%mul3A_173] : memref<3200000xi32, #tpu.memory_space<hbm>> -> memref<10000xi32, #tpu.memory_space<hbm>>
    tpu.enqueue_dma source(%dma_start3A_175 : memref<10000xi32, #tpu.memory_space<hbm>>) target(%arg8 : memref<10000xi32, #tpu.memory_space<vmem>>) target_semaphore(%arg20 : memref<!tpu.dma_semaphore, #tpu.memory_space<semaphore_mem>>)
    %mul3A_176 = arith.constant 10000 : i32
    %mul3A_177 = arith.muli %add3A_171, %mul3A_176 : i32
    %dma_start3A_178 = tpu.memref_slice %arg3[%mul3A_177] : memref<3200000xi32, #tpu.memory_space<hbm>> -> memref<10000xi32, #tpu.memory_space<hbm>>
    %dma_start3A_179 = tpu.memref_slice %arg3[%mul3A_177] : memref<3200000xi32, #tpu.memory_space<hbm>> -> memref<10000xi32, #tpu.memory_space<hbm>>
    tpu.enqueue_dma source(%dma_start3A_179 : memref<10000xi32, #tpu.memory_space<hbm>>) target(%arg11 : memref<10000xi32, #tpu.memory_space<vmem>>) target_semaphore(%arg20 : memref<!tpu.dma_semaphore, #tpu.memory_space<semaphore_mem>>)
    %dma_wait3A_180 = arith.constant 0 : i32
    %dma_wait3A_181 = tpu.memref_slice %arg17[%dma_wait3A_180] : memref<100352xf32, #tpu.memory_space<vmem_shared>> -> memref<100352xf32, #tpu.memory_space<vmem_shared>>
    tpu.wait_indirect_dma semaphore(%arg21 : memref<!tpu.dma_semaphore, #tpu.memory_space<semaphore_mem>>) src(%dma_wait3A_181 : memref<100352xf32, #tpu.memory_space<vmem_shared>>) dst(%arg12 : memref<10000xf32, #tpu.memory_space<vmem>>)
    %dma_start3A_182 = arith.constant 0 : i32
    %dma_start3A_183 = tpu.memref_slice %arg16[%dma_start3A_182] : memref<100352xf32, #tpu.memory_space<vmem_shared>> -> memref<100352xf32, #tpu.memory_space<vmem_shared>>
    tpu.enqueue_indirect_dma source(%arg12 : memref<10000xf32, #tpu.memory_space<vmem>>) target(%dma_start3A_183 : memref<100352xf32, #tpu.memory_space<vmem_shared>>) offsets(%arg9 : memref<10000xi32, #tpu.memory_space<vmem>>) semaphore(%arg24 : memref<!tpu.dma_semaphore, #tpu.memory_space<semaphore_mem>>) {add = true}
    %dma_wait3A_184 = tpu.memref_slice %arg2[%mul3A_151] : memref<3200000xi32, #tpu.memory_space<hbm>> -> memref<10000xi32, #tpu.memory_space<hbm>>
    %dma_wait3A_185 = tpu.memref_slice %arg2[%mul3A_151] : memref<3200000xi32, #tpu.memory_space<hbm>> -> memref<10000xi32, #tpu.memory_space<hbm>>
    tpu.wait_dma2 semaphore(%arg19 : memref<!tpu.dma_semaphore, #tpu.memory_space<semaphore_mem>>) src(%dma_wait3A_185 : memref<10000xi32, #tpu.memory_space<hbm>>) dst(%arg7 : memref<10000xi32, #tpu.memory_space<vmem>>)
    %dma_wait3A_186 = tpu.memref_slice %arg3[%mul3A_155] : memref<3200000xi32, #tpu.memory_space<hbm>> -> memref<10000xi32, #tpu.memory_space<hbm>>
    %dma_wait3A_187 = tpu.memref_slice %arg3[%mul3A_155] : memref<3200000xi32, #tpu.memory_space<hbm>> -> memref<10000xi32, #tpu.memory_space<hbm>>
    tpu.wait_dma2 semaphore(%arg19 : memref<!tpu.dma_semaphore, #tpu.memory_space<semaphore_mem>>) src(%dma_wait3A_187 : memref<10000xi32, #tpu.memory_space<hbm>>) dst(%arg10 : memref<10000xi32, #tpu.memory_space<vmem>>)
    %dma_start3A_188 = arith.constant 0 : i32
    %dma_start3A_189 = tpu.memref_slice %arg17[%dma_start3A_188] : memref<100352xf32, #tpu.memory_space<vmem_shared>> -> memref<100352xf32, #tpu.memory_space<vmem_shared>>
    tpu.enqueue_indirect_dma source(%dma_start3A_189 : memref<100352xf32, #tpu.memory_space<vmem_shared>>) target(%arg13 : memref<10000xf32, #tpu.memory_space<vmem>>) offsets(%arg7 : memref<10000xi32, #tpu.memory_space<vmem>>) semaphore(%arg22 : memref<!tpu.dma_semaphore, #tpu.memory_space<semaphore_mem>>)
    %dma_wait3A_190 = arith.constant 0 : i32
    %dma_wait3A_191 = tpu.memref_slice %arg16[%dma_wait3A_190] : memref<100352xf32, #tpu.memory_space<vmem_shared>> -> memref<100352xf32, #tpu.memory_space<vmem_shared>>
    tpu.wait_indirect_dma semaphore(%arg24 : memref<!tpu.dma_semaphore, #tpu.memory_space<semaphore_mem>>) src(%arg12 : memref<10000xf32, #tpu.memory_space<vmem>>) dst(%dma_wait3A_191 : memref<100352xf32, #tpu.memory_space<vmem_shared>>)
    %add3A_192 = arith.constant 288 : i32
    %add3A_193 = arith.addi %add3A, %add3A_192 : i32
    %mul3A_194 = arith.constant 10000 : i32
    %mul3A_195 = arith.muli %add3A_193, %mul3A_194 : i32
    %dma_start3A_196 = tpu.memref_slice %arg2[%mul3A_195] : memref<3200000xi32, #tpu.memory_space<hbm>> -> memref<10000xi32, #tpu.memory_space<hbm>>
    %dma_start3A_197 = tpu.memref_slice %arg2[%mul3A_195] : memref<3200000xi32, #tpu.memory_space<hbm>> -> memref<10000xi32, #tpu.memory_space<hbm>>
    tpu.enqueue_dma source(%dma_start3A_197 : memref<10000xi32, #tpu.memory_space<hbm>>) target(%arg6 : memref<10000xi32, #tpu.memory_space<vmem>>) target_semaphore(%arg18 : memref<!tpu.dma_semaphore, #tpu.memory_space<semaphore_mem>>)
    %mul3A_198 = arith.constant 10000 : i32
    %mul3A_199 = arith.muli %add3A_193, %mul3A_198 : i32
    %dma_start3A_200 = tpu.memref_slice %arg3[%mul3A_199] : memref<3200000xi32, #tpu.memory_space<hbm>> -> memref<10000xi32, #tpu.memory_space<hbm>>
    %dma_start3A_201 = tpu.memref_slice %arg3[%mul3A_199] : memref<3200000xi32, #tpu.memory_space<hbm>> -> memref<10000xi32, #tpu.memory_space<hbm>>
    tpu.enqueue_dma source(%dma_start3A_201 : memref<10000xi32, #tpu.memory_space<hbm>>) target(%arg9 : memref<10000xi32, #tpu.memory_space<vmem>>) target_semaphore(%arg18 : memref<!tpu.dma_semaphore, #tpu.memory_space<semaphore_mem>>)
    %dma_wait3A_202 = arith.constant 0 : i32
    %dma_wait3A_203 = tpu.memref_slice %arg17[%dma_wait3A_202] : memref<100352xf32, #tpu.memory_space<vmem_shared>> -> memref<100352xf32, #tpu.memory_space<vmem_shared>>
    tpu.wait_indirect_dma semaphore(%arg22 : memref<!tpu.dma_semaphore, #tpu.memory_space<semaphore_mem>>) src(%dma_wait3A_203 : memref<100352xf32, #tpu.memory_space<vmem_shared>>) dst(%arg13 : memref<10000xf32, #tpu.memory_space<vmem>>)
    %dma_start3A_204 = arith.constant 0 : i32
    %dma_start3A_205 = tpu.memref_slice %arg16[%dma_start3A_204] : memref<100352xf32, #tpu.memory_space<vmem_shared>> -> memref<100352xf32, #tpu.memory_space<vmem_shared>>
    tpu.enqueue_indirect_dma source(%arg13 : memref<10000xf32, #tpu.memory_space<vmem>>) target(%dma_start3A_205 : memref<100352xf32, #tpu.memory_space<vmem_shared>>) offsets(%arg10 : memref<10000xi32, #tpu.memory_space<vmem>>) semaphore(%arg25 : memref<!tpu.dma_semaphore, #tpu.memory_space<semaphore_mem>>) {add = true}
    %dma_wait3A_206 = tpu.memref_slice %arg2[%mul3A_173] : memref<3200000xi32, #tpu.memory_space<hbm>> -> memref<10000xi32, #tpu.memory_space<hbm>>
    %dma_wait3A_207 = tpu.memref_slice %arg2[%mul3A_173] : memref<3200000xi32, #tpu.memory_space<hbm>> -> memref<10000xi32, #tpu.memory_space<hbm>>
    tpu.wait_dma2 semaphore(%arg20 : memref<!tpu.dma_semaphore, #tpu.memory_space<semaphore_mem>>) src(%dma_wait3A_207 : memref<10000xi32, #tpu.memory_space<hbm>>) dst(%arg8 : memref<10000xi32, #tpu.memory_space<vmem>>)
    %dma_wait3A_208 = tpu.memref_slice %arg3[%mul3A_177] : memref<3200000xi32, #tpu.memory_space<hbm>> -> memref<10000xi32, #tpu.memory_space<hbm>>
    %dma_wait3A_209 = tpu.memref_slice %arg3[%mul3A_177] : memref<3200000xi32, #tpu.memory_space<hbm>> -> memref<10000xi32, #tpu.memory_space<hbm>>
    tpu.wait_dma2 semaphore(%arg20 : memref<!tpu.dma_semaphore, #tpu.memory_space<semaphore_mem>>) src(%dma_wait3A_209 : memref<10000xi32, #tpu.memory_space<hbm>>) dst(%arg11 : memref<10000xi32, #tpu.memory_space<vmem>>)
    %dma_start3A_210 = arith.constant 0 : i32
    %dma_start3A_211 = tpu.memref_slice %arg17[%dma_start3A_210] : memref<100352xf32, #tpu.memory_space<vmem_shared>> -> memref<100352xf32, #tpu.memory_space<vmem_shared>>
    tpu.enqueue_indirect_dma source(%dma_start3A_211 : memref<100352xf32, #tpu.memory_space<vmem_shared>>) target(%arg14 : memref<10000xf32, #tpu.memory_space<vmem>>) offsets(%arg8 : memref<10000xi32, #tpu.memory_space<vmem>>) semaphore(%arg23 : memref<!tpu.dma_semaphore, #tpu.memory_space<semaphore_mem>>)
    %dma_wait3A_212 = arith.constant 0 : i32
    %dma_wait3A_213 = tpu.memref_slice %arg16[%dma_wait3A_212] : memref<100352xf32, #tpu.memory_space<vmem_shared>> -> memref<100352xf32, #tpu.memory_space<vmem_shared>>
    tpu.wait_indirect_dma semaphore(%arg25 : memref<!tpu.dma_semaphore, #tpu.memory_space<semaphore_mem>>) src(%arg13 : memref<10000xf32, #tpu.memory_space<vmem>>) dst(%dma_wait3A_213 : memref<100352xf32, #tpu.memory_space<vmem_shared>>)
    %dma_wait3A_214 = arith.constant 0 : i32
    %dma_wait3A_215 = tpu.memref_slice %arg17[%dma_wait3A_214] : memref<100352xf32, #tpu.memory_space<vmem_shared>> -> memref<100352xf32, #tpu.memory_space<vmem_shared>>
    tpu.wait_indirect_dma semaphore(%arg23 : memref<!tpu.dma_semaphore, #tpu.memory_space<semaphore_mem>>) src(%dma_wait3A_215 : memref<100352xf32, #tpu.memory_space<vmem_shared>>) dst(%arg14 : memref<10000xf32, #tpu.memory_space<vmem>>)
    %dma_start3A_216 = arith.constant 0 : i32
    %dma_start3A_217 = tpu.memref_slice %arg16[%dma_start3A_216] : memref<100352xf32, #tpu.memory_space<vmem_shared>> -> memref<100352xf32, #tpu.memory_space<vmem_shared>>
    tpu.enqueue_indirect_dma source(%arg14 : memref<10000xf32, #tpu.memory_space<vmem>>) target(%dma_start3A_217 : memref<100352xf32, #tpu.memory_space<vmem_shared>>) offsets(%arg11 : memref<10000xi32, #tpu.memory_space<vmem>>) semaphore(%arg26 : memref<!tpu.dma_semaphore, #tpu.memory_space<semaphore_mem>>) {add = true}
    %dma_wait3A_218 = tpu.memref_slice %arg2[%mul3A_195] : memref<3200000xi32, #tpu.memory_space<hbm>> -> memref<10000xi32, #tpu.memory_space<hbm>>
    %dma_wait3A_219 = tpu.memref_slice %arg2[%mul3A_195] : memref<3200000xi32, #tpu.memory_space<hbm>> -> memref<10000xi32, #tpu.memory_space<hbm>>
    tpu.wait_dma2 semaphore(%arg18 : memref<!tpu.dma_semaphore, #tpu.memory_space<semaphore_mem>>) src(%dma_wait3A_219 : memref<10000xi32, #tpu.memory_space<hbm>>) dst(%arg6 : memref<10000xi32, #tpu.memory_space<vmem>>)
    %dma_wait3A_220 = tpu.memref_slice %arg3[%mul3A_199] : memref<3200000xi32, #tpu.memory_space<hbm>> -> memref<10000xi32, #tpu.memory_space<hbm>>
    %dma_wait3A_221 = tpu.memref_slice %arg3[%mul3A_199] : memref<3200000xi32, #tpu.memory_space<hbm>> -> memref<10000xi32, #tpu.memory_space<hbm>>
    tpu.wait_dma2 semaphore(%arg18 : memref<!tpu.dma_semaphore, #tpu.memory_space<semaphore_mem>>) src(%dma_wait3A_221 : memref<10000xi32, #tpu.memory_space<hbm>>) dst(%arg9 : memref<10000xi32, #tpu.memory_space<vmem>>)
    %dma_start3A_222 = arith.constant 0 : i32
    %dma_start3A_223 = tpu.memref_slice %arg17[%dma_start3A_222] : memref<100352xf32, #tpu.memory_space<vmem_shared>> -> memref<100352xf32, #tpu.memory_space<vmem_shared>>
    tpu.enqueue_indirect_dma source(%dma_start3A_223 : memref<100352xf32, #tpu.memory_space<vmem_shared>>) target(%arg12 : memref<10000xf32, #tpu.memory_space<vmem>>) offsets(%arg6 : memref<10000xi32, #tpu.memory_space<vmem>>) semaphore(%arg21 : memref<!tpu.dma_semaphore, #tpu.memory_space<semaphore_mem>>)
    %dma_wait3A_224 = arith.constant 0 : i32
    %dma_wait3A_225 = tpu.memref_slice %arg16[%dma_wait3A_224] : memref<100352xf32, #tpu.memory_space<vmem_shared>> -> memref<100352xf32, #tpu.memory_space<vmem_shared>>
    tpu.wait_indirect_dma semaphore(%arg26 : memref<!tpu.dma_semaphore, #tpu.memory_space<semaphore_mem>>) src(%arg14 : memref<10000xf32, #tpu.memory_space<vmem>>) dst(%dma_wait3A_225 : memref<100352xf32, #tpu.memory_space<vmem_shared>>)
    %dma_wait3A_226 = arith.constant 0 : i32
    %dma_wait3A_227 = tpu.memref_slice %arg17[%dma_wait3A_226] : memref<100352xf32, #tpu.memory_space<vmem_shared>> -> memref<100352xf32, #tpu.memory_space<vmem_shared>>
    tpu.wait_indirect_dma semaphore(%arg21 : memref<!tpu.dma_semaphore, #tpu.memory_space<semaphore_mem>>) src(%dma_wait3A_227 : memref<100352xf32, #tpu.memory_space<vmem_shared>>) dst(%arg12 : memref<10000xf32, #tpu.memory_space<vmem>>)
    %dma_start3A_228 = arith.constant 0 : i32
    %dma_start3A_229 = tpu.memref_slice %arg16[%dma_start3A_228] : memref<100352xf32, #tpu.memory_space<vmem_shared>> -> memref<100352xf32, #tpu.memory_space<vmem_shared>>
    tpu.enqueue_indirect_dma source(%arg12 : memref<10000xf32, #tpu.memory_space<vmem>>) target(%dma_start3A_229 : memref<100352xf32, #tpu.memory_space<vmem_shared>>) offsets(%arg9 : memref<10000xi32, #tpu.memory_space<vmem>>) semaphore(%arg24 : memref<!tpu.dma_semaphore, #tpu.memory_space<semaphore_mem>>) {add = true}
    %dma_wait3A_230 = arith.constant 0 : i32
    %dma_wait3A_231 = tpu.memref_slice %arg16[%dma_wait3A_230] : memref<100352xf32, #tpu.memory_space<vmem_shared>> -> memref<100352xf32, #tpu.memory_space<vmem_shared>>
    tpu.wait_indirect_dma semaphore(%arg24 : memref<!tpu.dma_semaphore, #tpu.memory_space<semaphore_mem>>) src(%arg12 : memref<10000xf32, #tpu.memory_space<vmem>>) dst(%dma_wait3A_231 : memref<100352xf32, #tpu.memory_space<vmem_shared>>)
    %barrier3A_232 = arith.constant 0 : index
    tpu.barrier barrier_id(%barrier3A_232)
    %mul3A_233 = arith.constant 6272 : i32
    %mul3A_234 = arith.muli %arg1, %mul3A_233 : i32
    %mul3A_235 = arith.constant 6272 : i32
    %mul3A_236 = arith.muli %arg1, %mul3A_235 : i32
    "tpu.region"() ({
      %run_scoped3A = tpu.sem_alloc : memref<!tpu.dma_semaphore, #tpu.memory_space<semaphore_mem>>
      %dma_start3A_237 = tpu.memref_slice %arg5[%arg0, %mul3A_236] : memref<2x100352xf32, #tpu.memory_space<hbm>> -> memref<1x6272xf32, #tpu.memory_space<hbm>>
      %dma_start3A_238 = tpu.memref_squeeze %dma_start3A_237 : memref<1x6272xf32, #tpu.memory_space<hbm>> -> memref<6272xf32, #tpu.memory_space<hbm>>
      %dma_start3A_239 = tpu.memref_slice %arg16[%mul3A_234] : memref<100352xf32, #tpu.memory_space<vmem_shared>> -> memref<6272xf32, #tpu.memory_space<vmem_shared>>
      tpu.enqueue_dma source(%dma_start3A_239 : memref<6272xf32, #tpu.memory_space<vmem_shared>>) target(%dma_start3A_238 : memref<6272xf32, #tpu.memory_space<hbm>>) target_semaphore(%run_scoped3A : memref<!tpu.dma_semaphore, #tpu.memory_space<semaphore_mem>>)
      %dma_wait3A_240 = tpu.memref_slice %arg5[%arg0, %mul3A_236] : memref<2x100352xf32, #tpu.memory_space<hbm>> -> memref<1x6272xf32, #tpu.memory_space<hbm>>
      %dma_wait3A_241 = tpu.memref_squeeze %dma_wait3A_240 : memref<1x6272xf32, #tpu.memory_space<hbm>> -> memref<6272xf32, #tpu.memory_space<hbm>>
      %dma_wait3A_242 = tpu.memref_slice %arg16[%mul3A_234] : memref<100352xf32, #tpu.memory_space<vmem_shared>> -> memref<6272xf32, #tpu.memory_space<vmem_shared>>
      tpu.wait_dma2 semaphore(%run_scoped3A : memref<!tpu.dma_semaphore, #tpu.memory_space<semaphore_mem>>) src(%dma_wait3A_242 : memref<6272xf32, #tpu.memory_space<vmem_shared>>) dst(%dma_wait3A_241 : memref<6272xf32, #tpu.memory_space<hbm>>)
      tpu.yield
    }) : () -> ()
    return
  }
}

module attributes {stable_mosaic.version = 14 : i64} {
  func.func @body(%arg0: memref<2x784x128xf32, #tpu.memory_space<vmem>>, %arg1: memref<784x128xf32, #tpu.memory_space<vmem>>, %arg2: memref<784x128xf32, #tpu.memory_space<vmem>>, %arg3: memref<784x128xf32, #tpu.memory_space<vmem>>) attributes {dimension_semantics = [], scalar_prefetch = 0 : i64, scratch_operands = 0 : i64, tpu.core_type = #tpu.core_type<tc>} {
    %get3A = arith.constant 0 : index
    %get3A_0 = arith.constant 0 : index
    %get3A_1 = arith.constant 0 : index
    %get3A_2 = vector.load %arg0[%get3A, %get3A_0, %get3A_1] : memref<2x784x128xf32, #tpu.memory_space<vmem>>, vector<1x784x128xf32>
    %get3A_3 = vector.shape_cast %get3A_2 : vector<1x784x128xf32> to vector<784x128xf32>
    %get3A_4 = arith.constant 1 : index
    %get3A_5 = arith.constant 0 : index
    %get3A_6 = arith.constant 0 : index
    %get3A_7 = vector.load %arg0[%get3A_4, %get3A_5, %get3A_6] : memref<2x784x128xf32, #tpu.memory_space<vmem>>, vector<1x784x128xf32>
    %get3A_8 = vector.shape_cast %get3A_7 : vector<1x784x128xf32> to vector<784x128xf32>
    %add3A = arith.addf %get3A_3, %get3A_8 : vector<784x128xf32>
    %add3A_9 = arith.constant 1.000000e+00 : f32
    %add3A_10 = vector.broadcast %add3A_9 : f32 to vector<784x128xf32>
    %add3A_11 = arith.addf %add3A, %add3A_10 : vector<784x128xf32>
    %rsqrt3A = math.rsqrt %add3A_11 : vector<784x128xf32>
    %swap3A = arith.constant 0 : index
    %swap3A_12 = arith.constant 0 : index
    %swap3A_13 = vector.load %arg2[%swap3A, %swap3A_12] : memref<784x128xf32, #tpu.memory_space<vmem>>, vector<784x128xf32>
    tpu.vector_store %arg2[%swap3A, %swap3A_12], %rsqrt3A {strides = array<i32>} : memref<784x128xf32, #tpu.memory_space<vmem>>, vector<784x128xf32>,
    %get3A_14 = arith.constant 0 : index
    %get3A_15 = arith.constant 0 : index
    %get3A_16 = vector.load %arg1[%get3A_14, %get3A_15] : memref<784x128xf32, #tpu.memory_space<vmem>>, vector<784x128xf32>
    %mul3A = arith.mulf %rsqrt3A, %get3A_16 : vector<784x128xf32>
    %swap3A_17 = arith.constant 0 : index
    %swap3A_18 = arith.constant 0 : index
    %swap3A_19 = vector.load %arg3[%swap3A_17, %swap3A_18] : memref<784x128xf32, #tpu.memory_space<vmem>>, vector<784x128xf32>
    tpu.vector_store %arg3[%swap3A_17, %swap3A_18], %mul3A {strides = array<i32>} : memref<784x128xf32, #tpu.memory_space<vmem>>, vector<784x128xf32>,
    return
  }
}

module attributes {stable_mosaic.version = 14 : i64} {
  func.func @body(%arg0: memref<2x784x128xf32, #tpu.memory_space<vmem>>, %arg1: memref<784x128xf32, #tpu.memory_space<vmem>>, %arg2: memref<784x128xf32, #tpu.memory_space<vmem>>, %arg3: memref<1x16xf32, #tpu.memory_space<smem>>, %arg4: memref<16xf32, #tpu.memory_space<smem>>, %arg5: memref<16x2xf32, #tpu.memory_space<smem>>, %arg6: memref<784x128xf32, #tpu.memory_space<vmem>>, %arg7: memref<784x128xf32, #tpu.memory_space<vmem>>) attributes {dimension_semantics = [], scalar_prefetch = 0 : i64, scratch_operands = 0 : i64, tpu.core_type = #tpu.core_type<tc>} {
    %get3A = arith.constant 0 : index
    %get3A_0 = arith.constant 0 : index
    %get3A_1 = vector.load %arg1[%get3A, %get3A_0] : memref<784x128xf32, #tpu.memory_space<vmem>>, vector<784x128xf32>
    %get3A_2 = arith.constant 0 : index
    %get3A_3 = arith.constant 0 : index
    %get3A_4 = arith.constant 0 : index
    %get3A_5 = vector.load %arg0[%get3A_2, %get3A_3, %get3A_4] : memref<2x784x128xf32, #tpu.memory_space<vmem>>, vector<1x784x128xf32>
    %get3A_6 = vector.shape_cast %get3A_5 : vector<1x784x128xf32> to vector<784x128xf32>
    %get3A_7 = arith.constant 1 : index
    %get3A_8 = arith.constant 0 : index
    %get3A_9 = arith.constant 0 : index
    %get3A_10 = vector.load %arg0[%get3A_7, %get3A_8, %get3A_9] : memref<2x784x128xf32, #tpu.memory_space<vmem>>, vector<1x784x128xf32>
    %get3A_11 = vector.shape_cast %get3A_10 : vector<1x784x128xf32> to vector<784x128xf32>
    %add3A = arith.addf %get3A_6, %get3A_11 : vector<784x128xf32>
    %get3A_12 = arith.constant 0 : index
    %get3A_13 = arith.constant 0 : index
    %get3A_14 = vector.load %arg2[%get3A_12, %get3A_13] : memref<784x128xf32, #tpu.memory_space<vmem>>, vector<784x128xf32>
    %add3A_15 = arith.addf %add3A, %get3A_14 : vector<784x128xf32>
    %mul3A = arith.mulf %get3A_1, %add3A_15 : vector<784x128xf32>
    %broadcast_in_dim3A = arith.constant 0.000000e+00 : f32
    %broadcast_in_dim3A_16 = vector.broadcast %broadcast_in_dim3A : f32 to vector<784x128xf32>
    %broadcast_in_dim3A_17 = arith.constant 0.000000e+00 : f32
    %broadcast_in_dim3A_18 = vector.broadcast %broadcast_in_dim3A_17 : f32 to vector<784x128xf32>
    %get3A_19 = arith.constant 0 : index
    %get3A_20 = arith.constant 0 : index
    %get3A_21 = memref.load %arg3[%get3A_19, %get3A_20] : memref<1x16xf32, #tpu.memory_space<smem>>
    %mul3A_22 = vector.broadcast %get3A_21 : f32 to vector<784x128xf32>
    %mul3A_23 = arith.mulf %mul3A, %mul3A_22 : vector<784x128xf32>
    %get3A_24 = arith.constant 0 : index
    %get3A_25 = memref.load %arg4[%get3A_24] : memref<16xf32, #tpu.memory_space<smem>>
    %add3A_26 = vector.broadcast %get3A_25 : f32 to vector<784x128xf32>
    %add3A_27 = arith.addf %mul3A_23, %add3A_26 : vector<784x128xf32>
    %max3A = arith.constant 0.000000e+00 : f32
    %max3A_28 = vector.broadcast %max3A : f32 to vector<784x128xf32>
    %max3A_29 = arith.maximumf %add3A_27, %max3A_28 : vector<784x128xf32>
    %get3A_30 = arith.constant 0 : index
    %get3A_31 = arith.constant 0 : index
    %get3A_32 = memref.load %arg5[%get3A_30, %get3A_31] : memref<16x2xf32, #tpu.memory_space<smem>>
    %mul3A_33 = vector.broadcast %get3A_32 : f32 to vector<784x128xf32>
    %mul3A_34 = arith.mulf %max3A_29, %mul3A_33 : vector<784x128xf32>
    %add3A_35 = arith.addf %broadcast_in_dim3A_16, %mul3A_34 : vector<784x128xf32>
    %get3A_36 = arith.constant 0 : index
    %get3A_37 = arith.constant 1 : index
    %get3A_38 = memref.load %arg5[%get3A_36, %get3A_37] : memref<16x2xf32, #tpu.memory_space<smem>>
    %mul3A_39 = vector.broadcast %get3A_38 : f32 to vector<784x128xf32>
    %mul3A_40 = arith.mulf %max3A_29, %mul3A_39 : vector<784x128xf32>
    %add3A_41 = arith.addf %broadcast_in_dim3A_18, %mul3A_40 : vector<784x128xf32>
    %get3A_42 = arith.constant 0 : index
    %get3A_43 = arith.constant 1 : index
    %get3A_44 = memref.load %arg3[%get3A_42, %get3A_43] : memref<1x16xf32, #tpu.memory_space<smem>>
    %mul3A_45 = vector.broadcast %get3A_44 : f32 to vector<784x128xf32>
    %mul3A_46 = arith.mulf %mul3A, %mul3A_45 : vector<784x128xf32>
    %get3A_47 = arith.constant 1 : index
    %get3A_48 = memref.load %arg4[%get3A_47] : memref<16xf32, #tpu.memory_space<smem>>
    %add3A_49 = vector.broadcast %get3A_48 : f32 to vector<784x128xf32>
    %add3A_50 = arith.addf %mul3A_46, %add3A_49 : vector<784x128xf32>
    %max3A_51 = arith.constant 0.000000e+00 : f32
    %max3A_52 = vector.broadcast %max3A_51 : f32 to vector<784x128xf32>
    %max3A_53 = arith.maximumf %add3A_50, %max3A_52 : vector<784x128xf32>
    %get3A_54 = arith.constant 1 : index
    %get3A_55 = arith.constant 0 : index
    %get3A_56 = memref.load %arg5[%get3A_54, %get3A_55] : memref<16x2xf32, #tpu.memory_space<smem>>
    %mul3A_57 = vector.broadcast %get3A_56 : f32 to vector<784x128xf32>
    %mul3A_58 = arith.mulf %max3A_53, %mul3A_57 : vector<784x128xf32>
    %add3A_59 = arith.addf %add3A_35, %mul3A_58 : vector<784x128xf32>
    %get3A_60 = arith.constant 1 : index
    %get3A_61 = arith.constant 1 : index
    %get3A_62 = memref.load %arg5[%get3A_60, %get3A_61] : memref<16x2xf32, #tpu.memory_space<smem>>
    %mul3A_63 = vector.broadcast %get3A_62 : f32 to vector<784x128xf32>
    %mul3A_64 = arith.mulf %max3A_53, %mul3A_63 : vector<784x128xf32>
    %add3A_65 = arith.addf %add3A_41, %mul3A_64 : vector<784x128xf32>
    %get3A_66 = arith.constant 0 : index
    %get3A_67 = arith.constant 2 : index
    %get3A_68 = memref.load %arg3[%get3A_66, %get3A_67] : memref<1x16xf32, #tpu.memory_space<smem>>
    %mul3A_69 = vector.broadcast %get3A_68 : f32 to vector<784x128xf32>
    %mul3A_70 = arith.mulf %mul3A, %mul3A_69 : vector<784x128xf32>
    %get3A_71 = arith.constant 2 : index
    %get3A_72 = memref.load %arg4[%get3A_71] : memref<16xf32, #tpu.memory_space<smem>>
    %add3A_73 = vector.broadcast %get3A_72 : f32 to vector<784x128xf32>
    %add3A_74 = arith.addf %mul3A_70, %add3A_73 : vector<784x128xf32>
    %max3A_75 = arith.constant 0.000000e+00 : f32
    %max3A_76 = vector.broadcast %max3A_75 : f32 to vector<784x128xf32>
    %max3A_77 = arith.maximumf %add3A_74, %max3A_76 : vector<784x128xf32>
    %get3A_78 = arith.constant 2 : index
    %get3A_79 = arith.constant 0 : index
    %get3A_80 = memref.load %arg5[%get3A_78, %get3A_79] : memref<16x2xf32, #tpu.memory_space<smem>>
    %mul3A_81 = vector.broadcast %get3A_80 : f32 to vector<784x128xf32>
    %mul3A_82 = arith.mulf %max3A_77, %mul3A_81 : vector<784x128xf32>
    %add3A_83 = arith.addf %add3A_59, %mul3A_82 : vector<784x128xf32>
    %get3A_84 = arith.constant 2 : index
    %get3A_85 = arith.constant 1 : index
    %get3A_86 = memref.load %arg5[%get3A_84, %get3A_85] : memref<16x2xf32, #tpu.memory_space<smem>>
    %mul3A_87 = vector.broadcast %get3A_86 : f32 to vector<784x128xf32>
    %mul3A_88 = arith.mulf %max3A_77, %mul3A_87 : vector<784x128xf32>
    %add3A_89 = arith.addf %add3A_65, %mul3A_88 : vector<784x128xf32>
    %get3A_90 = arith.constant 0 : index
    %get3A_91 = arith.constant 3 : index
    %get3A_92 = memref.load %arg3[%get3A_90, %get3A_91] : memref<1x16xf32, #tpu.memory_space<smem>>
    %mul3A_93 = vector.broadcast %get3A_92 : f32 to vector<784x128xf32>
    %mul3A_94 = arith.mulf %mul3A, %mul3A_93 : vector<784x128xf32>
    %get3A_95 = arith.constant 3 : index
    %get3A_96 = memref.load %arg4[%get3A_95] : memref<16xf32, #tpu.memory_space<smem>>
    %add3A_97 = vector.broadcast %get3A_96 : f32 to vector<784x128xf32>
    %add3A_98 = arith.addf %mul3A_94, %add3A_97 : vector<784x128xf32>
    %max3A_99 = arith.constant 0.000000e+00 : f32
    %max3A_100 = vector.broadcast %max3A_99 : f32 to vector<784x128xf32>
    %max3A_101 = arith.maximumf %add3A_98, %max3A_100 : vector<784x128xf32>
    %get3A_102 = arith.constant 3 : index
    %get3A_103 = arith.constant 0 : index
    %get3A_104 = memref.load %arg5[%get3A_102, %get3A_103] : memref<16x2xf32, #tpu.memory_space<smem>>
    %mul3A_105 = vector.broadcast %get3A_104 : f32 to vector<784x128xf32>
    %mul3A_106 = arith.mulf %max3A_101, %mul3A_105 : vector<784x128xf32>
    %add3A_107 = arith.addf %add3A_83, %mul3A_106 : vector<784x128xf32>
    %get3A_108 = arith.constant 3 : index
    %get3A_109 = arith.constant 1 : index
    %get3A_110 = memref.load %arg5[%get3A_108, %get3A_109] : memref<16x2xf32, #tpu.memory_space<smem>>
    %mul3A_111 = vector.broadcast %get3A_110 : f32 to vector<784x128xf32>
    %mul3A_112 = arith.mulf %max3A_101, %mul3A_111 : vector<784x128xf32>
    %add3A_113 = arith.addf %add3A_89, %mul3A_112 : vector<784x128xf32>
    %get3A_114 = arith.constant 0 : index
    %get3A_115 = arith.constant 4 : index
    %get3A_116 = memref.load %arg3[%get3A_114, %get3A_115] : memref<1x16xf32, #tpu.memory_space<smem>>
    %mul3A_117 = vector.broadcast %get3A_116 : f32 to vector<784x128xf32>
    %mul3A_118 = arith.mulf %mul3A, %mul3A_117 : vector<784x128xf32>
    %get3A_119 = arith.constant 4 : index
    %get3A_120 = memref.load %arg4[%get3A_119] : memref<16xf32, #tpu.memory_space<smem>>
    %add3A_121 = vector.broadcast %get3A_120 : f32 to vector<784x128xf32>
    %add3A_122 = arith.addf %mul3A_118, %add3A_121 : vector<784x128xf32>
    %max3A_123 = arith.constant 0.000000e+00 : f32
    %max3A_124 = vector.broadcast %max3A_123 : f32 to vector<784x128xf32>
    %max3A_125 = arith.maximumf %add3A_122, %max3A_124 : vector<784x128xf32>
    %get3A_126 = arith.constant 4 : index
    %get3A_127 = arith.constant 0 : index
    %get3A_128 = memref.load %arg5[%get3A_126, %get3A_127] : memref<16x2xf32, #tpu.memory_space<smem>>
    %mul3A_129 = vector.broadcast %get3A_128 : f32 to vector<784x128xf32>
    %mul3A_130 = arith.mulf %max3A_125, %mul3A_129 : vector<784x128xf32>
    %add3A_131 = arith.addf %add3A_107, %mul3A_130 : vector<784x128xf32>
    %get3A_132 = arith.constant 4 : index
    %get3A_133 = arith.constant 1 : index
    %get3A_134 = memref.load %arg5[%get3A_132, %get3A_133] : memref<16x2xf32, #tpu.memory_space<smem>>
    %mul3A_135 = vector.broadcast %get3A_134 : f32 to vector<784x128xf32>
    %mul3A_136 = arith.mulf %max3A_125, %mul3A_135 : vector<784x128xf32>
    %add3A_137 = arith.addf %add3A_113, %mul3A_136 : vector<784x128xf32>
    %get3A_138 = arith.constant 0 : index
    %get3A_139 = arith.constant 5 : index
    %get3A_140 = memref.load %arg3[%get3A_138, %get3A_139] : memref<1x16xf32, #tpu.memory_space<smem>>
    %mul3A_141 = vector.broadcast %get3A_140 : f32 to vector<784x128xf32>
    %mul3A_142 = arith.mulf %mul3A, %mul3A_141 : vector<784x128xf32>
    %get3A_143 = arith.constant 5 : index
    %get3A_144 = memref.load %arg4[%get3A_143] : memref<16xf32, #tpu.memory_space<smem>>
    %add3A_145 = vector.broadcast %get3A_144 : f32 to vector<784x128xf32>
    %add3A_146 = arith.addf %mul3A_142, %add3A_145 : vector<784x128xf32>
    %max3A_147 = arith.constant 0.000000e+00 : f32
    %max3A_148 = vector.broadcast %max3A_147 : f32 to vector<784x128xf32>
    %max3A_149 = arith.maximumf %add3A_146, %max3A_148 : vector<784x128xf32>
    %get3A_150 = arith.constant 5 : index
    %get3A_151 = arith.constant 0 : index
    %get3A_152 = memref.load %arg5[%get3A_150, %get3A_151] : memref<16x2xf32, #tpu.memory_space<smem>>
    %mul3A_153 = vector.broadcast %get3A_152 : f32 to vector<784x128xf32>
    %mul3A_154 = arith.mulf %max3A_149, %mul3A_153 : vector<784x128xf32>
    %add3A_155 = arith.addf %add3A_131, %mul3A_154 : vector<784x128xf32>
    %get3A_156 = arith.constant 5 : index
    %get3A_157 = arith.constant 1 : index
    %get3A_158 = memref.load %arg5[%get3A_156, %get3A_157] : memref<16x2xf32, #tpu.memory_space<smem>>
    %mul3A_159 = vector.broadcast %get3A_158 : f32 to vector<784x128xf32>
    %mul3A_160 = arith.mulf %max3A_149, %mul3A_159 : vector<784x128xf32>
    %add3A_161 = arith.addf %add3A_137, %mul3A_160 : vector<784x128xf32>
    %get3A_162 = arith.constant 0 : index
    %get3A_163 = arith.constant 6 : index
    %get3A_164 = memref.load %arg3[%get3A_162, %get3A_163] : memref<1x16xf32, #tpu.memory_space<smem>>
    %mul3A_165 = vector.broadcast %get3A_164 : f32 to vector<784x128xf32>
    %mul3A_166 = arith.mulf %mul3A, %mul3A_165 : vector<784x128xf32>
    %get3A_167 = arith.constant 6 : index
    %get3A_168 = memref.load %arg4[%get3A_167] : memref<16xf32, #tpu.memory_space<smem>>
    %add3A_169 = vector.broadcast %get3A_168 : f32 to vector<784x128xf32>
    %add3A_170 = arith.addf %mul3A_166, %add3A_169 : vector<784x128xf32>
    %max3A_171 = arith.constant 0.000000e+00 : f32
    %max3A_172 = vector.broadcast %max3A_171 : f32 to vector<784x128xf32>
    %max3A_173 = arith.maximumf %add3A_170, %max3A_172 : vector<784x128xf32>
    %get3A_174 = arith.constant 6 : index
    %get3A_175 = arith.constant 0 : index
    %get3A_176 = memref.load %arg5[%get3A_174, %get3A_175] : memref<16x2xf32, #tpu.memory_space<smem>>
    %mul3A_177 = vector.broadcast %get3A_176 : f32 to vector<784x128xf32>
    %mul3A_178 = arith.mulf %max3A_173, %mul3A_177 : vector<784x128xf32>
    %add3A_179 = arith.addf %add3A_155, %mul3A_178 : vector<784x128xf32>
    %get3A_180 = arith.constant 6 : index
    %get3A_181 = arith.constant 1 : index
    %get3A_182 = memref.load %arg5[%get3A_180, %get3A_181] : memref<16x2xf32, #tpu.memory_space<smem>>
    %mul3A_183 = vector.broadcast %get3A_182 : f32 to vector<784x128xf32>
    %mul3A_184 = arith.mulf %max3A_173, %mul3A_183 : vector<784x128xf32>
    %add3A_185 = arith.addf %add3A_161, %mul3A_184 : vector<784x128xf32>
    %get3A_186 = arith.constant 0 : index
    %get3A_187 = arith.constant 7 : index
    %get3A_188 = memref.load %arg3[%get3A_186, %get3A_187] : memref<1x16xf32, #tpu.memory_space<smem>>
    %mul3A_189 = vector.broadcast %get3A_188 : f32 to vector<784x128xf32>
    %mul3A_190 = arith.mulf %mul3A, %mul3A_189 : vector<784x128xf32>
    %get3A_191 = arith.constant 7 : index
    %get3A_192 = memref.load %arg4[%get3A_191] : memref<16xf32, #tpu.memory_space<smem>>
    %add3A_193 = vector.broadcast %get3A_192 : f32 to vector<784x128xf32>
    %add3A_194 = arith.addf %mul3A_190, %add3A_193 : vector<784x128xf32>
    %max3A_195 = arith.constant 0.000000e+00 : f32
    %max3A_196 = vector.broadcast %max3A_195 : f32 to vector<784x128xf32>
    %max3A_197 = arith.maximumf %add3A_194, %max3A_196 : vector<784x128xf32>
    %get3A_198 = arith.constant 7 : index
    %get3A_199 = arith.constant 0 : index
    %get3A_200 = memref.load %arg5[%get3A_198, %get3A_199] : memref<16x2xf32, #tpu.memory_space<smem>>
    %mul3A_201 = vector.broadcast %get3A_200 : f32 to vector<784x128xf32>
    %mul3A_202 = arith.mulf %max3A_197, %mul3A_201 : vector<784x128xf32>
    %add3A_203 = arith.addf %add3A_179, %mul3A_202 : vector<784x128xf32>
    %get3A_204 = arith.constant 7 : index
    %get3A_205 = arith.constant 1 : index
    %get3A_206 = memref.load %arg5[%get3A_204, %get3A_205] : memref<16x2xf32, #tpu.memory_space<smem>>
    %mul3A_207 = vector.broadcast %get3A_206 : f32 to vector<784x128xf32>
    %mul3A_208 = arith.mulf %max3A_197, %mul3A_207 : vector<784x128xf32>
    %add3A_209 = arith.addf %add3A_185, %mul3A_208 : vector<784x128xf32>
    %get3A_210 = arith.constant 0 : index
    %get3A_211 = arith.constant 8 : index
    %get3A_212 = memref.load %arg3[%get3A_210, %get3A_211] : memref<1x16xf32, #tpu.memory_space<smem>>
    %mul3A_213 = vector.broadcast %get3A_212 : f32 to vector<784x128xf32>
    %mul3A_214 = arith.mulf %mul3A, %mul3A_213 : vector<784x128xf32>
    %get3A_215 = arith.constant 8 : index
    %get3A_216 = memref.load %arg4[%get3A_215] : memref<16xf32, #tpu.memory_space<smem>>
    %add3A_217 = vector.broadcast %get3A_216 : f32 to vector<784x128xf32>
    %add3A_218 = arith.addf %mul3A_214, %add3A_217 : vector<784x128xf32>
    %max3A_219 = arith.constant 0.000000e+00 : f32
    %max3A_220 = vector.broadcast %max3A_219 : f32 to vector<784x128xf32>
    %max3A_221 = arith.maximumf %add3A_218, %max3A_220 : vector<784x128xf32>
    %get3A_222 = arith.constant 8 : index
    %get3A_223 = arith.constant 0 : index
    %get3A_224 = memref.load %arg5[%get3A_222, %get3A_223] : memref<16x2xf32, #tpu.memory_space<smem>>
    %mul3A_225 = vector.broadcast %get3A_224 : f32 to vector<784x128xf32>
    %mul3A_226 = arith.mulf %max3A_221, %mul3A_225 : vector<784x128xf32>
    %add3A_227 = arith.addf %add3A_203, %mul3A_226 : vector<784x128xf32>
    %get3A_228 = arith.constant 8 : index
    %get3A_229 = arith.constant 1 : index
    %get3A_230 = memref.load %arg5[%get3A_228, %get3A_229] : memref<16x2xf32, #tpu.memory_space<smem>>
    %mul3A_231 = vector.broadcast %get3A_230 : f32 to vector<784x128xf32>
    %mul3A_232 = arith.mulf %max3A_221, %mul3A_231 : vector<784x128xf32>
    %add3A_233 = arith.addf %add3A_209, %mul3A_232 : vector<784x128xf32>
    %get3A_234 = arith.constant 0 : index
    %get3A_235 = arith.constant 9 : index
    %get3A_236 = memref.load %arg3[%get3A_234, %get3A_235] : memref<1x16xf32, #tpu.memory_space<smem>>
    %mul3A_237 = vector.broadcast %get3A_236 : f32 to vector<784x128xf32>
    %mul3A_238 = arith.mulf %mul3A, %mul3A_237 : vector<784x128xf32>
    %get3A_239 = arith.constant 9 : index
    %get3A_240 = memref.load %arg4[%get3A_239] : memref<16xf32, #tpu.memory_space<smem>>
    %add3A_241 = vector.broadcast %get3A_240 : f32 to vector<784x128xf32>
    %add3A_242 = arith.addf %mul3A_238, %add3A_241 : vector<784x128xf32>
    %max3A_243 = arith.constant 0.000000e+00 : f32
    %max3A_244 = vector.broadcast %max3A_243 : f32 to vector<784x128xf32>
    %max3A_245 = arith.maximumf %add3A_242, %max3A_244 : vector<784x128xf32>
    %get3A_246 = arith.constant 9 : index
    %get3A_247 = arith.constant 0 : index
    %get3A_248 = memref.load %arg5[%get3A_246, %get3A_247] : memref<16x2xf32, #tpu.memory_space<smem>>
    %mul3A_249 = vector.broadcast %get3A_248 : f32 to vector<784x128xf32>
    %mul3A_250 = arith.mulf %max3A_245, %mul3A_249 : vector<784x128xf32>
    %add3A_251 = arith.addf %add3A_227, %mul3A_250 : vector<784x128xf32>
    %get3A_252 = arith.constant 9 : index
    %get3A_253 = arith.constant 1 : index
    %get3A_254 = memref.load %arg5[%get3A_252, %get3A_253] : memref<16x2xf32, #tpu.memory_space<smem>>
    %mul3A_255 = vector.broadcast %get3A_254 : f32 to vector<784x128xf32>
    %mul3A_256 = arith.mulf %max3A_245, %mul3A_255 : vector<784x128xf32>
    %add3A_257 = arith.addf %add3A_233, %mul3A_256 : vector<784x128xf32>
    %get3A_258 = arith.constant 0 : index
    %get3A_259 = arith.constant 10 : index
    %get3A_260 = memref.load %arg3[%get3A_258, %get3A_259] : memref<1x16xf32, #tpu.memory_space<smem>>
    %mul3A_261 = vector.broadcast %get3A_260 : f32 to vector<784x128xf32>
    %mul3A_262 = arith.mulf %mul3A, %mul3A_261 : vector<784x128xf32>
    %get3A_263 = arith.constant 10 : index
    %get3A_264 = memref.load %arg4[%get3A_263] : memref<16xf32, #tpu.memory_space<smem>>
    %add3A_265 = vector.broadcast %get3A_264 : f32 to vector<784x128xf32>
    %add3A_266 = arith.addf %mul3A_262, %add3A_265 : vector<784x128xf32>
    %max3A_267 = arith.constant 0.000000e+00 : f32
    %max3A_268 = vector.broadcast %max3A_267 : f32 to vector<784x128xf32>
    %max3A_269 = arith.maximumf %add3A_266, %max3A_268 : vector<784x128xf32>
    %get3A_270 = arith.constant 10 : index
    %get3A_271 = arith.constant 0 : index
    %get3A_272 = memref.load %arg5[%get3A_270, %get3A_271] : memref<16x2xf32, #tpu.memory_space<smem>>
    %mul3A_273 = vector.broadcast %get3A_272 : f32 to vector<784x128xf32>
    %mul3A_274 = arith.mulf %max3A_269, %mul3A_273 : vector<784x128xf32>
    %add3A_275 = arith.addf %add3A_251, %mul3A_274 : vector<784x128xf32>
    %get3A_276 = arith.constant 10 : index
    %get3A_277 = arith.constant 1 : index
    %get3A_278 = memref.load %arg5[%get3A_276, %get3A_277] : memref<16x2xf32, #tpu.memory_space<smem>>
    %mul3A_279 = vector.broadcast %get3A_278 : f32 to vector<784x128xf32>
    %mul3A_280 = arith.mulf %max3A_269, %mul3A_279 : vector<784x128xf32>
    %add3A_281 = arith.addf %add3A_257, %mul3A_280 : vector<784x128xf32>
    %get3A_282 = arith.constant 0 : index
    %get3A_283 = arith.constant 11 : index
    %get3A_284 = memref.load %arg3[%get3A_282, %get3A_283] : memref<1x16xf32, #tpu.memory_space<smem>>
    %mul3A_285 = vector.broadcast %get3A_284 : f32 to vector<784x128xf32>
    %mul3A_286 = arith.mulf %mul3A, %mul3A_285 : vector<784x128xf32>
    %get3A_287 = arith.constant 11 : index
    %get3A_288 = memref.load %arg4[%get3A_287] : memref<16xf32, #tpu.memory_space<smem>>
    %add3A_289 = vector.broadcast %get3A_288 : f32 to vector<784x128xf32>
    %add3A_290 = arith.addf %mul3A_286, %add3A_289 : vector<784x128xf32>
    %max3A_291 = arith.constant 0.000000e+00 : f32
    %max3A_292 = vector.broadcast %max3A_291 : f32 to vector<784x128xf32>
    %max3A_293 = arith.maximumf %add3A_290, %max3A_292 : vector<784x128xf32>
    %get3A_294 = arith.constant 11 : index
    %get3A_295 = arith.constant 0 : index
    %get3A_296 = memref.load %arg5[%get3A_294, %get3A_295] : memref<16x2xf32, #tpu.memory_space<smem>>
    %mul3A_297 = vector.broadcast %get3A_296 : f32 to vector<784x128xf32>
    %mul3A_298 = arith.mulf %max3A_293, %mul3A_297 : vector<784x128xf32>
    %add3A_299 = arith.addf %add3A_275, %mul3A_298 : vector<784x128xf32>
    %get3A_300 = arith.constant 11 : index
    %get3A_301 = arith.constant 1 : index
    %get3A_302 = memref.load %arg5[%get3A_300, %get3A_301] : memref<16x2xf32, #tpu.memory_space<smem>>
    %mul3A_303 = vector.broadcast %get3A_302 : f32 to vector<784x128xf32>
    %mul3A_304 = arith.mulf %max3A_293, %mul3A_303 : vector<784x128xf32>
    %add3A_305 = arith.addf %add3A_281, %mul3A_304 : vector<784x128xf32>
    %get3A_306 = arith.constant 0 : index
    %get3A_307 = arith.constant 12 : index
    %get3A_308 = memref.load %arg3[%get3A_306, %get3A_307] : memref<1x16xf32, #tpu.memory_space<smem>>
    %mul3A_309 = vector.broadcast %get3A_308 : f32 to vector<784x128xf32>
    %mul3A_310 = arith.mulf %mul3A, %mul3A_309 : vector<784x128xf32>
    %get3A_311 = arith.constant 12 : index
    %get3A_312 = memref.load %arg4[%get3A_311] : memref<16xf32, #tpu.memory_space<smem>>
    %add3A_313 = vector.broadcast %get3A_312 : f32 to vector<784x128xf32>
    %add3A_314 = arith.addf %mul3A_310, %add3A_313 : vector<784x128xf32>
    %max3A_315 = arith.constant 0.000000e+00 : f32
    %max3A_316 = vector.broadcast %max3A_315 : f32 to vector<784x128xf32>
    %max3A_317 = arith.maximumf %add3A_314, %max3A_316 : vector<784x128xf32>
    %get3A_318 = arith.constant 12 : index
    %get3A_319 = arith.constant 0 : index
    %get3A_320 = memref.load %arg5[%get3A_318, %get3A_319] : memref<16x2xf32, #tpu.memory_space<smem>>
    %mul3A_321 = vector.broadcast %get3A_320 : f32 to vector<784x128xf32>
    %mul3A_322 = arith.mulf %max3A_317, %mul3A_321 : vector<784x128xf32>
    %add3A_323 = arith.addf %add3A_299, %mul3A_322 : vector<784x128xf32>
    %get3A_324 = arith.constant 12 : index
    %get3A_325 = arith.constant 1 : index
    %get3A_326 = memref.load %arg5[%get3A_324, %get3A_325] : memref<16x2xf32, #tpu.memory_space<smem>>
    %mul3A_327 = vector.broadcast %get3A_326 : f32 to vector<784x128xf32>
    %mul3A_328 = arith.mulf %max3A_317, %mul3A_327 : vector<784x128xf32>
    %add3A_329 = arith.addf %add3A_305, %mul3A_328 : vector<784x128xf32>
    %get3A_330 = arith.constant 0 : index
    %get3A_331 = arith.constant 13 : index
    %get3A_332 = memref.load %arg3[%get3A_330, %get3A_331] : memref<1x16xf32, #tpu.memory_space<smem>>
    %mul3A_333 = vector.broadcast %get3A_332 : f32 to vector<784x128xf32>
    %mul3A_334 = arith.mulf %mul3A, %mul3A_333 : vector<784x128xf32>
    %get3A_335 = arith.constant 13 : index
    %get3A_336 = memref.load %arg4[%get3A_335] : memref<16xf32, #tpu.memory_space<smem>>
    %add3A_337 = vector.broadcast %get3A_336 : f32 to vector<784x128xf32>
    %add3A_338 = arith.addf %mul3A_334, %add3A_337 : vector<784x128xf32>
    %max3A_339 = arith.constant 0.000000e+00 : f32
    %max3A_340 = vector.broadcast %max3A_339 : f32 to vector<784x128xf32>
    %max3A_341 = arith.maximumf %add3A_338, %max3A_340 : vector<784x128xf32>
    %get3A_342 = arith.constant 13 : index
    %get3A_343 = arith.constant 0 : index
    %get3A_344 = memref.load %arg5[%get3A_342, %get3A_343] : memref<16x2xf32, #tpu.memory_space<smem>>
    %mul3A_345 = vector.broadcast %get3A_344 : f32 to vector<784x128xf32>
    %mul3A_346 = arith.mulf %max3A_341, %mul3A_345 : vector<784x128xf32>
    %add3A_347 = arith.addf %add3A_323, %mul3A_346 : vector<784x128xf32>
    %get3A_348 = arith.constant 13 : index
    %get3A_349 = arith.constant 1 : index
    %get3A_350 = memref.load %arg5[%get3A_348, %get3A_349] : memref<16x2xf32, #tpu.memory_space<smem>>
    %mul3A_351 = vector.broadcast %get3A_350 : f32 to vector<784x128xf32>
    %mul3A_352 = arith.mulf %max3A_341, %mul3A_351 : vector<784x128xf32>
    %add3A_353 = arith.addf %add3A_329, %mul3A_352 : vector<784x128xf32>
    %get3A_354 = arith.constant 0 : index
    %get3A_355 = arith.constant 14 : index
    %get3A_356 = memref.load %arg3[%get3A_354, %get3A_355] : memref<1x16xf32, #tpu.memory_space<smem>>
    %mul3A_357 = vector.broadcast %get3A_356 : f32 to vector<784x128xf32>
    %mul3A_358 = arith.mulf %mul3A, %mul3A_357 : vector<784x128xf32>
    %get3A_359 = arith.constant 14 : index
    %get3A_360 = memref.load %arg4[%get3A_359] : memref<16xf32, #tpu.memory_space<smem>>
    %add3A_361 = vector.broadcast %get3A_360 : f32 to vector<784x128xf32>
    %add3A_362 = arith.addf %mul3A_358, %add3A_361 : vector<784x128xf32>
    %max3A_363 = arith.constant 0.000000e+00 : f32
    %max3A_364 = vector.broadcast %max3A_363 : f32 to vector<784x128xf32>
    %max3A_365 = arith.maximumf %add3A_362, %max3A_364 : vector<784x128xf32>
    %get3A_366 = arith.constant 14 : index
    %get3A_367 = arith.constant 0 : index
    %get3A_368 = memref.load %arg5[%get3A_366, %get3A_367] : memref<16x2xf32, #tpu.memory_space<smem>>
    %mul3A_369 = vector.broadcast %get3A_368 : f32 to vector<784x128xf32>
    %mul3A_370 = arith.mulf %max3A_365, %mul3A_369 : vector<784x128xf32>
    %add3A_371 = arith.addf %add3A_347, %mul3A_370 : vector<784x128xf32>
    %get3A_372 = arith.constant 14 : index
    %get3A_373 = arith.constant 1 : index
    %get3A_374 = memref.load %arg5[%get3A_372, %get3A_373] : memref<16x2xf32, #tpu.memory_space<smem>>
    %mul3A_375 = vector.broadcast %get3A_374 : f32 to vector<784x128xf32>
    %mul3A_376 = arith.mulf %max3A_365, %mul3A_375 : vector<784x128xf32>
    %add3A_377 = arith.addf %add3A_353, %mul3A_376 : vector<784x128xf32>
    %get3A_378 = arith.constant 0 : index
    %get3A_379 = arith.constant 15 : index
    %get3A_380 = memref.load %arg3[%get3A_378, %get3A_379] : memref<1x16xf32, #tpu.memory_space<smem>>
    %mul3A_381 = vector.broadcast %get3A_380 : f32 to vector<784x128xf32>
    %mul3A_382 = arith.mulf %mul3A, %mul3A_381 : vector<784x128xf32>
    %get3A_383 = arith.constant 15 : index
    %get3A_384 = memref.load %arg4[%get3A_383] : memref<16xf32, #tpu.memory_space<smem>>
    %add3A_385 = vector.broadcast %get3A_384 : f32 to vector<784x128xf32>
    %add3A_386 = arith.addf %mul3A_382, %add3A_385 : vector<784x128xf32>
    %max3A_387 = arith.constant 0.000000e+00 : f32
    %max3A_388 = vector.broadcast %max3A_387 : f32 to vector<784x128xf32>
    %max3A_389 = arith.maximumf %add3A_386, %max3A_388 : vector<784x128xf32>
    %get3A_390 = arith.constant 15 : index
    %get3A_391 = arith.constant 0 : index
    %get3A_392 = memref.load %arg5[%get3A_390, %get3A_391] : memref<16x2xf32, #tpu.memory_space<smem>>
    %mul3A_393 = vector.broadcast %get3A_392 : f32 to vector<784x128xf32>
    %mul3A_394 = arith.mulf %max3A_389, %mul3A_393 : vector<784x128xf32>
    %add3A_395 = arith.addf %add3A_371, %mul3A_394 : vector<784x128xf32>
    %get3A_396 = arith.constant 15 : index
    %get3A_397 = arith.constant 1 : index
    %get3A_398 = memref.load %arg5[%get3A_396, %get3A_397] : memref<16x2xf32, #tpu.memory_space<smem>>
    %mul3A_399 = vector.broadcast %get3A_398 : f32 to vector<784x128xf32>
    %mul3A_400 = arith.mulf %max3A_389, %mul3A_399 : vector<784x128xf32>
    %add3A_401 = arith.addf %add3A_377, %mul3A_400 : vector<784x128xf32>
    %mul3A_402 = arith.mulf %get3A_1, %add3A_395 : vector<784x128xf32>
    %swap3A = arith.constant 0 : index
    %swap3A_403 = arith.constant 0 : index
    %swap3A_404 = vector.load %arg6[%swap3A, %swap3A_403] : memref<784x128xf32, #tpu.memory_space<vmem>>, vector<784x128xf32>
    tpu.vector_store %arg6[%swap3A, %swap3A_403], %mul3A_402 {strides = array<i32>} : memref<784x128xf32, #tpu.memory_space<vmem>>, vector<784x128xf32>,
    %mul3A_405 = arith.mulf %get3A_1, %add3A_401 : vector<784x128xf32>
    %swap3A_406 = arith.constant 0 : index
    %swap3A_407 = arith.constant 0 : index
    %swap3A_408 = vector.load %arg7[%swap3A_406, %swap3A_407] : memref<784x128xf32, #tpu.memory_space<vmem>>, vector<784x128xf32>
    tpu.vector_store %arg7[%swap3A_406, %swap3A_407], %mul3A_405 {strides = array<i32>} : memref<784x128xf32, #tpu.memory_space<vmem>>, vector<784x128xf32>,
    return
  }
}

module attributes {stable_mosaic.version = 14 : i64} {
  func.func @body(%arg0: memref<2x784x128xf32, #tpu.memory_space<vmem>>, %arg1: memref<2x784x128xf32, #tpu.memory_space<vmem>>, %arg2: memref<784x128xf32, #tpu.memory_space<vmem>>, %arg3: memref<784x128xf32, #tpu.memory_space<vmem>>, %arg4: memref<784x128xf32, #tpu.memory_space<vmem>>, %arg5: memref<2xf32, #tpu.memory_space<smem>>, %arg6: memref<784x128xf32, #tpu.memory_space<vmem>>, %arg7: memref<784x128xf32, #tpu.memory_space<vmem>>) attributes {dimension_semantics = [], scalar_prefetch = 0 : i64, scratch_operands = 0 : i64, tpu.core_type = #tpu.core_type<tc>} {
    %get3A = arith.constant 0 : index
    %get3A_0 = arith.constant 0 : index
    %get3A_1 = vector.load %arg4[%get3A, %get3A_0] : memref<784x128xf32, #tpu.memory_space<vmem>>, vector<784x128xf32>
    %get3A_2 = arith.constant 0 : index
    %get3A_3 = arith.constant 0 : index
    %get3A_4 = arith.constant 0 : index
    %get3A_5 = vector.load %arg0[%get3A_2, %get3A_3, %get3A_4] : memref<2x784x128xf32, #tpu.memory_space<vmem>>, vector<1x784x128xf32>
    %get3A_6 = vector.shape_cast %get3A_5 : vector<1x784x128xf32> to vector<784x128xf32>
    %get3A_7 = arith.constant 1 : index
    %get3A_8 = arith.constant 0 : index
    %get3A_9 = arith.constant 0 : index
    %get3A_10 = vector.load %arg0[%get3A_7, %get3A_8, %get3A_9] : memref<2x784x128xf32, #tpu.memory_space<vmem>>, vector<1x784x128xf32>
    %get3A_11 = vector.shape_cast %get3A_10 : vector<1x784x128xf32> to vector<784x128xf32>
    %add3A = arith.addf %get3A_6, %get3A_11 : vector<784x128xf32>
    %get3A_12 = arith.constant 0 : index
    %get3A_13 = arith.constant 0 : index
    %get3A_14 = vector.load %arg2[%get3A_12, %get3A_13] : memref<784x128xf32, #tpu.memory_space<vmem>>, vector<784x128xf32>
    %add3A_15 = arith.addf %add3A, %get3A_14 : vector<784x128xf32>
    %mul3A = arith.mulf %get3A_1, %add3A_15 : vector<784x128xf32>
    %get3A_16 = arith.constant 0 : index
    %get3A_17 = memref.load %arg5[%get3A_16] : memref<2xf32, #tpu.memory_space<smem>>
    %add3A_18 = vector.broadcast %get3A_17 : f32 to vector<784x128xf32>
    %add3A_19 = arith.addf %mul3A, %add3A_18 : vector<784x128xf32>
    %get3A_20 = arith.constant 0 : index
    %get3A_21 = arith.constant 0 : index
    %get3A_22 = arith.constant 0 : index
    %get3A_23 = vector.load %arg1[%get3A_20, %get3A_21, %get3A_22] : memref<2x784x128xf32, #tpu.memory_space<vmem>>, vector<1x784x128xf32>
    %get3A_24 = vector.shape_cast %get3A_23 : vector<1x784x128xf32> to vector<784x128xf32>
    %get3A_25 = arith.constant 1 : index
    %get3A_26 = arith.constant 0 : index
    %get3A_27 = arith.constant 0 : index
    %get3A_28 = vector.load %arg1[%get3A_25, %get3A_26, %get3A_27] : memref<2x784x128xf32, #tpu.memory_space<vmem>>, vector<1x784x128xf32>
    %get3A_29 = vector.shape_cast %get3A_28 : vector<1x784x128xf32> to vector<784x128xf32>
    %add3A_30 = arith.addf %get3A_24, %get3A_29 : vector<784x128xf32>
    %get3A_31 = arith.constant 0 : index
    %get3A_32 = arith.constant 0 : index
    %get3A_33 = vector.load %arg3[%get3A_31, %get3A_32] : memref<784x128xf32, #tpu.memory_space<vmem>>, vector<784x128xf32>
    %add3A_34 = arith.addf %add3A_30, %get3A_33 : vector<784x128xf32>
    %mul3A_35 = arith.mulf %get3A_1, %add3A_34 : vector<784x128xf32>
    %get3A_36 = arith.constant 1 : index
    %get3A_37 = memref.load %arg5[%get3A_36] : memref<2xf32, #tpu.memory_space<smem>>
    %add3A_38 = vector.broadcast %get3A_37 : f32 to vector<784x128xf32>
    %add3A_39 = arith.addf %mul3A_35, %add3A_38 : vector<784x128xf32>
    %max3A = arith.maximumf %add3A_19, %add3A_39 : vector<784x128xf32>
    %sub3A = arith.subf %add3A_19, %max3A : vector<784x128xf32>
    %exp3A = math.exp %sub3A : vector<784x128xf32>
    %sub3A_40 = arith.subf %add3A_39, %max3A : vector<784x128xf32>
    %exp3A_41 = math.exp %sub3A_40 : vector<784x128xf32>
    %add3A_42 = arith.addf %exp3A, %exp3A_41 : vector<784x128xf32>
    %log3A = math.log %add3A_42 : vector<784x128xf32>
    %add3A_43 = arith.addf %max3A, %log3A : vector<784x128xf32>
    %sub3A_44 = arith.subf %add3A_19, %add3A_43 : vector<784x128xf32>
    %swap3A = arith.constant 0 : index
    %swap3A_45 = arith.constant 0 : index
    %swap3A_46 = vector.load %arg6[%swap3A, %swap3A_45] : memref<784x128xf32, #tpu.memory_space<vmem>>, vector<784x128xf32>
    tpu.vector_store %arg6[%swap3A, %swap3A_45], %sub3A_44 {strides = array<i32>} : memref<784x128xf32, #tpu.memory_space<vmem>>, vector<784x128xf32>,
    %sub3A_47 = arith.subf %add3A_39, %add3A_43 : vector<784x128xf32>
    %swap3A_48 = arith.constant 0 : index
    %swap3A_49 = arith.constant 0 : index
    %swap3A_50 = vector.load %arg7[%swap3A_48, %swap3A_49] : memref<784x128xf32, #tpu.memory_space<vmem>>, vector<784x128xf32>
    tpu.vector_store %arg7[%swap3A_48, %swap3A_49], %sub3A_47 {strides = array<i32>} : memref<784x128xf32, #tpu.memory_space<vmem>>, vector<784x128xf32>,
    return
  }
}

</mosaic_0001>

<sc_bundles>
// kernel: kernel.11.cloned.1.call-start
scs
__scs_entry_jumppad:
0x0: {  	(pc) =	sbr.rel $0x88, $3  }
0x1: {  	(tag) =	ssettag $0x0;
	lr =	simm.s32 $0x1  }
0x2: {  	[smem:$0x3F9B] =	sst lr;
	_ =	strace $0xD0000000  }
0x3: {  	_ = 	snop  }
0x4: {  	_ = 	snop  }
0x5: {  	_ = 	snop  }
0x6: {  	_ = 	snop  }
0x7: {  	_ = 	snop  }
__scs_overlays_trampoline_lowered:
0x8: {  	[smem:$0x3FAA] =	sst s0  }
0x9: {  	[smem:$0x3FAB] =	sst s1  }
0xa: {  	[smem:$0x3FAC] =	sst s2  }
0xb: {  	[smem:$0x3FAD] =	sst s3  }
0xc: {  	[smem:$0x3FAE] =	sst s4  }
0xd: {  	[smem:$0x3FAF] =	sst s5  }
0xe: {  	[smem:$0x3FB0] =	sst s6  }
0xf: {  	[smem:$0x3FB1] =	sst s7  }
0x10: {  	[smem:$0x3FB2] =	sst s8  }
0x11: {  	[smem:$0x3FB3] =	sst s9;
	s0 =	simm.s32 @!p0 $0x0  }
0x12: {  	s1 =	sld [smem:$0x3F99];
	s0 =	simm.s32 @p0 $0x1  }
0x13: {  	[smem:$0x3FB4] =	sst s0;
	s0 =	simm.s32 @!p1 $0x0  }
0x14: {  	s2 =	sld [smem:$0x3F98];
	s0 =	simm.s32 @p1 $0x1  }
0x15: {  	[smem:$0x3FB5] =	sst s0;
	s0 =	simm.s32 @!p2 $0x0  }
0x16: {  	s3 =	sld [smem:$0x3FDB];
	s0 =	simm.s32 @p2 $0x1  }
0x17: {  	s4 =	simm.s32 $0x1BF5;
	[smem:$0x3FB7] =	sst s0  }
0x18: {  	s0 =	sld [smem:$0x3F9A];
	_ =	swait.ge [sflag:s4], $0x0  }
0x19: {  	s7 =	sld [smem:$0x3F9B]  }
0x1a: {  	s8 =	sadd.s32 $0xFFFFE003, lr  }
0x1b: {  	s9 =	sadd.s32 $0xFFFFFEF7, lr;
	s5 =	simm.s32 $0xFFFFFFFF;
	p2 =	slt.u32 s8, $0xFFFFF086  }
0x1c: {  	p1 =	slt.u32 s9, $0xF7A;
	s5 =	simm.s32 @!p2 $0x0  }
0x1d: {  	s5 =	simm.s32 @p1 $0x1;
	p0 =	seq.s32 s7, s2  }
0x1e: {  	s7 =	smul.u32 @!p0 $0xF7A, s2;
	p2 =	seq.s32 @!p0 s5, $0x0  }
0x1f: {  	s9 =	smul.u32 $0xF7A, s1;
	s8 =	simm.s32 @!p0 $0x1BF5;
	p2 =	por !p2, p0  }
0x20: {  	[sflag:s8] =	ssyncset.s32 @!p0 $0xFFFFF086;
	s6 =	sadd.s32 @!p0 s3, s7;
	s7 =	simm.s32 @!p0 $0x108  }
0x21: {  	s3 =	sadd.s32 s3, s9;
	s6 =	sadd.s32 @!p0 $0x88, s6;
	s7 =	simm.s32 @p2 $0x1082  }
0x22: {  	[simem:s7], [sflag:s8] =	dma.local @!p0 [hbm:s6], $0xF7A  }
0x23: {  	s9 =	sor.u32 $0xD0000000, s2;
	s6 =	simm.s32 $0x108;
	_ =	swait.ge @!p0 [sflag:s8], $0x0  }
0x24: {  	s3 =	sadd.s32 $0x88, s3;
	s6 =	simm.s32 @!p1 $0x1082;
	[sflag:s4] =	ssyncset.s32 $0xFFFFF086  }
0x25: {  	[simem:s6], [sflag:s4] =	dma.local [hbm:s3], $0xF7A  }
0x26: {  	[smem:$0x3F9B] =	sst s1;
	(tag) =	ssettag s2;
	_ =	strace s9  }
0x27: {  	s1 =	sld [smem:$0x3FAB]  }
0x28: {  	s2 =	sld [smem:$0x3FAC]  }
0x29: {  	s4 =	sld [smem:$0x3FAE]  }
0x2a: {  	p0 =	seq.s32 s5, $0x0;
	s5 =	sld [smem:$0x3FAF]  }
0x2b: {  	s6 =	sld [smem:$0x3FB0]  }
0x2c: {  	s7 =	sld [smem:$0x3FB1]  }
0x2d: {  	s3 =	simm.s32 $0x108;
	s8 =	sld [smem:$0x3FB2]  }
0x2e: {  	s3 =	simm.s32 @!p0 $0x1082;
	s9 =	sld [smem:$0x3FB3]  }
0x2f: {  	lr =	sadd.s32 s0, s3;
	s0 =	sld [smem:$0x3FAA]  }
0x30: {  	s3 =	sld [smem:$0x3FAD]  }
0x31: {  	[smem:$0x3FB6] =	sst s10  }
0x32: {  	s10 =	sld [smem:$0x3FB4];
	_ =	sdelay $0x3  }
0x33: {  	p0 =	seq.s32 s10, $0x1;
	s10 =	sld [smem:$0x3FB6];
	_ =	sdelay $0x3  }
0x34: {  	[smem:$0x3FB6] =	sst s10  }
0x35: {  	s10 =	sld [smem:$0x3FB5];
	_ =	sdelay $0x3  }
0x36: {  	p1 =	seq.s32 s10, $0x1;
	s10 =	sld [smem:$0x3FB6];
	_ =	sdelay $0x3  }
0x37: {  	[smem:$0x3FB6] =	sst s10  }
0x38: {  	s10 =	sld [smem:$0x3FB7]  }
0x39: {  	_ = 	snop;
	(pc) =	sbr.ind lr, $3  }
0x3a: {  	_ = 	snop  }
0x3b: {  	_ = 	snop  }
0x3c: {  	p2 =	seq.s32 s10, $0x1;
	s10 =	sld [smem:$0x3FB6]  }
0x3d: {  	_ =	shalt  }
0x3e: {  	_ =	shalt  }
0x3f: {  	_ =	shalt  }
0x40: {  	_ =	shalt  }
0x41: {  	_ =	shalt  }
0x42: {  	_ =	shalt  }
0x43: {  	_ =	shalt  }
0x44: {  	_ =	shalt  }
0x45: {  	_ =	shalt  }
0x46: {  	_ =	shalt  }
0x47: {  	_ =	shalt  }
0x48: {  	_ =	shalt  }
0x49: {  	_ =	shalt  }
0x4a: {  	_ =	shalt  }
0x4b: {  	_ =	shalt  }
0x4c: {  	_ =	shalt  }
0x4d: {  	_ =	shalt  }
0x4e: {  	_ =	shalt  }
0x4f: {  	_ =	shalt  }
0x50: {  	_ =	shalt  }
0x51: {  	_ =	shalt  }
0x52: {  	_ =	shalt  }
0x53: {  	_ =	shalt  }
0x54: {  	_ =	shalt  }
0x55: {  	_ =	shalt  }
0x56: {  	_ =	shalt  }
0x57: {  	_ =	shalt  }
0x58: {  	_ =	shalt  }
0x59: {  	_ =	shalt  }
0x5a: {  	_ =	shalt  }
0x5b: {  	_ =	shalt  }
0x5c: {  	_ =	shalt  }
0x5d: {  	_ =	shalt  }
0x5e: {  	_ =	shalt  }
0x5f: {  	_ =	shalt  }
0x60: {  	_ =	shalt  }
0x61: {  	_ =	shalt  }
0x62: {  	_ =	shalt  }
0x63: {  	_ =	shalt  }
0x64: {  	_ =	shalt  }
0x65: {  	_ =	shalt  }
0x66: {  	_ =	shalt  }
0x67: {  	_ =	shalt  }
0x68: {  	_ =	shalt  }
0x69: {  	_ =	shalt  }
0x6a: {  	_ =	shalt  }
0x6b: {  	_ =	shalt  }
0x6c: {  	_ =	shalt  }
0x6d: {  	_ =	shalt  }
0x6e: {  	_ =	shalt  }
0x6f: {  	_ =	shalt  }
0x70: {  	_ =	shalt  }
0x71: {  	_ =	shalt  }
0x72: {  	_ =	shalt  }
0x73: {  	_ =	shalt  }
0x74: {  	_ =	shalt  }
0x75: {  	_ =	shalt  }
0x76: {  	_ =	shalt  }
0x77: {  	_ =	shalt  }
0x78: {  	_ =	shalt  }
0x79: {  	_ =	shalt  }
0x7a: {  	_ =	shalt  }
0x7b: {  	_ =	shalt  }
0x7c: {  	_ =	shalt  }
0x7d: {  	_ =	shalt  }
0x7e: {  	_ =	shalt  }
0x7f: {  	_ =	shalt  }
0x80: {  	_ =	shalt  }
0x81: {  	_ =	shalt  }
0x82: {  	_ =	shalt  }
0x83: {  	_ =	shalt  }
0x84: {  	_ =	shalt  }
0x85: {  	_ =	shalt  }
0x86: {  	_ =	shalt  }
0x87: {  	_ =	shalt  }
.Lfunc_end0:
.L_simem_size_0:
called_computation.1_lowered:
.L_overlay_start_0:
0x88: {  	s2 =	sld [smem:$0x3FD9]  }
0x89: {  	s3 =	sld [smem:$0x3FFE];
	_ =	sdelay $0x1  }
0x8a: {  	s1 =	srdreg.scid  }
0x8b: {  	s0 =	sand.u32 $0x1, s1  }
0x8c: {  	s17 =	sshll.u32 s0, $0xA;
	s2 =	sadd.s32 s3, s2  }
0x8d: {  	s2 =	sadd.s32 s2, s17  }
0x8e: {  	[smem:$0x3FC2] =	sst s2  }
0x8f: {  	_ = 	snop  }
0x90: {  	s2 =	sld [smem:$0x3FD0];
	(tm) =	ssettm $0x1  }
0x91: {  	s18 =	sld [smem:$0x3FFB];
	_ =	sdelay $0x3  }
0x92: {  	_ =	strace s18  }
0x93: {  	s3 =	sld [smem:$0x3FFC];
	_ =	sdelay $0x3  }
0x94: {  	_ =	strace s3  }
0x95: {  	s3 =	sld [smem:$0x3FFD];
	_ =	sdelay $0x3  }
0x96: {  	_ =	strace s3  }
0x97: {  	_ =	strace $0x8FFFFFFF  }
0x98: {  	s19 =	sld [smem:$0x3FDB];
	_ =	sdelay $0x1  }
0x99: {  	s4 =	simm.s32 $_scs_section_size  }
0x9a: {  	s5 =	simm.s32 $_size__tile_overlayer_lowered;
	s6 =	simm.s32 $_tile_overlayer_lowered  }
0x9b: {  	s22 =	simm.s32 $0x1BFF;
	s21 =	sshll.u32 s6, $0x1;
	s3 =	sadd.s32 s4, s19  }
0x9c: {  	s7 =	simm.s32 $0x0;
	s20 =	sshll.u32 s5, $0x1;
	s5 =	sadd.s32 s21, s3  }
0x9d: {  	[timem:s7], [sflag:s22] =	dma.local [hbm:s5], s20  }
0x9e: {  	_ =	swait.ge [sflag:s22], s20  }
0x9f: {  	s4 =	ssub.s32 $0x0, s20;
	[sflag:s22] =	ssyncset.done $0x0  }
0xa0: {  	[sflag:s22] =	ssyncadd.s32 s4;
	_ =	sdelay $0x1  }
0xa1: {  	s23 =	simm.s32 $0x1B8B  }
0xa2: {  	_ =	swait.ge [sflag:s23], $0x1  }
0xa3: {  	[sflag:s23] =	ssyncset.done $0x0  }
0xa4: {  	s25 =	simm.s32 $0x1B8E;
	s24 =	sld [smem:$0x3FFE];
	[sflag:s23] =	ssyncadd.s32 $0xFFFFFFFF  }
0xa5: {  	s26 =	simm.s32 $execute0_lowered;
	[smem:$0x3FD2] =	sst s25  }
0xa6: {  	s5 =	sshll.u32 s26, $0x1;
	_ =	strace $0x80000049;
	[dreg:$0x1] =	wrdreg $0xFFFFFFFF  }
0xa7: {  	s28 =	simm.s32 $_size_execute0_lowered;
	s3 =	sadd.s32 s3, s5;
	[dreg:$0x0] =	wrdreg $0x0  }
0xa8: {  	s5 =	sshll.u32 s28, $0x1;
	[dreg:$0x2] =	wrdreg s3  }
0xa9: {  	[dreg:$0x3] =	wrdreg s5  }
0xaa: {  	[dreg:$0x4] =	wrdreg $0xC0  }
0xab: {  	_ =	task [dreg:s7], $0x5FFFF  }
0xac: {  	[dreg:$0x1] =	wrdreg $0xFFFFFFFF  }
0xad: {  	[dreg:$0x0] =	wrdreg $0x60  }
0xae: {  	[dreg:$0x2] =	wrdreg s24  }
0xaf: {  	[dreg:$0x3] =	wrdreg s2  }
0xb0: {  	[dreg:$0x4] =	wrdreg $0x17C000  }
0xb1: {  	[dreg:$0x5] =	wrdreg $0x194800  }
0xb2: {  	[dreg:$0x6] =	wrdreg $0x9  }
0xb3: {  	_ =	task.clear_ibuf [dreg:s7], $0x7FFFF;
	_ =	strace $0x90000049  }
0xb4: {  	s29 =	simm.s32 $0x9;
	_ =	strace $0x8000004B  }
0xb5: {  	_ =	swait.ge [sflag:s29], $0x1  }
0xb6: {  	[sflag:s29] =	ssyncadd.s32 $0xFFFFFFFF  }
0xb7: {  	_ =	strace $0x9000004B  }
0xb8: {  	_ =	sfence  }
0xb9: {  	s30 =	sld [smem:$0x0];
	_ =	sdelay $0x2  }
0xba: {  	s31 =	sshll.u32 s1, $0xD;
	s1 =	sshrl.u32 s1, $0x2  }
0xbb: {  	s3 =	sand.u32 $0x4000, s31;
	s1 =	sadd.s32 s1, s30  }
0xbc: {  	s0 =	sor.u32 s3, s0;
	s1 =	sshll.u32 s1, $0x11  }
0xbd: {  	s0 =	sor.u32 s1, s0  }
0xbe: {  	s0 =	sadd.s32 $0x8F2B, s0  }
0xbf: {  	[sflag:s0] =	ssyncadd.remote.s32 $0x1  }
0xc0: {  	_ =	sfence.sel $0xFFFF  }
0xc1: {  	[dreg:$0x0] =	wrdreg $0xFFFFFFFF;
	(pc) =	sbr.abs _section_cstart, $3  }
0xc2: {  	[dreg:$0x1] =	wrdreg $0xFFFFFFFF  }
0xc3: {  	_ =	task.clear_ibuf [dreg:s7], $0x2FFFF;
	_ =	strace $0x9FFFFFFF  }
0xc4: {  	(tm) =	ssettm $0x7FFFFFFF  }
0xc5: {  	_ =	shalt  }
tec
execute0_lowered:
.L_overlay_start_1:
0x0: {  	(tag) =	ssettag $0x1  }
0x1: {  	s0 =	rddreg [dreg:$0x0]  }
0x2: {  	s3 =	rddreg [dreg:$0x1]  }
0x3: {  	s1 =	rddreg [dreg:$0x2]  }
0x4: {  	s4 =	srdreg.scid;
	s9 =	stileid.u32;
	s2 =	simm.s32 $0x0  }
0x5: {  	s31 =	simm.s32 $0x2780;
	s4 =	sand.u32 $0x1, s4;
	s5 =	smul.u32 $0x3100, s9  }
0x6: {  	[smem:$0x7FF] =	sst s2;
	s6 =	sadd.s32 $0x64800, s0;
	s8 =	sadd.s32 $0x2C00, s0  }
0x7: {  	s21 =	sshll.u32 s9, $0x1;
	s9 =	smul.u32 $0x1880, s9;
	s7 =	sshll.u32 s4, $0x7  }
0x8: {  	s5 =	sor.u32 s7, s5;
	s7 =	sor.u32 s4, s21;
	s4 =	ssub.s32 $0x2, s4  }
0x9: {  	s11 =	sshrl.u32 s9, $0x3;
	s5 =	sshrl.u32 s5, $0x3;
	s22 =	smul.u32 $0x2710, s7  }
0xa: {  	s10 =	sshrl.u32 s4, $0x1;
	s7 =	smul.u32 $0x4E2, s7;
	s3 =	sadd.s32 s3, s11  }
0xb: {  	s0 =	sadd.s32 s5, s0;
	s4 =	ssub.s32 s4, s10;
	[dreg:$0x5] =	wrdreg s3  }
0xc: {  	s3 =	sshrl.u32 s22, $0x3;
	s23 =	sadd.s32 s6, s7;
	s24 =	sadd.s32 s8, s7  }
0xd: {  	s28 =	sadd.s32 $0xC6400, s0;
	[dreg:$0x6] =	wrdreg s23;
	s25 =	sadd.s32 $0x9C40, s3  }
0xe: {  	s29 =	smax.u32 s4, $0x1;
	[dreg:$0x7] =	wrdreg s24;
	s26 =	sadd.s32 s6, s25  }
0xf: {  	s10 =	sadd.s32 $0x13880, s3;
	s5 =	sadd.s32 s8, s25;
	[dreg:$0x8] =	wrdreg s26  }
0x10: {  	s12 =	sadd.s32 $0x1D4C0, s3;
	s11 =	sadd.s32 s6, s10;
	[dreg:$0x9] =	wrdreg s5  }
0x11: {  	s14 =	sadd.s32 $0x27100, s3;
	s13 =	sadd.s32 s6, s12;
	[dreg:$0xa] =	wrdreg s11  }
0x12: {  	s16 =	sadd.s32 $0x30D40, s3;
	s15 =	sadd.s32 s6, s14;
	[dreg:$0xc] =	wrdreg s13  }
0x13: {  	s18 =	sadd.s32 $0x3A980, s3;
	s17 =	sadd.s32 s6, s16;
	[dreg:$0xe] =	wrdreg s15  }
0x14: {  	s20 =	sadd.s32 $0x445C0, s3;
	s19 =	sadd.s32 s6, s18;
	[dreg:$0x10] =	wrdreg s17  }
0x15: {  	s0 =	simm.s32 $0x7680;
	s21 =	sadd.s32 s6, s20;
	[dreg:$0x12] =	wrdreg s19  }
0x16: {  	s4 =	simm.s32 $0x1;
	s22 =	sadd.s32 $0x4E200, s3;
	[dreg:$0x14] =	wrdreg s21  }
0x17: {  	s3 =	sadd.s32 $0x57E40, s3;
	s23 =	sadd.s32 s6, s22;
	s21 =	rddreg [dreg:$0x3]  }
0x18: {  	s7 =	simm.s32 $0x4F00;
	s24 =	sadd.s32 s6, s3;
	[dreg:$0x16] =	wrdreg s23  }
0x19: {  	s3 =	sadd.s32 s8, s3;
	s6 =	simm.s32 $0xED00;
	[dreg:$0x18] =	wrdreg s24  }
0x1a: {  	s5 =	sadd.s32 s8, s10;
	[dreg:$0x19] =	wrdreg s3;
	s26 =	sadd.s32 s9, s1  }
0x1b: {  	s3 =	simm.s32 $0x9E00;
	s10 =	simm.s32 $0x2;
	s11 =	simm.s32 $0x11480  }
0x1c: {  	s13 =	simm.s32 $0x5;
	s15 =	simm.s32 $0x13C00;
	s17 =	simm.s32 $0x6  }
0x1d: {  	s19 =	simm.s32 $0x0;
	s24 =	simm.s32 $0x20;
	[dreg:$0xb] =	wrdreg s5  }
0x1e: {  	s5 =	sadd.s32 s8, s12;
	s25 =	sadd.s32 s9, s21;
	s9 =	simm.s32 $0x4  }
0x1f: {  	s12 =	simm.s32 $0x7;
	[dreg:$0xd] =	wrdreg s5;
	s5 =	sadd.s32 s8, s14  }
0x20: {  	s30 =	sshrl.u32 s25, $0x3;
	[dreg:$0xf] =	wrdreg s5;
	s5 =	sadd.s32 s8, s16  }
0x21: {  	s14 =	simm.s32 $0x3;
	[dreg:$0x11] =	wrdreg s5;
	s5 =	sadd.s32 s8, s18  }
0x22: {  	s25 =	simm.s32 $0x10;
	[dreg:$0x13] =	wrdreg s5;
	s5 =	sadd.s32 s8, s20  }
0x23: {  	s16 =	simm.s32 $0x8;
	[dreg:$0x15] =	wrdreg s5;
	s5 =	sadd.s32 s8, s22  }
0x24: {  	s18 =	simm.s32 $0x9;
	s20 =	simm.s32 $0xA;
	[dreg:$0x17] =	wrdreg s5  }
0x25: {  	v0 =	vimm.f32 $0.0e+00;
	s8 =	simm.s32 $0xC580;
	s5 =	simm.s32 $0x2710;
	_ =	strace $0x8000004A  }
.LBB2_1:
0x26: {  	s22 =	simm.s32 $0x40;
	s23 =	simm.s32 $0x0  }
.LBB2_2:
0x27: {  	p0 =	sne.s32 s22, $0x61C0;
	[tilespmem:s23+$0x16380] =	vst v0;
	s23 =	smov.u32 s22;
	s22 =	sadd.s32 $0x40, s22  }
.Ltmp0:
0x28: {  	(pc) =	sbr.rel @p0 .LBB2_2-.Ltmp0, $2  }
0x29: {  	_ =	sdelay $0x2  }
0x2a: {  	s23 =	sshra.s32 s23, $0x2  }
0x2b: {  	[tilespmem:s23+$0x16380] =	vst v0;
	s22 =	simm.s32 $0x16380  }
0x2c: {  	[spmem:s26] =	stream.linear.scatter [tilespmem:s22], [sflag:$0xA], $0x1880, $0x38;
	[tilespmem:$0x1AD00] =	vst v63  }
0x2d: {  	s23 =	stileid.u32;
	_ =	swait.ge [sflag:s20], $0x1880  }
0x2e: {  	s22 =	sshll.u32 s23, $0x6;
	[sflag:s20] =	ssyncset.done $0x0  }
0x2f: {  	s22 =	sor.u32 $0x1C0A, s22;
	s23 =	rddreg [dreg:$0x5];
	[sflag:s20] =	ssyncadd.s32 $0xFFFFE780  }
0x30: {  	[spmem:s30], [sflag:s22] =	dma.local [hbm:s23], $0x310  }
0x31: {  	_ =	swait.ge [sflag:s20], $0x310  }
0x32: {  	[sflag:s20] =	ssyncset.done $0x0  }
0x33: {  	[sflag:s20] =	ssyncadd.s32 $0xFFFFFCF0  }
0x34: {  	[bflag:$0x0] =	sbarrier.arrive $0xFFFF  }
0x35: {  	s23 =	rddreg [dreg:$0x6]  }
0x36: {  	[tilespmem:s2], [sflag:$0x1] =	stream.linear.gather [hbm4b:s23+s2], $0x2710, $0x38;
	[tilespmem:$0x1AD00] =	vst v63  }
0x37: {  	s23 =	rddreg [dreg:$0x7]  }
0x38: {  	[tilespmem:s0], [sflag:$0x1] =	stream.linear.gather [hbm4b:s23+s2], $0x2710, $0x38;
	[tilespmem:$0x1AD00] =	vst v63  }
0x39: {  	s23 =	rddreg [dreg:$0x8]  }
0x3a: {  	[tilespmem:s31], [sflag:$0x2] =	stream.linear.gather [hbm4b:s23+s2], $0x2710, $0x38;
	[tilespmem:$0x1AD00] =	vst v63  }
0x3b: {  	s23 =	rddreg [dreg:$0x9]  }
0x3c: {  	[tilespmem:s3], [sflag:$0x2] =	stream.linear.gather [hbm4b:s23+s2], $0x2710, $0x38;
	[tilespmem:$0x1AD00] =	vst v63  }
0x3d: {  	_ =	swait.ge [sflag:s4], $0x2710  }
0x3e: {  	[sflag:s4] =	ssyncset.done $0x0  }
0x3f: {  	[sflag:s4] =	ssyncadd.s32 $0xFFFFD8F0  }
0x40: {  	_ =	swait.ge [sflag:s4], $0x2710  }
0x41: {  	[sflag:s4] =	ssyncset.done $0x0  }
0x42: {  	[sflag:s4] =	ssyncadd.s32 $0xFFFFD8F0  }
0x43: {  	[tilespmem:s6], [sflag:$0x4] =	stream.indirect.gather [spmem:s21], $0x1, s2, s5, $0xb8;
	[tilespmem:$0x1AD00] =	vst v63  }
0x44: {  	s23 =	rddreg [dreg:$0xa]  }
0x45: {  	[tilespmem:s7], [sflag:$0x3] =	stream.linear.gather [hbm4b:s23+s2], $0x2710, $0x38;
	[tilespmem:$0x1AD00] =	vst v63  }
0x46: {  	s23 =	rddreg [dreg:$0xb]  }
0x47: {  	[tilespmem:s8], [sflag:$0x3] =	stream.linear.gather [hbm4b:s23+s2], $0x2710, $0x38;
	[tilespmem:$0x1AD00] =	vst v63  }
0x48: {  	_ =	swait.ge [sflag:s9], $0x2710  }
0x49: {  	[sflag:s9] =	ssyncset.done $0x0  }
0x4a: {  	[sflag:s9] =	ssyncadd.s32 $0xFFFFD8F0  }
0x4b: {  	[spmem:s1] =	stream.indirect.scatter.add.f32 [tilespmem:s6], [sflag:$0x7], $0x1, s0, s5, $0xb8;
	[tilespmem:$0x1AD00] =	vst v63  }
0x4c: {  	_ =	swait.ge [sflag:s10], $0x2710  }
0x4d: {  	[sflag:s10] =	ssyncset.done $0x0  }
0x4e: {  	[sflag:s10] =	ssyncadd.s32 $0xFFFFD8F0  }
0x4f: {  	_ =	swait.ge [sflag:s10], $0x2710  }
0x50: {  	[sflag:s10] =	ssyncset.done $0x0  }
0x51: {  	[sflag:s10] =	ssyncadd.s32 $0xFFFFD8F0  }
0x52: {  	[tilespmem:s11], [sflag:$0x5] =	stream.indirect.gather [spmem:s21], $0x1, s31, s5, $0xb8;
	[tilespmem:$0x1AD00] =	vst v63  }
0x53: {  	_ =	swait.ge [sflag:s12], $0x2710  }
0x54: {  	[sflag:s12] =	ssyncset.done $0x0  }
0x55: {  	s23 =	rddreg [dreg:$0xc];
	[sflag:s12] =	ssyncadd.s32 $0xFFFFD8F0  }
0x56: {  	[tilespmem:s2], [sflag:$0x1] =	stream.linear.gather [hbm4b:s23+s2], $0x2710, $0x38;
	[tilespmem:$0x1AD00] =	vst v63  }
0x57: {  	s23 =	rddreg [dreg:$0xd]  }
0x58: {  	[tilespmem:s0], [sflag:$0x1] =	stream.linear.gather [hbm4b:s23+s2], $0x2710, $0x38;
	[tilespmem:$0x1AD00] =	vst v63  }
0x59: {  	_ =	swait.ge [sflag:s13], $0x2710  }
0x5a: {  	[sflag:s13] =	ssyncset.done $0x0  }
0x5b: {  	[sflag:s13] =	ssyncadd.s32 $0xFFFFD8F0  }
0x5c: {  	[spmem:s1] =	stream.indirect.scatter.add.f32 [tilespmem:s11], [sflag:$0x8], $0x1, s3, s5, $0xb8;
	[tilespmem:$0x1AD00] =	vst v63  }
0x5d: {  	_ =	swait.ge [sflag:s14], $0x2710  }
0x5e: {  	[sflag:s14] =	ssyncset.done $0x0  }
0x5f: {  	[sflag:s14] =	ssyncadd.s32 $0xFFFFD8F0  }
0x60: {  	_ =	swait.ge [sflag:s14], $0x2710  }
0x61: {  	[sflag:s14] =	ssyncset.done $0x0  }
0x62: {  	[sflag:s14] =	ssyncadd.s32 $0xFFFFD8F0  }
0x63: {  	[tilespmem:s15], [sflag:$0x6] =	stream.indirect.gather [spmem:s21], $0x1, s7, s5, $0xb8;
	[tilespmem:$0x1AD00] =	vst v63  }
0x64: {  	_ =	swait.ge [sflag:s16], $0x2710  }
0x65: {  	[sflag:s16] =	ssyncset.done $0x0  }
0x66: {  	s23 =	rddreg [dreg:$0xe];
	[sflag:s16] =	ssyncadd.s32 $0xFFFFD8F0  }
0x67: {  	[tilespmem:s31], [sflag:$0x2] =	stream.linear.gather [hbm4b:s23+s2], $0x2710, $0x38;
	[tilespmem:$0x1AD00] =	vst v63  }
0x68: {  	s23 =	rddreg [dreg:$0xf]  }
0x69: {  	[tilespmem:s3], [sflag:$0x2] =	stream.linear.gather [hbm4b:s23+s2], $0x2710, $0x38;
	[tilespmem:$0x1AD00] =	vst v63  }
0x6a: {  	_ =	swait.ge [sflag:s17], $0x2710  }
0x6b: {  	[sflag:s17] =	ssyncset.done $0x0  }
0x6c: {  	[sflag:s17] =	ssyncadd.s32 $0xFFFFD8F0  }
0x6d: {  	[spmem:s1] =	stream.indirect.scatter.add.f32 [tilespmem:s15], [sflag:$0x9], $0x1, s8, s5, $0xb8;
	[tilespmem:$0x1AD00] =	vst v63  }
0x6e: {  	_ =	swait.ge [sflag:s4], $0x2710  }
0x6f: {  	[sflag:s4] =	ssyncset.done $0x0  }
0x70: {  	[sflag:s4] =	ssyncadd.s32 $0xFFFFD8F0  }
0x71: {  	_ =	swait.ge [sflag:s4], $0x2710  }
0x72: {  	[sflag:s4] =	ssyncset.done $0x0  }
0x73: {  	[sflag:s4] =	ssyncadd.s32 $0xFFFFD8F0  }
0x74: {  	[tilespmem:s6], [sflag:$0x4] =	stream.indirect.gather [spmem:s21], $0x1, s2, s5, $0xb8;
	[tilespmem:$0x1AD00] =	vst v63  }
0x75: {  	_ =	swait.ge [sflag:s18], $0x2710  }
0x76: {  	[sflag:s18] =	ssyncset.done $0x0  }
0x77: {  	s23 =	rddreg [dreg:$0x10];
	[sflag:s18] =	ssyncadd.s32 $0xFFFFD8F0  }
0x78: {  	[tilespmem:s7], [sflag:$0x3] =	stream.linear.gather [hbm4b:s23+s2], $0x2710, $0x38;
	[tilespmem:$0x1AD00] =	vst v63  }
0x79: {  	s23 =	rddreg [dreg:$0x11]  }
0x7a: {  	[tilespmem:s8], [sflag:$0x3] =	stream.linear.gather [hbm4b:s23+s2], $0x2710, $0x38;
	[tilespmem:$0x1AD00] =	vst v63  }
0x7b: {  	_ =	swait.ge [sflag:s9], $0x2710  }
0x7c: {  	[sflag:s9] =	ssyncset.done $0x0  }
0x7d: {  	[sflag:s9] =	ssyncadd.s32 $0xFFFFD8F0  }
0x7e: {  	[spmem:s1] =	stream.indirect.scatter.add.f32 [tilespmem:s6], [sflag:$0x7], $0x1, s0, s5, $0xb8;
	[tilespmem:$0x1AD00] =	vst v63  }
0x7f: {  	_ =	swait.ge [sflag:s10], $0x2710  }
0x80: {  	[sflag:s10] =	ssyncset.done $0x0  }
0x81: {  	[sflag:s10] =	ssyncadd.s32 $0xFFFFD8F0  }
0x82: {  	_ =	swait.ge [sflag:s10], $0x2710  }
0x83: {  	[sflag:s10] =	ssyncset.done $0x0  }
0x84: {  	[sflag:s10] =	ssyncadd.s32 $0xFFFFD8F0  }
0x85: {  	[tilespmem:s11], [sflag:$0x5] =	stream.indirect.gather [spmem:s21], $0x1, s31, s5, $0xb8;
	[tilespmem:$0x1AD00] =	vst v63  }
0x86: {  	_ =	swait.ge [sflag:s12], $0x2710  }
0x87: {  	[sflag:s12] =	ssyncset.done $0x0  }
0x88: {  	s23 =	rddreg [dreg:$0x12];
	[sflag:s12] =	ssyncadd.s32 $0xFFFFD8F0  }
0x89: {  	[tilespmem:s2], [sflag:$0x1] =	stream.linear.gather [hbm4b:s23+s2], $0x2710, $0x38;
	[tilespmem:$0x1AD00] =	vst v63  }
0x8a: {  	s23 =	rddreg [dreg:$0x13]  }
0x8b: {  	[tilespmem:s0], [sflag:$0x1] =	stream.linear.gather [hbm4b:s23+s2], $0x2710, $0x38;
	[tilespmem:$0x1AD00] =	vst v63  }
0x8c: {  	_ =	swait.ge [sflag:s13], $0x2710  }
0x8d: {  	[sflag:s13] =	ssyncset.done $0x0  }
0x8e: {  	[sflag:s13] =	ssyncadd.s32 $0xFFFFD8F0  }
0x8f: {  	[spmem:s1] =	stream.indirect.scatter.add.f32 [tilespmem:s11], [sflag:$0x8], $0x1, s3, s5, $0xb8;
	[tilespmem:$0x1AD00] =	vst v63  }
0x90: {  	_ =	swait.ge [sflag:s14], $0x2710  }
0x91: {  	[sflag:s14] =	ssyncset.done $0x0  }
0x92: {  	[sflag:s14] =	ssyncadd.s32 $0xFFFFD8F0  }
0x93: {  	_ =	swait.ge [sflag:s14], $0x2710  }
0x94: {  	[sflag:s14] =	ssyncset.done $0x0  }
0x95: {  	[sflag:s14] =	ssyncadd.s32 $0xFFFFD8F0  }
0x96: {  	[tilespmem:s15], [sflag:$0x6] =	stream.indirect.gather [spmem:s21], $0x1, s7, s5, $0xb8;
	[tilespmem:$0x1AD00] =	vst v63  }
0x97: {  	_ =	swait.ge [sflag:s16], $0x2710  }
0x98: {  	[sflag:s16] =	ssyncset.done $0x0  }
0x99: {  	s23 =	rddreg [dreg:$0x14];
	[sflag:s16] =	ssyncadd.s32 $0xFFFFD8F0  }
0x9a: {  	[tilespmem:s31], [sflag:$0x2] =	stream.linear.gather [hbm4b:s23+s2], $0x2710, $0x38;
	[tilespmem:$0x1AD00] =	vst v63  }
0x9b: {  	s23 =	rddreg [dreg:$0x15]  }
0x9c: {  	[tilespmem:s3], [sflag:$0x2] =	stream.linear.gather [hbm4b:s23+s2], $0x2710, $0x38;
	[tilespmem:$0x1AD00] =	vst v63  }
0x9d: {  	_ =	swait.ge [sflag:s17], $0x2710  }
0x9e: {  	[sflag:s17] =	ssyncset.done $0x0  }
0x9f: {  	[sflag:s17] =	ssyncadd.s32 $0xFFFFD8F0  }
0xa0: {  	[spmem:s1] =	stream.indirect.scatter.add.f32 [tilespmem:s15], [sflag:$0x9], $0x1, s8, s5, $0xb8;
	[tilespmem:$0x1AD00] =	vst v63  }
0xa1: {  	_ =	swait.ge [sflag:s4], $0x2710  }
0xa2: {  	[sflag:s4] =	ssyncset.done $0x0  }
0xa3: {  	[sflag:s4] =	ssyncadd.s32 $0xFFFFD8F0  }
0xa4: {  	_ =	swait.ge [sflag:s4], $0x2710  }
0xa5: {  	[sflag:s4] =	ssyncset.done $0x0  }
0xa6: {  	[sflag:s4] =	ssyncadd.s32 $0xFFFFD8F0  }
0xa7: {  	[tilespmem:s6], [sflag:$0x4] =	stream.indirect.gather [spmem:s21], $0x1, s2, s5, $0xb8;
	[tilespmem:$0x1AD00] =	vst v63  }
0xa8: {  	_ =	swait.ge [sflag:s18], $0x2710  }
0xa9: {  	[sflag:s18] =	ssyncset.done $0x0  }
0xaa: {  	s23 =	rddreg [dreg:$0x16];
	[sflag:s18] =	ssyncadd.s32 $0xFFFFD8F0  }
0xab: {  	[tilespmem:s7], [sflag:$0x3] =	stream.linear.gather [hbm4b:s23+s2], $0x2710, $0x38;
	[tilespmem:$0x1AD00] =	vst v63  }
0xac: {  	s23 =	rddreg [dreg:$0x17]  }
0xad: {  	[tilespmem:s8], [sflag:$0x3] =	stream.linear.gather [hbm4b:s23+s2], $0x2710, $0x38;
	[tilespmem:$0x1AD00] =	vst v63  }
0xae: {  	_ =	swait.ge [sflag:s9], $0x2710  }
0xaf: {  	[sflag:s9] =	ssyncset.done $0x0  }
0xb0: {  	[sflag:s9] =	ssyncadd.s32 $0xFFFFD8F0  }
0xb1: {  	[spmem:s1] =	stream.indirect.scatter.add.f32 [tilespmem:s6], [sflag:$0x7], $0x1, s0, s5, $0xb8;
	[tilespmem:$0x1AD00] =	vst v63  }
0xb2: {  	_ =	swait.ge [sflag:s10], $0x2710  }
0xb3: {  	[sflag:s10] =	ssyncset.done $0x0  }
0xb4: {  	[sflag:s10] =	ssyncadd.s32 $0xFFFFD8F0  }
0xb5: {  	_ =	swait.ge [sflag:s10], $0x2710  }
0xb6: {  	[sflag:s10] =	ssyncset.done $0x0  }
0xb7: {  	[sflag:s10] =	ssyncadd.s32 $0xFFFFD8F0  }
0xb8: {  	[tilespmem:s11], [sflag:$0x5] =	stream.indirect.gather [spmem:s21], $0x1, s31, s5, $0xb8;
	[tilespmem:$0x1AD00] =	vst v63  }
0xb9: {  	_ =	swait.ge [sflag:s12], $0x2710  }
0xba: {  	[sflag:s12] =	ssyncset.done $0x0  }
0xbb: {  	s23 =	rddreg [dreg:$0x18];
	[sflag:s12] =	ssyncadd.s32 $0xFFFFD8F0  }
0xbc: {  	[tilespmem:s2], [sflag:$0x1] =	stream.linear.gather [hbm4b:s23+s2], $0x2710, $0x38;
	[tilespmem:$0x1AD00] =	vst v63  }
0xbd: {  	s23 =	rddreg [dreg:$0x19]  }
0xbe: {  	[tilespmem:s0], [sflag:$0x1] =	stream.linear.gather [hbm4b:s23+s2], $0x2710, $0x38;
	[tilespmem:$0x1AD00] =	vst v63  }
0xbf: {  	_ =	swait.ge [sflag:s13], $0x2710  }
0xc0: {  	[sflag:s13] =	ssyncset.done $0x0  }
0xc1: {  	[sflag:s13] =	ssyncadd.s32 $0xFFFFD8F0  }
0xc2: {  	[spmem:s1] =	stream.indirect.scatter.add.f32 [tilespmem:s11], [sflag:$0x8], $0x1, s3, s5, $0xb8;
	[tilespmem:$0x1AD00] =	vst v63  }
0xc3: {  	_ =	swait.ge [sflag:s14], $0x2710  }
0xc4: {  	[sflag:s14] =	ssyncset.done $0x0  }
0xc5: {  	[sflag:s14] =	ssyncadd.s32 $0xFFFFD8F0  }
0xc6: {  	_ =	swait.ge [sflag:s14], $0x2710  }
0xc7: {  	[sflag:s14] =	ssyncset.done $0x0  }
0xc8: {  	[sflag:s14] =	ssyncadd.s32 $0xFFFFD8F0  }
0xc9: {  	[tilespmem:s15], [sflag:$0x6] =	stream.indirect.gather [spmem:s21], $0x1, s7, s5, $0xb8;
	[tilespmem:$0x1AD00] =	vst v63  }
0xca: {  	_ =	swait.ge [sflag:s16], $0x2710  }
0xcb: {  	[sflag:s16] =	ssyncset.done $0x0  }
0xcc: {  	[sflag:s16] =	ssyncadd.s32 $0xFFFFD8F0  }
0xcd: {  	_ =	swait.ge [sflag:s17], $0x2710  }
0xce: {  	[sflag:s17] =	ssyncset.done $0x0  }
0xcf: {  	[sflag:s17] =	ssyncadd.s32 $0xFFFFD8F0  }
0xd0: {  	[spmem:s1] =	stream.indirect.scatter.add.f32 [tilespmem:s15], [sflag:$0x9], $0x1, s8, s5, $0xb8;
	[tilespmem:$0x1AD00] =	vst v63  }
0xd1: {  	_ =	swait.ge [sflag:s4], $0x2710  }
0xd2: {  	[sflag:s4] =	ssyncset.done $0x0  }
0xd3: {  	[sflag:s4] =	ssyncadd.s32 $0xFFFFD8F0  }
0xd4: {  	_ =	swait.ge [sflag:s4], $0x2710  }
0xd5: {  	[sflag:s4] =	ssyncset.done $0x0  }
0xd6: {  	[sflag:s4] =	ssyncadd.s32 $0xFFFFD8F0  }
0xd7: {  	[tilespmem:s6], [sflag:$0x4] =	stream.indirect.gather [spmem:s21], $0x1, s2, s5, $0xb8;
	[tilespmem:$0x1AD00] =	vst v63  }
0xd8: {  	_ =	swait.ge [sflag:s18], $0x2710  }
0xd9: {  	[sflag:s18] =	ssyncset.done $0x0  }
0xda: {  	[sflag:s18] =	ssyncadd.s32 $0xFFFFD8F0  }
0xdb: {  	_ =	swait.ge [sflag:s9], $0x2710  }
0xdc: {  	[sflag:s9] =	ssyncset.done $0x0  }
0xdd: {  	[sflag:s9] =	ssyncadd.s32 $0xFFFFD8F0  }
0xde: {  	[spmem:s1] =	stream.indirect.scatter.add.f32 [tilespmem:s6], [sflag:$0x7], $0x1, s0, s5, $0xb8;
	[tilespmem:$0x1AD00] =	vst v63  }
0xdf: {  	_ =	swait.ge [sflag:s12], $0x2710  }
0xe0: {  	s19 =	sadd.s32 $0x1, s19;
	[sflag:s12] =	ssyncset.done $0x0  }
0xe1: {  	p0 =	sne.s32 s19, s29;
	[sflag:s12] =	ssyncadd.s32 $0xFFFFD8F0  }
.Ltmp1:
0xe2: {  	s23 =	sshrl.u32 s26, $0x3;
	[bflag:$0x0] =	sbarrier.arrive $0xFFFF;
	(pc) =	sbr.rel @p0 .LBB2_1-.Ltmp1, $4  }
0xe3: {  	[hbm:s28@s24], [sflag:s22] =	dma.strided [spmem:s23@s25], $0x310, s4, $0x10   }
0xe4: {  	_ =	swait.ge [sflag:s20], $0x310  }
0xe5: {  	[sflag:s20] =	ssyncset.done $0x0  }
0xe6: {  	[sflag:s20] =	ssyncadd.s32 $0xFFFFFCF0  }
0xe7: {  	_ =	sfence.sel $0x180000  }
0xe8: {  	[bflag:$0x0] =	sbarrier.arrive $0xFFFF  }
0xe9: {  	_ =	strace $0x9000004A  }
0xea: {  	s0 =	stileid.u32;
	[bflag:$0x2] =	sbarrier.arrive $0xFFFF  }
0xeb: {  	p0 =	sne.s32 s0, $0x0;
	s0 =	rddreg [dreg:$0x4]  }
0xec: {  	s0 =	sadd.s32 @!p0 $0x100000, s0  }
0xed: {  	[sflag:s0] =	ssyncadd.tile.s32 @!p0 $0x1;
	_ =	shalt  }
.Lfunc_end2:
_tile_overlayer_lowered:
.L_overlay_start_2:
0xee: {  	(tag) =	ssettag $0x2  }
0xef: {  	s0 =	rddreg [dreg:$0x0];
	s2 =	stileid.u32  }
0xf0: {  	s1 =	rddreg [dreg:$0x1];
	p0 =	sne.s32 s2, $0x0  }
0xf1: {  	s3 =	rddreg [dreg:$0x2];
	[bflag:$0x3] =	sbarrier.arrive $0xFFFF;
	s2 =	simm.s32 @!p0 $0x1C0A  }
0xf2: {  	[timem:s3], [sflag:s2] =	dma.local @!p0 [hbm:s0], s1  }
0xf3: {  	s0 =	simm.s32 @!p0 $0xA  }
0xf4: {  	_ =	swait.ge @!p0 [sflag:s0], s1  }
0xf5: {  	s1 =	ssub.s32 @!p0 $0x0, s1;
	[sflag:s0] =	ssyncset.done @!p0 $0x0  }
0xf6: {  	[sflag:s0] =	ssyncadd.s32 @!p0 s1  }
0xf7: {  	[bflag:$0x3] =	sbarrier.arrive $0xFFFF  }
0xf8: {  	_ =	shalt  }

// kernel: kernel.14.cloned.1.call-start
scs
__scs_entry_jumppad:
0x0: {  	(pc) =	sbr.rel $0x88, $3  }
0x1: {  	(tag) =	ssettag $0x0;
	lr =	simm.s32 $0x1  }
0x2: {  	[smem:$0x3F9B] =	sst lr;
	_ =	strace $0xD0000000  }
0x3: {  	_ = 	snop  }
0x4: {  	_ = 	snop  }
0x5: {  	_ = 	snop  }
0x6: {  	_ = 	snop  }
0x7: {  	_ = 	snop  }
__scs_overlays_trampoline_lowered:
0x8: {  	[smem:$0x3FAA] =	sst s0  }
0x9: {  	[smem:$0x3FAB] =	sst s1  }
0xa: {  	[smem:$0x3FAC] =	sst s2  }
0xb: {  	[smem:$0x3FAD] =	sst s3  }
0xc: {  	[smem:$0x3FAE] =	sst s4  }
0xd: {  	[smem:$0x3FAF] =	sst s5  }
0xe: {  	[smem:$0x3FB0] =	sst s6  }
0xf: {  	[smem:$0x3FB1] =	sst s7  }
0x10: {  	[smem:$0x3FB2] =	sst s8  }
0x11: {  	[smem:$0x3FB3] =	sst s9;
	s0 =	simm.s32 @!p0 $0x0  }
0x12: {  	s1 =	sld [smem:$0x3F99];
	s0 =	simm.s32 @p0 $0x1  }
0x13: {  	[smem:$0x3FB4] =	sst s0;
	s0 =	simm.s32 @!p1 $0x0  }
0x14: {  	s2 =	sld [smem:$0x3F98];
	s0 =	simm.s32 @p1 $0x1  }
0x15: {  	[smem:$0x3FB5] =	sst s0;
	s0 =	simm.s32 @!p2 $0x0  }
0x16: {  	s3 =	sld [smem:$0x3FDB];
	s0 =	simm.s32 @p2 $0x1  }
0x17: {  	s4 =	simm.s32 $0x1BF5;
	[smem:$0x3FB7] =	sst s0  }
0x18: {  	s0 =	sld [smem:$0x3F9A];
	_ =	swait.ge [sflag:s4], $0x0  }
0x19: {  	s7 =	sld [smem:$0x3F9B]  }
0x1a: {  	s8 =	sadd.s32 $0xFFFFE003, lr  }
0x1b: {  	s9 =	sadd.s32 $0xFFFFFEF7, lr;
	s5 =	simm.s32 $0xFFFFFFFF;
	p2 =	slt.u32 s8, $0xFFFFF086  }
0x1c: {  	p1 =	slt.u32 s9, $0xF7A;
	s5 =	simm.s32 @!p2 $0x0  }
0x1d: {  	s5 =	simm.s32 @p1 $0x1;
	p0 =	seq.s32 s7, s2  }
0x1e: {  	s7 =	smul.u32 @!p0 $0xF7A, s2;
	p2 =	seq.s32 @!p0 s5, $0x0  }
0x1f: {  	s9 =	smul.u32 $0xF7A, s1;
	s8 =	simm.s32 @!p0 $0x1BF5;
	p2 =	por !p2, p0  }
0x20: {  	[sflag:s8] =	ssyncset.s32 @!p0 $0xFFFFF086;
	s6 =	sadd.s32 @!p0 s3, s7;
	s7 =	simm.s32 @!p0 $0x108  }
0x21: {  	s3 =	sadd.s32 s3, s9;
	s6 =	sadd.s32 @!p0 $0x88, s6;
	s7 =	simm.s32 @p2 $0x1082  }
0x22: {  	[simem:s7], [sflag:s8] =	dma.local @!p0 [hbm:s6], $0xF7A  }
0x23: {  	s9 =	sor.u32 $0xD0000000, s2;
	s6 =	simm.s32 $0x108;
	_ =	swait.ge @!p0 [sflag:s8], $0x0  }
0x24: {  	s3 =	sadd.s32 $0x88, s3;
	s6 =	simm.s32 @!p1 $0x1082;
	[sflag:s4] =	ssyncset.s32 $0xFFFFF086  }
0x25: {  	[simem:s6], [sflag:s4] =	dma.local [hbm:s3], $0xF7A  }
0x26: {  	[smem:$0x3F9B] =	sst s1;
	(tag) =	ssettag s2;
	_ =	strace s9  }
0x27: {  	s1 =	sld [smem:$0x3FAB]  }
0x28: {  	s2 =	sld [smem:$0x3FAC]  }
0x29: {  	s4 =	sld [smem:$0x3FAE]  }
0x2a: {  	p0 =	seq.s32 s5, $0x0;
	s5 =	sld [smem:$0x3FAF]  }
0x2b: {  	s6 =	sld [smem:$0x3FB0]  }
0x2c: {  	s7 =	sld [smem:$0x3FB1]  }
0x2d: {  	s3 =	simm.s32 $0x108;
	s8 =	sld [smem:$0x3FB2]  }
0x2e: {  	s3 =	simm.s32 @!p0 $0x1082;
	s9 =	sld [smem:$0x3FB3]  }
0x2f: {  	lr =	sadd.s32 s0, s3;
	s0 =	sld [smem:$0x3FAA]  }
0x30: {  	s3 =	sld [smem:$0x3FAD]  }
0x31: {  	[smem:$0x3FB6] =	sst s10  }
0x32: {  	s10 =	sld [smem:$0x3FB4];
	_ =	sdelay $0x3  }
0x33: {  	p0 =	seq.s32 s10, $0x1;
	s10 =	sld [smem:$0x3FB6];
	_ =	sdelay $0x3  }
0x34: {  	[smem:$0x3FB6] =	sst s10  }
0x35: {  	s10 =	sld [smem:$0x3FB5];
	_ =	sdelay $0x3  }
0x36: {  	p1 =	seq.s32 s10, $0x1;
	s10 =	sld [smem:$0x3FB6];
	_ =	sdelay $0x3  }
0x37: {  	[smem:$0x3FB6] =	sst s10  }
0x38: {  	s10 =	sld [smem:$0x3FB7]  }
0x39: {  	_ = 	snop;
	(pc) =	sbr.ind lr, $3  }
0x3a: {  	_ = 	snop  }
0x3b: {  	_ = 	snop  }
0x3c: {  	p2 =	seq.s32 s10, $0x1;
	s10 =	sld [smem:$0x3FB6]  }
0x3d: {  	_ =	shalt  }
0x3e: {  	_ =	shalt  }
0x3f: {  	_ =	shalt  }
0x40: {  	_ =	shalt  }
0x41: {  	_ =	shalt  }
0x42: {  	_ =	shalt  }
0x43: {  	_ =	shalt  }
0x44: {  	_ =	shalt  }
0x45: {  	_ =	shalt  }
0x46: {  	_ =	shalt  }
0x47: {  	_ =	shalt  }
0x48: {  	_ =	shalt  }
0x49: {  	_ =	shalt  }
0x4a: {  	_ =	shalt  }
0x4b: {  	_ =	shalt  }
0x4c: {  	_ =	shalt  }
0x4d: {  	_ =	shalt  }
0x4e: {  	_ =	shalt  }
0x4f: {  	_ =	shalt  }
0x50: {  	_ =	shalt  }
0x51: {  	_ =	shalt  }
0x52: {  	_ =	shalt  }
0x53: {  	_ =	shalt  }
0x54: {  	_ =	shalt  }
0x55: {  	_ =	shalt  }
0x56: {  	_ =	shalt  }
0x57: {  	_ =	shalt  }
0x58: {  	_ =	shalt  }
0x59: {  	_ =	shalt  }
0x5a: {  	_ =	shalt  }
0x5b: {  	_ =	shalt  }
0x5c: {  	_ =	shalt  }
0x5d: {  	_ =	shalt  }
0x5e: {  	_ =	shalt  }
0x5f: {  	_ =	shalt  }
0x60: {  	_ =	shalt  }
0x61: {  	_ =	shalt  }
0x62: {  	_ =	shalt  }
0x63: {  	_ =	shalt  }
0x64: {  	_ =	shalt  }
0x65: {  	_ =	shalt  }
0x66: {  	_ =	shalt  }
0x67: {  	_ =	shalt  }
0x68: {  	_ =	shalt  }
0x69: {  	_ =	shalt  }
0x6a: {  	_ =	shalt  }
0x6b: {  	_ =	shalt  }
0x6c: {  	_ =	shalt  }
0x6d: {  	_ =	shalt  }
0x6e: {  	_ =	shalt  }
0x6f: {  	_ =	shalt  }
0x70: {  	_ =	shalt  }
0x71: {  	_ =	shalt  }
0x72: {  	_ =	shalt  }
0x73: {  	_ =	shalt  }
0x74: {  	_ =	shalt  }
0x75: {  	_ =	shalt  }
0x76: {  	_ =	shalt  }
0x77: {  	_ =	shalt  }
0x78: {  	_ =	shalt  }
0x79: {  	_ =	shalt  }
0x7a: {  	_ =	shalt  }
0x7b: {  	_ =	shalt  }
0x7c: {  	_ =	shalt  }
0x7d: {  	_ =	shalt  }
0x7e: {  	_ =	shalt  }
0x7f: {  	_ =	shalt  }
0x80: {  	_ =	shalt  }
0x81: {  	_ =	shalt  }
0x82: {  	_ =	shalt  }
0x83: {  	_ =	shalt  }
0x84: {  	_ =	shalt  }
0x85: {  	_ =	shalt  }
0x86: {  	_ =	shalt  }
0x87: {  	_ =	shalt  }
.Lfunc_end0:
.L_simem_size_0:
called_computation.2_lowered:
.L_overlay_start_0:
0x88: {  	s2 =	sld [smem:$0x3FD9]  }
0x89: {  	s3 =	sld [smem:$0x3FFE];
	_ =	sdelay $0x1  }
0x8a: {  	s1 =	srdreg.scid  }
0x8b: {  	s0 =	sand.u32 $0x1, s1  }
0x8c: {  	s17 =	sshll.u32 s0, $0xA;
	s2 =	sadd.s32 s3, s2  }
0x8d: {  	s2 =	sadd.s32 s2, s17  }
0x8e: {  	[smem:$0x3FC2] =	sst s2  }
0x8f: {  	_ = 	snop  }
0x90: {  	s2 =	sld [smem:$0x3FD0];
	(tm) =	ssettm $0x1  }
0x91: {  	s18 =	sld [smem:$0x3FFB];
	_ =	sdelay $0x3  }
0x92: {  	_ =	strace s18  }
0x93: {  	s3 =	sld [smem:$0x3FFC];
	_ =	sdelay $0x3  }
0x94: {  	_ =	strace s3  }
0x95: {  	s3 =	sld [smem:$0x3FFD];
	_ =	sdelay $0x3  }
0x96: {  	_ =	strace s3  }
0x97: {  	_ =	strace $0x8FFFFFFF  }
0x98: {  	s19 =	sld [smem:$0x3FDB];
	_ =	sdelay $0x1  }
0x99: {  	s4 =	simm.s32 $_scs_section_size  }
0x9a: {  	s5 =	simm.s32 $_size__tile_overlayer_lowered;
	s6 =	simm.s32 $_tile_overlayer_lowered  }
0x9b: {  	s22 =	simm.s32 $0x1BFF;
	s21 =	sshll.u32 s6, $0x1;
	s3 =	sadd.s32 s4, s19  }
0x9c: {  	s7 =	simm.s32 $0x0;
	s20 =	sshll.u32 s5, $0x1;
	s5 =	sadd.s32 s21, s3  }
0x9d: {  	[timem:s7], [sflag:s22] =	dma.local [hbm:s5], s20  }
0x9e: {  	_ =	swait.ge [sflag:s22], s20  }
0x9f: {  	s4 =	ssub.s32 $0x0, s20;
	[sflag:s22] =	ssyncset.done $0x0  }
0xa0: {  	[sflag:s22] =	ssyncadd.s32 s4;
	_ =	sdelay $0x1  }
0xa1: {  	s23 =	simm.s32 $0x1B8B  }
0xa2: {  	_ =	swait.ge [sflag:s23], $0x1  }
0xa3: {  	[sflag:s23] =	ssyncset.done $0x0  }
0xa4: {  	s25 =	simm.s32 $0x1B8E;
	s24 =	sld [smem:$0x3FFE];
	[sflag:s23] =	ssyncadd.s32 $0xFFFFFFFF  }
0xa5: {  	s26 =	simm.s32 $execute0_lowered;
	[smem:$0x3FD2] =	sst s25  }
0xa6: {  	s5 =	sshll.u32 s26, $0x1;
	_ =	strace $0x8000004C;
	[dreg:$0x1] =	wrdreg $0xFFFFFFFF  }
0xa7: {  	s28 =	simm.s32 $_size_execute0_lowered;
	s3 =	sadd.s32 s3, s5;
	[dreg:$0x0] =	wrdreg $0x0  }
0xa8: {  	s5 =	sshll.u32 s28, $0x1;
	[dreg:$0x2] =	wrdreg s3  }
0xa9: {  	[dreg:$0x3] =	wrdreg s5  }
0xaa: {  	[dreg:$0x4] =	wrdreg $0xC0  }
0xab: {  	_ =	task [dreg:s7], $0x5FFFF  }
0xac: {  	[dreg:$0x1] =	wrdreg $0xFFFFFFFF  }
0xad: {  	[dreg:$0x0] =	wrdreg $0x60  }
0xae: {  	[dreg:$0x2] =	wrdreg s24  }
0xaf: {  	[dreg:$0x3] =	wrdreg s2  }
0xb0: {  	[dreg:$0x4] =	wrdreg $0x13C000  }
0xb1: {  	[dreg:$0x5] =	wrdreg $0x154800  }
0xb2: {  	[dreg:$0x6] =	wrdreg $0x16D000  }
0xb3: {  	[dreg:$0x7] =	wrdreg $0x185800  }
0xb4: {  	[dreg:$0x8] =	wrdreg $0x9  }
0xb5: {  	_ =	task.clear_ibuf [dreg:s7], $0x9FFFF;
	_ =	strace $0x9000004C  }
0xb6: {  	s29 =	simm.s32 $0x9;
	_ =	strace $0x8000004E  }
0xb7: {  	_ =	swait.ge [sflag:s29], $0x1  }
0xb8: {  	[sflag:s29] =	ssyncadd.s32 $0xFFFFFFFF  }
0xb9: {  	_ =	strace $0x9000004E  }
0xba: {  	_ =	sfence  }
0xbb: {  	s30 =	sld [smem:$0x0];
	_ =	sdelay $0x2  }
0xbc: {  	s31 =	sshll.u32 s1, $0xD;
	s1 =	sshrl.u32 s1, $0x2  }
0xbd: {  	s3 =	sand.u32 $0x4000, s31;
	s1 =	sadd.s32 s1, s30  }
0xbe: {  	s0 =	sor.u32 s3, s0;
	s1 =	sshll.u32 s1, $0x11  }
0xbf: {  	s0 =	sor.u32 s1, s0  }
0xc0: {  	s0 =	sadd.s32 $0x8F2B, s0  }
0xc1: {  	[sflag:s0] =	ssyncadd.remote.s32 $0x1  }
0xc2: {  	_ =	sfence.sel $0xFFFF  }
0xc3: {  	[dreg:$0x0] =	wrdreg $0xFFFFFFFF;
	(pc) =	sbr.abs _section_cstart, $3  }
0xc4: {  	[dreg:$0x1] =	wrdreg $0xFFFFFFFF  }
0xc5: {  	_ =	task.clear_ibuf [dreg:s7], $0x2FFFF;
	_ =	strace $0x9FFFFFFF  }
0xc6: {  	(tm) =	ssettm $0x7FFFFFFF  }
0xc7: {  	_ =	shalt  }
tec
execute0_lowered:
.L_overlay_start_1:
0x0: {  	(tag) =	ssettag $0x1  }
0x1: {  	s0 =	rddreg [dreg:$0x0]  }
0x2: {  	s3 =	rddreg [dreg:$0x1]  }
0x3: {  	s1 =	rddreg [dreg:$0x2]  }
0x4: {  	s2 =	simm.s32 $0x0;
	s11 =	stileid.u32;
	s6 =	srdreg.scid  }
0x5: {  	[smem:$0x7FF] =	sst s2;
	s4 =	sadd.s32 $0x64800, s0;
	s5 =	smul.u32 $0x1880, s11  }
0x6: {  	s6 =	sand.u32 $0x1, s6;
	s8 =	smul.u32 $0x3100, s11;
	s11 =	sshll.u32 s11, $0x1  }
0x7: {  	s7 =	sadd.s32 $0x2C00, s0;
	s10 =	sshll.u32 s6, $0x7;
	s25 =	sor.u32 s6, s11  }
0x8: {  	s6 =	ssub.s32 $0x2, s6;
	s9 =	sshrl.u32 s5, $0x3;
	s11 =	smul.u32 $0x2710, s25  }
0x9: {  	s8 =	sor.u32 s10, s8;
	s26 =	sshrl.u32 s6, $0x1;
	s10 =	smul.u32 $0x4E2, s25  }
0xa: {  	s12 =	sadd.s32 s9, s0;
	s8 =	sshrl.u32 s8, $0x3;
	s3 =	sadd.s32 s3, s9  }
0xb: {  	[dreg:$0x7] =	wrdreg s3;
	s3 =	sshrl.u32 s11, $0x3;
	s13 =	sadd.s32 s4, s10  }
0xc: {  	s14 =	sadd.s32 s7, s10;
	[dreg:$0x8] =	wrdreg s13;
	s15 =	sadd.s32 $0x9C40, s3  }
0xd: {  	s0 =	sadd.s32 s8, s0;
	[dreg:$0x9] =	wrdreg s14;
	s16 =	sadd.s32 s4, s15  }
0xe: {  	s17 =	sadd.s32 $0x13880, s3;
	s8 =	sadd.s32 s7, s15;
	[dreg:$0xa] =	wrdreg s16  }
0xf: {  	s19 =	sadd.s32 $0x1D4C0, s3;
	s18 =	sadd.s32 s4, s17;
	[dreg:$0xb] =	wrdreg s8  }
0x10: {  	s21 =	sadd.s32 $0x27100, s3;
	s20 =	sadd.s32 s4, s19;
	[dreg:$0xc] =	wrdreg s18  }
0x11: {  	s23 =	sadd.s32 $0x30D40, s3;
	s22 =	sadd.s32 s4, s21;
	[dreg:$0xe] =	wrdreg s20  }
0x12: {  	s25 =	sadd.s32 $0x3A980, s3;
	s24 =	sadd.s32 s4, s23;
	[dreg:$0x10] =	wrdreg s22  }
0x13: {  	s6 =	ssub.s32 s6, s26;
	s26 =	sadd.s32 s4, s25;
	[dreg:$0x12] =	wrdreg s24  }
0x14: {  	s10 =	sadd.s32 $0x445C0, s3;
	[dreg:$0x14] =	wrdreg s26  }
0x15: {  	s13 =	sadd.s32 $0x4E200, s3;
	s11 =	sadd.s32 s4, s10;
	s18 =	rddreg [dreg:$0x3]  }
0x16: {  	s28 =	simm.s32 $0x8;
	s14 =	sadd.s32 s4, s13;
	[dreg:$0x16] =	wrdreg s11  }
0x17: {  	s3 =	sadd.s32 $0x57E40, s3;
	s15 =	sadd.s32 s7, s13;
	[dreg:$0x18] =	wrdreg s14  }
0x18: {  	s31 =	simm.s32 $0xA;
	s4 =	sadd.s32 s4, s3;
	[dreg:$0x19] =	wrdreg s15  }
0x19: {  	s29 =	simm.s32 $0x10;
	s3 =	sadd.s32 s7, s3;
	[dreg:$0x1a] =	wrdreg s4  }
0x1a: {  	s9 =	simm.s32 $0x1;
	s8 =	sadd.s32 s7, s17;
	[dreg:$0x1b] =	wrdreg s3  }
0x1b: {  	s13 =	simm.s32 $0x7680;
	[dreg:$0xd] =	wrdreg s8;
	s8 =	sadd.s32 s7, s19  }
0x1c: {  	s16 =	sadd.s32 s5, s1;
	s20 =	sadd.s32 $0xC6400, s12;
	[dreg:$0xf] =	wrdreg s8  }
0x1d: {  	s22 =	sadd.s32 $0xC9600, s0;
	s8 =	sadd.s32 s7, s21;
	s21 =	rddreg [dreg:$0x4]  }
0x1e: {  	s0 =	sadd.s32 $0xCF800, s0;
	[dreg:$0x11] =	wrdreg s8;
	s8 =	sadd.s32 s7, s23  }
0x1f: {  	s11 =	simm.s32 $0xED00;
	s12 =	simm.s32 $0x2780;
	[dreg:$0x13] =	wrdreg s8  }
0x20: {  	s14 =	simm.s32 $0x3;
	s8 =	sadd.s32 s7, s25;
	s25 =	rddreg [dreg:$0x5]  }
0x21: {  	s15 =	simm.s32 $0x5;
	[dreg:$0x15] =	wrdreg s8;
	s8 =	sadd.s32 s7, s10  }
0x22: {  	s3 =	simm.s32 $0x0;
	s30 =	sadd.s32 s5, s18;
	[dreg:$0x17] =	wrdreg s8  }
0x23: {  	s17 =	sadd.s32 s5, s21;
	_ =	strace $0x8000004D;
	[smem:$0x7FB] =	sst s16  }
0x24: {  	s23 =	smax.u32 s6, $0x1;
	s6 =	simm.s32 $0x9E00;
	[dreg:$0x1c] =	wrdreg s20  }
0x25: {  	s24 =	sshrl.u32 s17, $0x3;
	s17 =	simm.s32 $0xC580;
	[dreg:$0x1d] =	wrdreg s22  }
0x26: {  	s19 =	sadd.s32 s5, s25;
	s7 =	simm.s32 $0xB;
	[dreg:$0x1e] =	wrdreg s0  }
0x27: {  	s10 =	simm.s32 $0x2710;
	s26 =	sshrl.u32 s19, $0x3;
	[dreg:$0x1f] =	wrdreg s23  }
0x28: {  	s8 =	simm.s32 $0x4F00;
	s19 =	simm.s32 $0x11480;
	[smem:$0x7FC] =	sst s24  }
0x29: {  	[smem:$0x7FD] =	sst s26;
	s16 =	simm.s32 $0x2;
	s20 =	simm.s32 $0x7  }
0x2a: {  	v0 =	vimm.f32 $0.0e+00;
	s23 =	simm.s32 $0x9;
	s24 =	simm.s32 $0x4;
	s26 =	simm.s32 $0x6  }
.LBB2_1:
0x2b: {  	s4 =	simm.s32 $0x40;
	s5 =	simm.s32 $0x0  }
.LBB2_2:
0x2c: {  	p0 =	sne.s32 s4, $0x61C0;
	[tilespmem:s5+$0x9E00] =	vst v0;
	s5 =	smov.u32 s4;
	s4 =	sadd.s32 $0x40, s4  }
.Ltmp0:
0x2d: {  	(pc) =	sbr.rel @p0 .LBB2_2-.Ltmp0, $2  }
0x2e: {  	_ =	sdelay $0x2  }
0x2f: {  	s5 =	sshra.s32 s5, $0x2  }
0x30: {  	s0 =	sld [smem:$0x7FB];
	_ =	sdelay $0x1  }
0x31: {  	[tilespmem:s5+$0x9E00] =	vst v0  }
0x32: {  	[spmem:s0] =	stream.linear.scatter [tilespmem:s6], [sflag:$0xB], $0x1880, $0x38;
	[tilespmem:$0x19E00] =	vst v63  }
0x33: {  	_ =	swait.ge [sflag:s7], $0x1880  }
0x34: {  	[sflag:s7] =	ssyncset.done $0x0  }
0x35: {  	[sflag:s7] =	ssyncadd.s32 $0xFFFFE780  }
0x36: {  	[spmem:s30] =	stream.linear.scatter [tilespmem:s6], [sflag:$0xB], $0x1880, $0x38;
	[tilespmem:$0x19E00] =	vst v63  }
0x37: {  	_ =	swait.ge [sflag:s7], $0x1880  }
0x38: {  	s4 =	stileid.u32;
	s22 =	sld [smem:$0x7FC]  }
0x39: {  	s4 =	sshll.u32 s4, $0x6;
	[sflag:s7] =	ssyncset.done $0x0  }
0x3a: {  	s4 =	sor.u32 $0x1C0B, s4;
	s5 =	rddreg [dreg:$0x7];
	[sflag:s7] =	ssyncadd.s32 $0xFFFFE780  }
0x3b: {  	[spmem:s22], [sflag:s4] =	dma.local [hbm:s5], $0x310  }
0x3c: {  	_ =	swait.ge [sflag:s7], $0x310  }
0x3d: {  	s22 =	sld [smem:$0x7FD]  }
0x3e: {  	[sflag:s7] =	ssyncset.done $0x0  }
0x3f: {  	s5 =	rddreg [dreg:$0x1c];
	[sflag:s7] =	ssyncadd.s32 $0xFFFFFCF0  }
0x40: {  	[spmem:s22], [sflag:s4] =	dma.local [hbm:s5], $0x310  }
0x41: {  	_ =	swait.ge [sflag:s7], $0x310  }
0x42: {  	[sflag:s7] =	ssyncset.done $0x0  }
0x43: {  	[sflag:s7] =	ssyncadd.s32 $0xFFFFFCF0  }
0x44: {  	[bflag:$0x0] =	sbarrier.arrive $0xFFFF  }
0x45: {  	s22 =	rddreg [dreg:$0x8]  }
0x46: {  	[tilespmem:s2], [sflag:$0x1] =	stream.linear.gather [hbm4b:s22+s2], $0x2710, $0x38;
	[tilespmem:$0x19E00] =	vst v63  }
0x47: {  	s22 =	rddreg [dreg:$0x9]  }
0x48: {  	[tilespmem:s8], [sflag:$0x1] =	stream.linear.gather [hbm4b:s22+s2], $0x2710, $0x38;
	[tilespmem:$0x19E00] =	vst v63  }
0x49: {  	_ =	swait.ge [sflag:s9], $0x2710  }
0x4a: {  	[sflag:s9] =	ssyncset.done $0x0  }
0x4b: {  	[sflag:s9] =	ssyncadd.s32 $0xFFFFD8F0  }
0x4c: {  	_ =	swait.ge [sflag:s9], $0x2710  }
0x4d: {  	[sflag:s9] =	ssyncset.done $0x0  }
0x4e: {  	[sflag:s9] =	ssyncadd.s32 $0xFFFFD8F0  }
0x4f: {  	[tilespmem:s6], [sflag:$0x3] =	stream.indirect.gather [spmem:s21], $0x1, s2, s10, $0xb8;
	[tilespmem:$0x19E00] =	vst v63  }
0x50: {  	_ = 	snop  }
0x51: {  	[tilespmem:s11], [sflag:$0x5] =	stream.indirect.gather [spmem:s25], $0x1, s2, s10, $0xb8;
	[tilespmem:$0x19E00] =	vst v63  }
0x52: {  	s22 =	rddreg [dreg:$0xa]  }
0x53: {  	[tilespmem:s12], [sflag:$0x2] =	stream.linear.gather [hbm4b:s22+s2], $0x2710, $0x38;
	[tilespmem:$0x19E00] =	vst v63  }
0x54: {  	s22 =	rddreg [dreg:$0xb]  }
0x55: {  	[tilespmem:s13], [sflag:$0x2] =	stream.linear.gather [hbm4b:s22+s2], $0x2710, $0x38;
	[tilespmem:$0x19E00] =	vst v63  }
0x56: {  	_ =	swait.ge [sflag:s14], $0x2710  }
0x57: {  	[sflag:s14] =	ssyncset.done $0x0  }
0x58: {  	[sflag:s14] =	ssyncadd.s32 $0xFFFFD8F0  }
0x59: {  	[spmem:s1] =	stream.indirect.scatter.add.f32 [tilespmem:s6], [sflag:$0x7], $0x1, s8, s10, $0xb8;
	[tilespmem:$0x19E00] =	vst v63  }
0x5a: {  	_ =	swait.ge [sflag:s15], $0x2710  }
0x5b: {  	[sflag:s15] =	ssyncset.done $0x0  }
0x5c: {  	[sflag:s15] =	ssyncadd.s32 $0xFFFFD8F0  }
0x5d: {  	[spmem:s18] =	stream.indirect.scatter.add.f32 [tilespmem:s11], [sflag:$0x9], $0x1, s8, s10, $0xb8;
	[tilespmem:$0x19E00] =	vst v63  }
0x5e: {  	_ =	swait.ge [sflag:s16], $0x2710  }
0x5f: {  	[sflag:s16] =	ssyncset.done $0x0  }
0x60: {  	[sflag:s16] =	ssyncadd.s32 $0xFFFFD8F0  }
0x61: {  	_ =	swait.ge [sflag:s16], $0x2710  }
0x62: {  	[sflag:s16] =	ssyncset.done $0x0  }
0x63: {  	[sflag:s16] =	ssyncadd.s32 $0xFFFFD8F0  }
0x64: {  	[tilespmem:s17], [sflag:$0x4] =	stream.indirect.gather [spmem:s21], $0x1, s12, s10, $0xb8;
	[tilespmem:$0x19E00] =	vst v63  }
0x65: {  	_ = 	snop  }
0x66: {  	[tilespmem:s19], [sflag:$0x6] =	stream.indirect.gather [spmem:s25], $0x1, s12, s10, $0xb8;
	[tilespmem:$0x19E00] =	vst v63  }
0x67: {  	_ =	swait.ge [sflag:s20], $0x2710  }
0x68: {  	[sflag:s20] =	ssyncset.done $0x0  }
0x69: {  	[sflag:s20] =	ssyncadd.s32 $0xFFFFD8F0  }
0x6a: {  	_ =	swait.ge [sflag:s23], $0x2710  }
0x6b: {  	[sflag:s23] =	ssyncset.done $0x0  }
0x6c: {  	s22 =	rddreg [dreg:$0xc];
	[sflag:s23] =	ssyncadd.s32 $0xFFFFD8F0  }
0x6d: {  	[tilespmem:s2], [sflag:$0x1] =	stream.linear.gather [hbm4b:s22+s2], $0x2710, $0x38;
	[tilespmem:$0x19E00] =	vst v63  }
0x6e: {  	s22 =	rddreg [dreg:$0xd]  }
0x6f: {  	[tilespmem:s8], [sflag:$0x1] =	stream.linear.gather [hbm4b:s22+s2], $0x2710, $0x38;
	[tilespmem:$0x19E00] =	vst v63  }
0x70: {  	_ =	swait.ge [sflag:s24], $0x2710  }
0x71: {  	[sflag:s24] =	ssyncset.done $0x0  }
0x72: {  	[sflag:s24] =	ssyncadd.s32 $0xFFFFD8F0  }
0x73: {  	[spmem:s1] =	stream.indirect.scatter.add.f32 [tilespmem:s17], [sflag:$0x8], $0x1, s13, s10, $0xb8;
	[tilespmem:$0x19E00] =	vst v63  }
0x74: {  	_ =	swait.ge [sflag:s26], $0x2710  }
0x75: {  	[sflag:s26] =	ssyncset.done $0x0  }
0x76: {  	[sflag:s26] =	ssyncadd.s32 $0xFFFFD8F0  }
0x77: {  	[spmem:s18] =	stream.indirect.scatter.add.f32 [tilespmem:s19], [sflag:$0xA], $0x1, s13, s10, $0xb8;
	[tilespmem:$0x19E00] =	vst v63  }
0x78: {  	_ =	swait.ge [sflag:s9], $0x2710  }
0x79: {  	[sflag:s9] =	ssyncset.done $0x0  }
0x7a: {  	[sflag:s9] =	ssyncadd.s32 $0xFFFFD8F0  }
0x7b: {  	_ =	swait.ge [sflag:s9], $0x2710  }
0x7c: {  	[sflag:s9] =	ssyncset.done $0x0  }
0x7d: {  	[sflag:s9] =	ssyncadd.s32 $0xFFFFD8F0  }
0x7e: {  	[tilespmem:s6], [sflag:$0x3] =	stream.indirect.gather [spmem:s21], $0x1, s2, s10, $0xb8;
	[tilespmem:$0x19E00] =	vst v63  }
0x7f: {  	_ = 	snop  }
0x80: {  	[tilespmem:s11], [sflag:$0x5] =	stream.indirect.gather [spmem:s25], $0x1, s2, s10, $0xb8;
	[tilespmem:$0x19E00] =	vst v63  }
0x81: {  	_ =	swait.ge [sflag:s28], $0x2710  }
0x82: {  	[sflag:s28] =	ssyncset.done $0x0  }
0x83: {  	[sflag:s28] =	ssyncadd.s32 $0xFFFFD8F0  }
0x84: {  	_ =	swait.ge [sflag:s31], $0x2710  }
0x85: {  	[sflag:s31] =	ssyncset.done $0x0  }
0x86: {  	s22 =	rddreg [dreg:$0xe];
	[sflag:s31] =	ssyncadd.s32 $0xFFFFD8F0  }
0x87: {  	[tilespmem:s12], [sflag:$0x2] =	stream.linear.gather [hbm4b:s22+s2], $0x2710, $0x38;
	[tilespmem:$0x19E00] =	vst v63  }
0x88: {  	s22 =	rddreg [dreg:$0xf]  }
0x89: {  	[tilespmem:s13], [sflag:$0x2] =	stream.linear.gather [hbm4b:s22+s2], $0x2710, $0x38;
	[tilespmem:$0x19E00] =	vst v63  }
0x8a: {  	_ =	swait.ge [sflag:s14], $0x2710  }
0x8b: {  	[sflag:s14] =	ssyncset.done $0x0  }
0x8c: {  	[sflag:s14] =	ssyncadd.s32 $0xFFFFD8F0  }
0x8d: {  	[spmem:s1] =	stream.indirect.scatter.add.f32 [tilespmem:s6], [sflag:$0x7], $0x1, s8, s10, $0xb8;
	[tilespmem:$0x19E00] =	vst v63  }
0x8e: {  	_ =	swait.ge [sflag:s15], $0x2710  }
0x8f: {  	[sflag:s15] =	ssyncset.done $0x0  }
0x90: {  	[sflag:s15] =	ssyncadd.s32 $0xFFFFD8F0  }
0x91: {  	[spmem:s18] =	stream.indirect.scatter.add.f32 [tilespmem:s11], [sflag:$0x9], $0x1, s8, s10, $0xb8;
	[tilespmem:$0x19E00] =	vst v63  }
0x92: {  	_ =	swait.ge [sflag:s16], $0x2710  }
0x93: {  	[sflag:s16] =	ssyncset.done $0x0  }
0x94: {  	[sflag:s16] =	ssyncadd.s32 $0xFFFFD8F0  }
0x95: {  	_ =	swait.ge [sflag:s16], $0x2710  }
0x96: {  	[sflag:s16] =	ssyncset.done $0x0  }
0x97: {  	[sflag:s16] =	ssyncadd.s32 $0xFFFFD8F0  }
0x98: {  	[tilespmem:s17], [sflag:$0x4] =	stream.indirect.gather [spmem:s21], $0x1, s12, s10, $0xb8;
	[tilespmem:$0x19E00] =	vst v63  }
0x99: {  	_ = 	snop  }
0x9a: {  	[tilespmem:s19], [sflag:$0x6] =	stream.indirect.gather [spmem:s25], $0x1, s12, s10, $0xb8;
	[tilespmem:$0x19E00] =	vst v63  }
0x9b: {  	_ =	swait.ge [sflag:s20], $0x2710  }
0x9c: {  	[sflag:s20] =	ssyncset.done $0x0  }
0x9d: {  	[sflag:s20] =	ssyncadd.s32 $0xFFFFD8F0  }
0x9e: {  	_ =	swait.ge [sflag:s23], $0x2710  }
0x9f: {  	[sflag:s23] =	ssyncset.done $0x0  }
0xa0: {  	s22 =	rddreg [dreg:$0x10];
	[sflag:s23] =	ssyncadd.s32 $0xFFFFD8F0  }
0xa1: {  	[tilespmem:s2], [sflag:$0x1] =	stream.linear.gather [hbm4b:s22+s2], $0x2710, $0x38;
	[tilespmem:$0x19E00] =	vst v63  }
0xa2: {  	s22 =	rddreg [dreg:$0x11]  }
0xa3: {  	[tilespmem:s8], [sflag:$0x1] =	stream.linear.gather [hbm4b:s22+s2], $0x2710, $0x38;
	[tilespmem:$0x19E00] =	vst v63  }
0xa4: {  	_ =	swait.ge [sflag:s24], $0x2710  }
0xa5: {  	[sflag:s24] =	ssyncset.done $0x0  }
0xa6: {  	[sflag:s24] =	ssyncadd.s32 $0xFFFFD8F0  }
0xa7: {  	[spmem:s1] =	stream.indirect.scatter.add.f32 [tilespmem:s17], [sflag:$0x8], $0x1, s13, s10, $0xb8;
	[tilespmem:$0x19E00] =	vst v63  }
0xa8: {  	_ =	swait.ge [sflag:s26], $0x2710  }
0xa9: {  	[sflag:s26] =	ssyncset.done $0x0  }
0xaa: {  	[sflag:s26] =	ssyncadd.s32 $0xFFFFD8F0  }
0xab: {  	[spmem:s18] =	stream.indirect.scatter.add.f32 [tilespmem:s19], [sflag:$0xA], $0x1, s13, s10, $0xb8;
	[tilespmem:$0x19E00] =	vst v63  }
0xac: {  	_ =	swait.ge [sflag:s9], $0x2710  }
0xad: {  	[sflag:s9] =	ssyncset.done $0x0  }
0xae: {  	[sflag:s9] =	ssyncadd.s32 $0xFFFFD8F0  }
0xaf: {  	_ =	swait.ge [sflag:s9], $0x2710  }
0xb0: {  	[sflag:s9] =	ssyncset.done $0x0  }
0xb1: {  	[sflag:s9] =	ssyncadd.s32 $0xFFFFD8F0  }
0xb2: {  	[tilespmem:s6], [sflag:$0x3] =	stream.indirect.gather [spmem:s21], $0x1, s2, s10, $0xb8;
	[tilespmem:$0x19E00] =	vst v63  }
0xb3: {  	_ = 	snop  }
0xb4: {  	[tilespmem:s11], [sflag:$0x5] =	stream.indirect.gather [spmem:s25], $0x1, s2, s10, $0xb8;
	[tilespmem:$0x19E00] =	vst v63  }
0xb5: {  	_ =	swait.ge [sflag:s28], $0x2710  }
0xb6: {  	[sflag:s28] =	ssyncset.done $0x0  }
0xb7: {  	[sflag:s28] =	ssyncadd.s32 $0xFFFFD8F0  }
0xb8: {  	_ =	swait.ge [sflag:s31], $0x2710  }
0xb9: {  	[sflag:s31] =	ssyncset.done $0x0  }
0xba: {  	s22 =	rddreg [dreg:$0x12];
	[sflag:s31] =	ssyncadd.s32 $0xFFFFD8F0  }
0xbb: {  	[tilespmem:s12], [sflag:$0x2] =	stream.linear.gather [hbm4b:s22+s2], $0x2710, $0x38;
	[tilespmem:$0x19E00] =	vst v63  }
0xbc: {  	s22 =	rddreg [dreg:$0x13]  }
0xbd: {  	[tilespmem:s13], [sflag:$0x2] =	stream.linear.gather [hbm4b:s22+s2], $0x2710, $0x38;
	[tilespmem:$0x19E00] =	vst v63  }
0xbe: {  	_ =	swait.ge [sflag:s14], $0x2710  }
0xbf: {  	[sflag:s14] =	ssyncset.done $0x0  }
0xc0: {  	[sflag:s14] =	ssyncadd.s32 $0xFFFFD8F0  }
0xc1: {  	[spmem:s1] =	stream.indirect.scatter.add.f32 [tilespmem:s6], [sflag:$0x7], $0x1, s8, s10, $0xb8;
	[tilespmem:$0x19E00] =	vst v63  }
0xc2: {  	_ =	swait.ge [sflag:s15], $0x2710  }
0xc3: {  	[sflag:s15] =	ssyncset.done $0x0  }
0xc4: {  	[sflag:s15] =	ssyncadd.s32 $0xFFFFD8F0  }
0xc5: {  	[spmem:s18] =	stream.indirect.scatter.add.f32 [tilespmem:s11], [sflag:$0x9], $0x1, s8, s10, $0xb8;
	[tilespmem:$0x19E00] =	vst v63  }
0xc6: {  	_ =	swait.ge [sflag:s16], $0x2710  }
0xc7: {  	[sflag:s16] =	ssyncset.done $0x0  }
0xc8: {  	[sflag:s16] =	ssyncadd.s32 $0xFFFFD8F0  }
0xc9: {  	_ =	swait.ge [sflag:s16], $0x2710  }
0xca: {  	[sflag:s16] =	ssyncset.done $0x0  }
0xcb: {  	[sflag:s16] =	ssyncadd.s32 $0xFFFFD8F0  }
0xcc: {  	[tilespmem:s17], [sflag:$0x4] =	stream.indirect.gather [spmem:s21], $0x1, s12, s10, $0xb8;
	[tilespmem:$0x19E00] =	vst v63  }
0xcd: {  	_ = 	snop  }
0xce: {  	[tilespmem:s19], [sflag:$0x6] =	stream.indirect.gather [spmem:s25], $0x1, s12, s10, $0xb8;
	[tilespmem:$0x19E00] =	vst v63  }
0xcf: {  	_ =	swait.ge [sflag:s20], $0x2710  }
0xd0: {  	[sflag:s20] =	ssyncset.done $0x0  }
0xd1: {  	[sflag:s20] =	ssyncadd.s32 $0xFFFFD8F0  }
0xd2: {  	_ =	swait.ge [sflag:s23], $0x2710  }
0xd3: {  	[sflag:s23] =	ssyncset.done $0x0  }
0xd4: {  	s22 =	rddreg [dreg:$0x14];
	[sflag:s23] =	ssyncadd.s32 $0xFFFFD8F0  }
0xd5: {  	[tilespmem:s2], [sflag:$0x1] =	stream.linear.gather [hbm4b:s22+s2], $0x2710, $0x38;
	[tilespmem:$0x19E00] =	vst v63  }
0xd6: {  	s22 =	rddreg [dreg:$0x15]  }
0xd7: {  	[tilespmem:s8], [sflag:$0x1] =	stream.linear.gather [hbm4b:s22+s2], $0x2710, $0x38;
	[tilespmem:$0x19E00] =	vst v63  }
0xd8: {  	_ =	swait.ge [sflag:s24], $0x2710  }
0xd9: {  	[sflag:s24] =	ssyncset.done $0x0  }
0xda: {  	[sflag:s24] =	ssyncadd.s32 $0xFFFFD8F0  }
0xdb: {  	[spmem:s1] =	stream.indirect.scatter.add.f32 [tilespmem:s17], [sflag:$0x8], $0x1, s13, s10, $0xb8;
	[tilespmem:$0x19E00] =	vst v63  }
0xdc: {  	_ =	swait.ge [sflag:s26], $0x2710  }
0xdd: {  	[sflag:s26] =	ssyncset.done $0x0  }
0xde: {  	[sflag:s26] =	ssyncadd.s32 $0xFFFFD8F0  }
0xdf: {  	[spmem:s18] =	stream.indirect.scatter.add.f32 [tilespmem:s19], [sflag:$0xA], $0x1, s13, s10, $0xb8;
	[tilespmem:$0x19E00] =	vst v63  }
0xe0: {  	_ =	swait.ge [sflag:s9], $0x2710  }
0xe1: {  	[sflag:s9] =	ssyncset.done $0x0  }
0xe2: {  	[sflag:s9] =	ssyncadd.s32 $0xFFFFD8F0  }
0xe3: {  	_ =	swait.ge [sflag:s9], $0x2710  }
0xe4: {  	[sflag:s9] =	ssyncset.done $0x0  }
0xe5: {  	[sflag:s9] =	ssyncadd.s32 $0xFFFFD8F0  }
0xe6: {  	[tilespmem:s6], [sflag:$0x3] =	stream.indirect.gather [spmem:s21], $0x1, s2, s10, $0xb8;
	[tilespmem:$0x19E00] =	vst v63  }
0xe7: {  	_ = 	snop  }
0xe8: {  	[tilespmem:s11], [sflag:$0x5] =	stream.indirect.gather [spmem:s25], $0x1, s2, s10, $0xb8;
	[tilespmem:$0x19E00] =	vst v63  }
0xe9: {  	_ =	swait.ge [sflag:s28], $0x2710  }
0xea: {  	[sflag:s28] =	ssyncset.done $0x0  }
0xeb: {  	[sflag:s28] =	ssyncadd.s32 $0xFFFFD8F0  }
0xec: {  	_ =	swait.ge [sflag:s31], $0x2710  }
0xed: {  	[sflag:s31] =	ssyncset.done $0x0  }
0xee: {  	s22 =	rddreg [dreg:$0x16];
	[sflag:s31] =	ssyncadd.s32 $0xFFFFD8F0  }
0xef: {  	[tilespmem:s12], [sflag:$0x2] =	stream.linear.gather [hbm4b:s22+s2], $0x2710, $0x38;
	[tilespmem:$0x19E00] =	vst v63  }
0xf0: {  	s22 =	rddreg [dreg:$0x17]  }
0xf1: {  	[tilespmem:s13], [sflag:$0x2] =	stream.linear.gather [hbm4b:s22+s2], $0x2710, $0x38;
	[tilespmem:$0x19E00] =	vst v63  }
0xf2: {  	_ =	swait.ge [sflag:s14], $0x2710  }
0xf3: {  	[sflag:s14] =	ssyncset.done $0x0  }
0xf4: {  	[sflag:s14] =	ssyncadd.s32 $0xFFFFD8F0  }
0xf5: {  	[spmem:s1] =	stream.indirect.scatter.add.f32 [tilespmem:s6], [sflag:$0x7], $0x1, s8, s10, $0xb8;
	[tilespmem:$0x19E00] =	vst v63  }
0xf6: {  	_ =	swait.ge [sflag:s15], $0x2710  }
0xf7: {  	[sflag:s15] =	ssyncset.done $0x0  }
0xf8: {  	[sflag:s15] =	ssyncadd.s32 $0xFFFFD8F0  }
0xf9: {  	[spmem:s18] =	stream.indirect.scatter.add.f32 [tilespmem:s11], [sflag:$0x9], $0x1, s8, s10, $0xb8;
	[tilespmem:$0x19E00] =	vst v63  }
0xfa: {  	_ =	swait.ge [sflag:s16], $0x2710  }
0xfb: {  	[sflag:s16] =	ssyncset.done $0x0  }
0xfc: {  	[sflag:s16] =	ssyncadd.s32 $0xFFFFD8F0  }
0xfd: {  	_ =	swait.ge [sflag:s16], $0x2710  }
0xfe: {  	[sflag:s16] =	ssyncset.done $0x0  }
0xff: {  	[sflag:s16] =	ssyncadd.s32 $0xFFFFD8F0  }
0x100: {  	[tilespmem:s17], [sflag:$0x4] =	stream.indirect.gather [spmem:s21], $0x1, s12, s10, $0xb8;
	[tilespmem:$0x19E00] =	vst v63  }
0x101: {  	_ = 	snop  }
0x102: {  	[tilespmem:s19], [sflag:$0x6] =	stream.indirect.gather [spmem:s25], $0x1, s12, s10, $0xb8;
	[tilespmem:$0x19E00] =	vst v63  }
0x103: {  	_ =	swait.ge [sflag:s20], $0x2710  }
0x104: {  	[sflag:s20] =	ssyncset.done $0x0  }
0x105: {  	[sflag:s20] =	ssyncadd.s32 $0xFFFFD8F0  }
0x106: {  	_ =	swait.ge [sflag:s23], $0x2710  }
0x107: {  	[sflag:s23] =	ssyncset.done $0x0  }
0x108: {  	s22 =	rddreg [dreg:$0x18];
	[sflag:s23] =	ssyncadd.s32 $0xFFFFD8F0  }
0x109: {  	[tilespmem:s2], [sflag:$0x1] =	stream.linear.gather [hbm4b:s22+s2], $0x2710, $0x38;
	[tilespmem:$0x19E00] =	vst v63  }
0x10a: {  	s22 =	rddreg [dreg:$0x19]  }
0x10b: {  	[tilespmem:s8], [sflag:$0x1] =	stream.linear.gather [hbm4b:s22+s2], $0x2710, $0x38;
	[tilespmem:$0x19E00] =	vst v63  }
0x10c: {  	_ =	swait.ge [sflag:s24], $0x2710  }
0x10d: {  	[sflag:s24] =	ssyncset.done $0x0  }
0x10e: {  	[sflag:s24] =	ssyncadd.s32 $0xFFFFD8F0  }
0x10f: {  	[spmem:s1] =	stream.indirect.scatter.add.f32 [tilespmem:s17], [sflag:$0x8], $0x1, s13, s10, $0xb8;
	[tilespmem:$0x19E00] =	vst v63  }
0x110: {  	_ =	swait.ge [sflag:s26], $0x2710  }
0x111: {  	[sflag:s26] =	ssyncset.done $0x0  }
0x112: {  	[sflag:s26] =	ssyncadd.s32 $0xFFFFD8F0  }
0x113: {  	[spmem:s18] =	stream.indirect.scatter.add.f32 [tilespmem:s19], [sflag:$0xA], $0x1, s13, s10, $0xb8;
	[tilespmem:$0x19E00] =	vst v63  }
0x114: {  	_ =	swait.ge [sflag:s9], $0x2710  }
0x115: {  	[sflag:s9] =	ssyncset.done $0x0  }
0x116: {  	[sflag:s9] =	ssyncadd.s32 $0xFFFFD8F0  }
0x117: {  	_ =	swait.ge [sflag:s9], $0x2710  }
0x118: {  	[sflag:s9] =	ssyncset.done $0x0  }
0x119: {  	[sflag:s9] =	ssyncadd.s32 $0xFFFFD8F0  }
0x11a: {  	[tilespmem:s6], [sflag:$0x3] =	stream.indirect.gather [spmem:s21], $0x1, s2, s10, $0xb8;
	[tilespmem:$0x19E00] =	vst v63  }
0x11b: {  	_ = 	snop  }
0x11c: {  	[tilespmem:s11], [sflag:$0x5] =	stream.indirect.gather [spmem:s25], $0x1, s2, s10, $0xb8;
	[tilespmem:$0x19E00] =	vst v63  }
0x11d: {  	_ =	swait.ge [sflag:s28], $0x2710  }
0x11e: {  	[sflag:s28] =	ssyncset.done $0x0  }
0x11f: {  	[sflag:s28] =	ssyncadd.s32 $0xFFFFD8F0  }
0x120: {  	_ =	swait.ge [sflag:s31], $0x2710  }
0x121: {  	[sflag:s31] =	ssyncset.done $0x0  }
0x122: {  	s22 =	rddreg [dreg:$0x1a];
	[sflag:s31] =	ssyncadd.s32 $0xFFFFD8F0  }
0x123: {  	[tilespmem:s12], [sflag:$0x2] =	stream.linear.gather [hbm4b:s22+s2], $0x2710, $0x38;
	[tilespmem:$0x19E00] =	vst v63  }
0x124: {  	s22 =	rddreg [dreg:$0x1b]  }
0x125: {  	[tilespmem:s13], [sflag:$0x2] =	stream.linear.gather [hbm4b:s22+s2], $0x2710, $0x38;
	[tilespmem:$0x19E00] =	vst v63  }
0x126: {  	_ =	swait.ge [sflag:s14], $0x2710  }
0x127: {  	[sflag:s14] =	ssyncset.done $0x0  }
0x128: {  	[sflag:s14] =	ssyncadd.s32 $0xFFFFD8F0  }
0x129: {  	[spmem:s1] =	stream.indirect.scatter.add.f32 [tilespmem:s6], [sflag:$0x7], $0x1, s8, s10, $0xb8;
	[tilespmem:$0x19E00] =	vst v63  }
0x12a: {  	_ =	swait.ge [sflag:s15], $0x2710  }
0x12b: {  	[sflag:s15] =	ssyncset.done $0x0  }
0x12c: {  	[sflag:s15] =	ssyncadd.s32 $0xFFFFD8F0  }
0x12d: {  	[spmem:s18] =	stream.indirect.scatter.add.f32 [tilespmem:s11], [sflag:$0x9], $0x1, s8, s10, $0xb8;
	[tilespmem:$0x19E00] =	vst v63  }
0x12e: {  	_ =	swait.ge [sflag:s16], $0x2710  }
0x12f: {  	[sflag:s16] =	ssyncset.done $0x0  }
0x130: {  	[sflag:s16] =	ssyncadd.s32 $0xFFFFD8F0  }
0x131: {  	_ =	swait.ge [sflag:s16], $0x2710  }
0x132: {  	[sflag:s16] =	ssyncset.done $0x0  }
0x133: {  	[sflag:s16] =	ssyncadd.s32 $0xFFFFD8F0  }
0x134: {  	[tilespmem:s17], [sflag:$0x4] =	stream.indirect.gather [spmem:s21], $0x1, s12, s10, $0xb8;
	[tilespmem:$0x19E00] =	vst v63  }
0x135: {  	_ = 	snop  }
0x136: {  	[tilespmem:s19], [sflag:$0x6] =	stream.indirect.gather [spmem:s25], $0x1, s12, s10, $0xb8;
	[tilespmem:$0x19E00] =	vst v63  }
0x137: {  	_ =	swait.ge [sflag:s20], $0x2710  }
0x138: {  	[sflag:s20] =	ssyncset.done $0x0  }
0x139: {  	[sflag:s20] =	ssyncadd.s32 $0xFFFFD8F0  }
0x13a: {  	_ =	swait.ge [sflag:s23], $0x2710  }
0x13b: {  	[sflag:s23] =	ssyncset.done $0x0  }
0x13c: {  	[sflag:s23] =	ssyncadd.s32 $0xFFFFD8F0  }
0x13d: {  	_ =	swait.ge [sflag:s24], $0x2710  }
0x13e: {  	[sflag:s24] =	ssyncset.done $0x0  }
0x13f: {  	[sflag:s24] =	ssyncadd.s32 $0xFFFFD8F0  }
0x140: {  	[spmem:s1] =	stream.indirect.scatter.add.f32 [tilespmem:s17], [sflag:$0x8], $0x1, s13, s10, $0xb8;
	[tilespmem:$0x19E00] =	vst v63  }
0x141: {  	_ =	swait.ge [sflag:s26], $0x2710  }
0x142: {  	[sflag:s26] =	ssyncset.done $0x0  }
0x143: {  	[sflag:s26] =	ssyncadd.s32 $0xFFFFD8F0  }
0x144: {  	[spmem:s18] =	stream.indirect.scatter.add.f32 [tilespmem:s19], [sflag:$0xA], $0x1, s13, s10, $0xb8;
	[tilespmem:$0x19E00] =	vst v63  }
0x145: {  	_ =	swait.ge [sflag:s28], $0x2710  }
0x146: {  	[sflag:s28] =	ssyncset.done $0x0  }
0x147: {  	[sflag:s28] =	ssyncadd.s32 $0xFFFFD8F0  }
0x148: {  	_ =	swait.ge [sflag:s31], $0x2710  }
0x149: {  	[sflag:s31] =	ssyncset.done $0x0  }
0x14a: {  	[sflag:s31] =	ssyncadd.s32 $0xFFFFD8F0  }
0x14b: {  	[bflag:$0x0] =	sbarrier.arrive $0xFFFF  }
0x14c: {  	s5 =	sshrl.u32 s0, $0x3;
	s0 =	simm.s32 $0x20;
	s22 =	rddreg [dreg:$0x1d]  }
0x14d: {  	[hbm:s22@s0], [sflag:s4] =	dma.strided [spmem:s5@s29], $0x310, s9, $0x10   }
0x14e: {  	_ =	swait.ge [sflag:s7], $0x310  }
0x14f: {  	[sflag:s7] =	ssyncset.done $0x0  }
0x150: {  	s5 =	sshrl.u32 s30, $0x3;
	s22 =	rddreg [dreg:$0x1e];
	[sflag:s7] =	ssyncadd.s32 $0xFFFFFCF0  }
0x151: {  	[hbm:s22@s0], [sflag:s4] =	dma.strided [spmem:s5@s29], $0x310, s9, $0x10   }
0x152: {  	_ =	swait.ge [sflag:s7], $0x310  }
0x153: {  	s3 =	sadd.s32 $0x1, s3;
	s22 =	rddreg [dreg:$0x1f]  }
0x154: {  	p0 =	sne.s32 s3, s22  }
.Ltmp1:
0x155: {  	_ = 	snop;
	(pc) =	sbr.rel @p0 .LBB2_1-.Ltmp1, $3  }
0x156: {  	_ =	sdelay $0x1  }
0x157: {  	[sflag:s7] =	ssyncset.done $0x0  }
0x158: {  	[sflag:s7] =	ssyncadd.s32 $0xFFFFFCF0  }
0x159: {  	_ =	sfence.sel $0x180000  }
0x15a: {  	[bflag:$0x0] =	sbarrier.arrive $0xFFFF  }
0x15b: {  	_ =	strace $0x9000004D  }
0x15c: {  	s0 =	stileid.u32;
	[bflag:$0x2] =	sbarrier.arrive $0xFFFF  }
0x15d: {  	p0 =	sne.s32 s0, $0x0;
	s0 =	rddreg [dreg:$0x6]  }
0x15e: {  	s0 =	sadd.s32 @!p0 $0x100000, s0  }
0x15f: {  	[sflag:s0] =	ssyncadd.tile.s32 @!p0 $0x1;
	_ =	shalt  }
.Lfunc_end2:
_tile_overlayer_lowered:
.L_overlay_start_2:
0x160: {  	(tag) =	ssettag $0x2  }
0x161: {  	s0 =	rddreg [dreg:$0x0];
	s2 =	stileid.u32  }
0x162: {  	s1 =	rddreg [dreg:$0x1];
	p0 =	sne.s32 s2, $0x0  }
0x163: {  	s3 =	rddreg [dreg:$0x2];
	[bflag:$0x3] =	sbarrier.arrive $0xFFFF;
	s2 =	simm.s32 @!p0 $0x1C0B  }
0x164: {  	[timem:s3], [sflag:s2] =	dma.local @!p0 [hbm:s0], s1  }
0x165: {  	s0 =	simm.s32 @!p0 $0xB  }
0x166: {  	_ =	swait.ge @!p0 [sflag:s0], s1  }
0x167: {  	s1 =	ssub.s32 @!p0 $0x0, s1;
	[sflag:s0] =	ssyncset.done @!p0 $0x0  }
0x168: {  	[sflag:s0] =	ssyncadd.s32 @!p0 s1  }
0x169: {  	[bflag:$0x3] =	sbarrier.arrive $0xFFFF  }
0x16a: {  	_ =	shalt  }

// kernel: kernel.8.cloned.1.call-start
scs
__scs_entry_jumppad:
0x0: {  	(pc) =	sbr.rel $0x88, $3  }
0x1: {  	(tag) =	ssettag $0x0;
	lr =	simm.s32 $0x1  }
0x2: {  	[smem:$0x3F9B] =	sst lr;
	_ =	strace $0xD0000000  }
0x3: {  	_ = 	snop  }
0x4: {  	_ = 	snop  }
0x5: {  	_ = 	snop  }
0x6: {  	_ = 	snop  }
0x7: {  	_ = 	snop  }
__scs_overlays_trampoline_lowered:
0x8: {  	[smem:$0x3FAA] =	sst s0  }
0x9: {  	[smem:$0x3FAB] =	sst s1  }
0xa: {  	[smem:$0x3FAC] =	sst s2  }
0xb: {  	[smem:$0x3FAD] =	sst s3  }
0xc: {  	[smem:$0x3FAE] =	sst s4  }
0xd: {  	[smem:$0x3FAF] =	sst s5  }
0xe: {  	[smem:$0x3FB0] =	sst s6  }
0xf: {  	[smem:$0x3FB1] =	sst s7  }
0x10: {  	[smem:$0x3FB2] =	sst s8  }
0x11: {  	[smem:$0x3FB3] =	sst s9;
	s0 =	simm.s32 @!p0 $0x0  }
0x12: {  	s1 =	sld [smem:$0x3F99];
	s0 =	simm.s32 @p0 $0x1  }
0x13: {  	[smem:$0x3FB4] =	sst s0;
	s0 =	simm.s32 @!p1 $0x0  }
0x14: {  	s2 =	sld [smem:$0x3F98];
	s0 =	simm.s32 @p1 $0x1  }
0x15: {  	[smem:$0x3FB5] =	sst s0;
	s0 =	simm.s32 @!p2 $0x0  }
0x16: {  	s3 =	sld [smem:$0x3FDB];
	s0 =	simm.s32 @p2 $0x1  }
0x17: {  	s4 =	simm.s32 $0x1BF5;
	[smem:$0x3FB7] =	sst s0  }
0x18: {  	s0 =	sld [smem:$0x3F9A];
	_ =	swait.ge [sflag:s4], $0x0  }
0x19: {  	s7 =	sld [smem:$0x3F9B]  }
0x1a: {  	s8 =	sadd.s32 $0xFFFFE003, lr  }
0x1b: {  	s9 =	sadd.s32 $0xFFFFFEF7, lr;
	s5 =	simm.s32 $0xFFFFFFFF;
	p2 =	slt.u32 s8, $0xFFFFF086  }
0x1c: {  	p1 =	slt.u32 s9, $0xF7A;
	s5 =	simm.s32 @!p2 $0x0  }
0x1d: {  	s5 =	simm.s32 @p1 $0x1;
	p0 =	seq.s32 s7, s2  }
0x1e: {  	s7 =	smul.u32 @!p0 $0xF7A, s2;
	p2 =	seq.s32 @!p0 s5, $0x0  }
0x1f: {  	s9 =	smul.u32 $0xF7A, s1;
	s8 =	simm.s32 @!p0 $0x1BF5;
	p2 =	por !p2, p0  }
0x20: {  	[sflag:s8] =	ssyncset.s32 @!p0 $0xFFFFF086;
	s6 =	sadd.s32 @!p0 s3, s7;
	s7 =	simm.s32 @!p0 $0x108  }
0x21: {  	s3 =	sadd.s32 s3, s9;
	s6 =	sadd.s32 @!p0 $0x88, s6;
	s7 =	simm.s32 @p2 $0x1082  }
0x22: {  	[simem:s7], [sflag:s8] =	dma.local @!p0 [hbm:s6], $0xF7A  }
0x23: {  	s9 =	sor.u32 $0xD0000000, s2;
	s6 =	simm.s32 $0x108;
	_ =	swait.ge @!p0 [sflag:s8], $0x0  }
0x24: {  	s3 =	sadd.s32 $0x88, s3;
	s6 =	simm.s32 @!p1 $0x1082;
	[sflag:s4] =	ssyncset.s32 $0xFFFFF086  }
0x25: {  	[simem:s6], [sflag:s4] =	dma.local [hbm:s3], $0xF7A  }
0x26: {  	[smem:$0x3F9B] =	sst s1;
	(tag) =	ssettag s2;
	_ =	strace s9  }
0x27: {  	s1 =	sld [smem:$0x3FAB]  }
0x28: {  	s2 =	sld [smem:$0x3FAC]  }
0x29: {  	s4 =	sld [smem:$0x3FAE]  }
0x2a: {  	p0 =	seq.s32 s5, $0x0;
	s5 =	sld [smem:$0x3FAF]  }
0x2b: {  	s6 =	sld [smem:$0x3FB0]  }
0x2c: {  	s7 =	sld [smem:$0x3FB1]  }
0x2d: {  	s3 =	simm.s32 $0x108;
	s8 =	sld [smem:$0x3FB2]  }
0x2e: {  	s3 =	simm.s32 @!p0 $0x1082;
	s9 =	sld [smem:$0x3FB3]  }
0x2f: {  	lr =	sadd.s32 s0, s3;
	s0 =	sld [smem:$0x3FAA]  }
0x30: {  	s3 =	sld [smem:$0x3FAD]  }
0x31: {  	[smem:$0x3FB6] =	sst s10  }
0x32: {  	s10 =	sld [smem:$0x3FB4];
	_ =	sdelay $0x3  }
0x33: {  	p0 =	seq.s32 s10, $0x1;
	s10 =	sld [smem:$0x3FB6];
	_ =	sdelay $0x3  }
0x34: {  	[smem:$0x3FB6] =	sst s10  }
0x35: {  	s10 =	sld [smem:$0x3FB5];
	_ =	sdelay $0x3  }
0x36: {  	p1 =	seq.s32 s10, $0x1;
	s10 =	sld [smem:$0x3FB6];
	_ =	sdelay $0x3  }
0x37: {  	[smem:$0x3FB6] =	sst s10  }
0x38: {  	s10 =	sld [smem:$0x3FB7]  }
0x39: {  	_ = 	snop;
	(pc) =	sbr.ind lr, $3  }
0x3a: {  	_ = 	snop  }
0x3b: {  	_ = 	snop  }
0x3c: {  	p2 =	seq.s32 s10, $0x1;
	s10 =	sld [smem:$0x3FB6]  }
0x3d: {  	_ =	shalt  }
0x3e: {  	_ =	shalt  }
0x3f: {  	_ =	shalt  }
0x40: {  	_ =	shalt  }
0x41: {  	_ =	shalt  }
0x42: {  	_ =	shalt  }
0x43: {  	_ =	shalt  }
0x44: {  	_ =	shalt  }
0x45: {  	_ =	shalt  }
0x46: {  	_ =	shalt  }
0x47: {  	_ =	shalt  }
0x48: {  	_ =	shalt  }
0x49: {  	_ =	shalt  }
0x4a: {  	_ =	shalt  }
0x4b: {  	_ =	shalt  }
0x4c: {  	_ =	shalt  }
0x4d: {  	_ =	shalt  }
0x4e: {  	_ =	shalt  }
0x4f: {  	_ =	shalt  }
0x50: {  	_ =	shalt  }
0x51: {  	_ =	shalt  }
0x52: {  	_ =	shalt  }
0x53: {  	_ =	shalt  }
0x54: {  	_ =	shalt  }
0x55: {  	_ =	shalt  }
0x56: {  	_ =	shalt  }
0x57: {  	_ =	shalt  }
0x58: {  	_ =	shalt  }
0x59: {  	_ =	shalt  }
0x5a: {  	_ =	shalt  }
0x5b: {  	_ =	shalt  }
0x5c: {  	_ =	shalt  }
0x5d: {  	_ =	shalt  }
0x5e: {  	_ =	shalt  }
0x5f: {  	_ =	shalt  }
0x60: {  	_ =	shalt  }
0x61: {  	_ =	shalt  }
0x62: {  	_ =	shalt  }
0x63: {  	_ =	shalt  }
0x64: {  	_ =	shalt  }
0x65: {  	_ =	shalt  }
0x66: {  	_ =	shalt  }
0x67: {  	_ =	shalt  }
0x68: {  	_ =	shalt  }
0x69: {  	_ =	shalt  }
0x6a: {  	_ =	shalt  }
0x6b: {  	_ =	shalt  }
0x6c: {  	_ =	shalt  }
0x6d: {  	_ =	shalt  }
0x6e: {  	_ =	shalt  }
0x6f: {  	_ =	shalt  }
0x70: {  	_ =	shalt  }
0x71: {  	_ =	shalt  }
0x72: {  	_ =	shalt  }
0x73: {  	_ =	shalt  }
0x74: {  	_ =	shalt  }
0x75: {  	_ =	shalt  }
0x76: {  	_ =	shalt  }
0x77: {  	_ =	shalt  }
0x78: {  	_ =	shalt  }
0x79: {  	_ =	shalt  }
0x7a: {  	_ =	shalt  }
0x7b: {  	_ =	shalt  }
0x7c: {  	_ =	shalt  }
0x7d: {  	_ =	shalt  }
0x7e: {  	_ =	shalt  }
0x7f: {  	_ =	shalt  }
0x80: {  	_ =	shalt  }
0x81: {  	_ =	shalt  }
0x82: {  	_ =	shalt  }
0x83: {  	_ =	shalt  }
0x84: {  	_ =	shalt  }
0x85: {  	_ =	shalt  }
0x86: {  	_ =	shalt  }
0x87: {  	_ =	shalt  }
.Lfunc_end0:
.L_simem_size_0:
called_computation_lowered:
.L_overlay_start_0:
0x88: {  	s2 =	sld [smem:$0x3FD9]  }
0x89: {  	s3 =	sld [smem:$0x3FFE];
	_ =	sdelay $0x1  }
0x8a: {  	s1 =	srdreg.scid  }
0x8b: {  	s0 =	sand.u32 $0x1, s1  }
0x8c: {  	s16 =	sshll.u32 s0, $0xA;
	s2 =	sadd.s32 s3, s2  }
0x8d: {  	s2 =	sadd.s32 s2, s16  }
0x8e: {  	[smem:$0x3FC2] =	sst s2  }
0x8f: {  	_ = 	snop  }
0x90: {  	(tm) =	ssettm $0x1  }
0x91: {  	s17 =	sld [smem:$0x3FFB];
	_ =	sdelay $0x3  }
0x92: {  	_ =	strace s17  }
0x93: {  	s2 =	sld [smem:$0x3FFC];
	_ =	sdelay $0x3  }
0x94: {  	_ =	strace s2  }
0x95: {  	s2 =	sld [smem:$0x3FFD];
	_ =	sdelay $0x3  }
0x96: {  	_ =	strace s2  }
0x97: {  	_ =	strace $0x8FFFFFFF  }
0x98: {  	s18 =	sld [smem:$0x3FDB];
	_ =	sdelay $0x1  }
0x99: {  	s19 =	simm.s32 $_scs_section_size  }
0x9a: {  	s4 =	simm.s32 $_size__tile_overlayer_lowered;
	s5 =	simm.s32 $_tile_overlayer_lowered  }
0x9b: {  	s22 =	simm.s32 $0x1BFF;
	s21 =	sshll.u32 s5, $0x1;
	s2 =	sadd.s32 s19, s18  }
0x9c: {  	s6 =	simm.s32 $0x0;
	s20 =	sshll.u32 s4, $0x1;
	s4 =	sadd.s32 s21, s2  }
0x9d: {  	[timem:s6], [sflag:s22] =	dma.local [hbm:s4], s20  }
0x9e: {  	_ =	swait.ge [sflag:s22], s20  }
0x9f: {  	s3 =	ssub.s32 $0x0, s20;
	[sflag:s22] =	ssyncset.done $0x0  }
0xa0: {  	[sflag:s22] =	ssyncadd.s32 s3;
	_ =	sdelay $0x1  }
0xa1: {  	s23 =	simm.s32 $0x1B8B  }
0xa2: {  	_ =	swait.ge [sflag:s23], $0x1  }
0xa3: {  	[sflag:s23] =	ssyncset.done $0x0  }
0xa4: {  	s25 =	simm.s32 $0x1B8E;
	s24 =	sld [smem:$0x3FFE];
	[sflag:s23] =	ssyncadd.s32 $0xFFFFFFFF  }
0xa5: {  	s26 =	simm.s32 $execute0_lowered;
	[smem:$0x3FD2] =	sst s25  }
0xa6: {  	s4 =	sshll.u32 s26, $0x1;
	_ =	strace $0x80000046;
	[dreg:$0x1] =	wrdreg $0xFFFFFFFF  }
0xa7: {  	s28 =	simm.s32 $_size_execute0_lowered;
	s2 =	sadd.s32 s2, s4;
	[dreg:$0x0] =	wrdreg $0x0  }
0xa8: {  	s4 =	sshll.u32 s28, $0x1;
	[dreg:$0x2] =	wrdreg s2  }
0xa9: {  	[dreg:$0x3] =	wrdreg s4  }
0xaa: {  	[dreg:$0x4] =	wrdreg $0xC0  }
0xab: {  	_ =	task [dreg:s6], $0x5FFFF  }
0xac: {  	[dreg:$0x1] =	wrdreg $0xFFFFFFFF  }
0xad: {  	[dreg:$0x0] =	wrdreg $0x60  }
0xae: {  	[dreg:$0x2] =	wrdreg s24  }
0xaf: {  	[dreg:$0x3] =	wrdreg $0x152800  }
0xb0: {  	[dreg:$0x4] =	wrdreg $0x9  }
0xb1: {  	_ =	task.clear_ibuf [dreg:s6], $0x5FFFF;
	_ =	strace $0x90000046  }
0xb2: {  	s29 =	simm.s32 $0x9;
	_ =	strace $0x80000048  }
0xb3: {  	_ =	swait.ge [sflag:s29], $0x1  }
0xb4: {  	[sflag:s29] =	ssyncadd.s32 $0xFFFFFFFF  }
0xb5: {  	_ =	strace $0x90000048  }
0xb6: {  	_ =	sfence  }
0xb7: {  	s30 =	sld [smem:$0x0];
	_ =	sdelay $0x2  }
0xb8: {  	s31 =	sshll.u32 s1, $0xD;
	s1 =	sshrl.u32 s1, $0x2  }
0xb9: {  	s3 =	sand.u32 $0x4000, s31;
	s1 =	sadd.s32 s1, s30  }
0xba: {  	s0 =	sor.u32 s3, s0;
	s1 =	sshll.u32 s1, $0x11  }
0xbb: {  	s0 =	sor.u32 s1, s0  }
0xbc: {  	s0 =	sadd.s32 $0x8F2B, s0  }
0xbd: {  	[sflag:s0] =	ssyncadd.remote.s32 $0x1  }
0xbe: {  	_ =	sfence.sel $0xFFFF  }
0xbf: {  	[dreg:$0x0] =	wrdreg $0xFFFFFFFF;
	(pc) =	sbr.abs _section_cstart, $3  }
0xc0: {  	[dreg:$0x1] =	wrdreg $0xFFFFFFFF  }
0xc1: {  	_ =	task.clear_ibuf [dreg:s6], $0x2FFFF;
	_ =	strace $0x9FFFFFFF  }
0xc2: {  	(tm) =	ssettm $0x7FFFFFFF  }
0xc3: {  	_ =	shalt  }
tec
execute0_lowered:
.L_overlay_start_1:
0x0: {  	(tag) =	ssettag $0x1  }
0x1: {  	s4 =	rddreg [dreg:$0x0]  }
0x2: {  	s1 =	rddreg [dreg:$0x1]  }
0x3: {  	s0 =	rddreg [dreg:$0x2];
	s3 =	simm.s32 $0x0  }
0x4: {  	s5 =	srdreg.scid;
	s2 =	stileid.u32;
	s13 =	simm.s32 $0x7  }
0x5: {  	s14 =	simm.s32 $0x4E80;
	s15 =	simm.s32 $0x1;
	s16 =	simm.s32 $0x9D00  }
0x6: {  	s17 =	simm.s32 $0x4E20;
	s18 =	simm.s32 $0xEB80;
	s19 =	simm.s32 $0x2  }
0x7: {  	s20 =	simm.s32 $0x4;
	s21 =	simm.s32 $0x3;
	s22 =	simm.s32 $0x5  }
0x8: {  	s23 =	simm.s32 $0x6;
	[smem:$0x7FF] =	sst s3;
	s5 =	sand.u32 $0x1, s5  }
0x9: {  	s6 =	smul.u32 $0x3100, s2;
	s7 =	sadd.s32 $0x2C00, s4;
	s9 =	sshll.u32 s2, $0x1  }
0xa: {  	s25 =	smul.u32 $0x6200, s2;
	_ =	strace $0x80000047;
	s24 =	sor.u32 s5, s9  }
0xb: {  	s8 =	sshll.u32 s5, $0x7;
	s5 =	ssub.s32 $0x2, s5;
	s10 =	smul.u32 $0x4E20, s24  }
0xc: {  	s6 =	sor.u32 s8, s6;
	s26 =	sshrl.u32 s5, $0x1;
	s28 =	smul.u32 $0x9C4, s24  }
0xd: {  	s29 =	sshrl.u32 s25, $0x2;
	s24 =	simm.s32 $0x20;
	s25 =	simm.s32 $0x10  }
0xe: {  	s6 =	sshrl.u32 s6, $0x3;
	s12 =	ssub.s32 s5, s26;
	s26 =	simm.s32 $0x0  }
0xf: {  	s11 =	sadd.s32 s6, s4;
	s30 =	sshrl.u32 s10, $0x3;
	s4 =	sadd.s32 s29, s1  }
0x10: {  	s5 =	sadd.s32 s7, s28;
	s31 =	sadd.s32 s7, s30;
	s10 =	sadd.s32 $0xC6400, s11  }
0x11: {  	s11 =	smax.u32 s12, $0x1;
	s12 =	simm.s32 $0x13A00;
	s6 =	sadd.s32 $0x13880, s31  }
0x12: {  	v0 =	vimm.f32 $1.000000000e+00;
	v1 =	vimm.f32 $0.0e+00;
	s7 =	sadd.s32 $0x27100, s31;
	s8 =	sadd.s32 $0x3A980, s31;
	s9 =	sadd.s32 $0x4E200, s31  }
.LBB2_1:
0x13: {  	s28 =	simm.s32 $0x0  }
.LBB2_2:
0x14: {  	p0 =	sne.s32 s28, $0x13840  }
.Ltmp0:
0x15: {  	_ = 	snop;
	(pc) =	sbr.rel @p0 .LBB2_2-.Ltmp0, $3  }
0x16: {  	_ =	sdelay $0x1  }
0x17: {  	s29 =	sshra.s32 s28, $0x2  }
0x18: {  	s28 =	sadd.s32 $0x40, s28;
	[tilespmem:s29+$0xEB80] =	vst v0  }
0x19: {  	s28 =	simm.s32 $0x40;
	s29 =	simm.s32 $0x0  }
.LBB2_4:
0x1a: {  	p0 =	sne.s32 s28, $0x61C0;
	[tilespmem:s29+$0x13A00] =	vst v1;
	s29 =	smov.u32 s28;
	s28 =	sadd.s32 $0x40, s28  }
.Ltmp1:
0x1b: {  	(pc) =	sbr.rel @p0 .LBB2_4-.Ltmp1, $2  }
0x1c: {  	_ =	sdelay $0x2  }
0x1d: {  	s29 =	sshra.s32 s29, $0x2  }
0x1e: {  	[tilespmem:s29+$0x13A00] =	vst v1  }
0x1f: {  	[spmem:s4] =	stream.linear.scatter [tilespmem:s12], [sflag:$0x7], $0x1880, $0x38;
	[tilespmem:$0x16B00] =	vst v63  }
0x20: {  	_ =	swait.ge [sflag:s13], $0x1880  }
0x21: {  	[sflag:s13] =	ssyncset.done $0x0  }
0x22: {  	[sflag:s13] =	ssyncadd.s32 $0xFFFFE780  }
0x23: {  	[bflag:$0x0] =	sbarrier.arrive $0xFFFF  }
0x24: {  	[tilespmem:s3], [sflag:$0x1] =	stream.linear.gather [hbm4b:s5+s3], $0x4E20, $0x38;
	[tilespmem:$0x16B00] =	vst v63  }
0x25: {  	_ = 	snop  }
0x26: {  	[tilespmem:s14], [sflag:$0x2] =	stream.linear.gather [hbm4b:s6+s3], $0x4E20, $0x38;
	[tilespmem:$0x16B00] =	vst v63  }
0x27: {  	_ =	swait.ge [sflag:s15], $0x4E20  }
0x28: {  	[sflag:s15] =	ssyncset.done $0x0  }
0x29: {  	[sflag:s15] =	ssyncadd.s32 $0xFFFFB1E0  }
0x2a: {  	[tilespmem:s16], [sflag:$0x3] =	stream.linear.gather [hbm4b:s7+s3], $0x4E20, $0x38;
	[tilespmem:$0x16B00] =	vst v63  }
0x2b: {  	_ = 	snop  }
0x2c: {  	[spmem:s1] =	stream.indirect.scatter.add.f32 [tilespmem:s18], [sflag:$0x4], $0x1, s3, s17, $0xb8;
	[tilespmem:$0x16B00] =	vst v63  }
0x2d: {  	_ =	swait.ge [sflag:s19], $0x4E20  }
0x2e: {  	[sflag:s19] =	ssyncset.done $0x0  }
0x2f: {  	[sflag:s19] =	ssyncadd.s32 $0xFFFFB1E0  }
0x30: {  	_ =	swait.ge [sflag:s20], $0x4E20  }
0x31: {  	[sflag:s20] =	ssyncset.done $0x0  }
0x32: {  	[sflag:s20] =	ssyncadd.s32 $0xFFFFB1E0  }
0x33: {  	[tilespmem:s3], [sflag:$0x1] =	stream.linear.gather [hbm4b:s8+s3], $0x4E20, $0x38;
	[tilespmem:$0x16B00] =	vst v63  }
0x34: {  	_ = 	snop  }
0x35: {  	[spmem:s1] =	stream.indirect.scatter.add.f32 [tilespmem:s18], [sflag:$0x5], $0x1, s14, s17, $0xb8;
	[tilespmem:$0x16B00] =	vst v63  }
0x36: {  	_ =	swait.ge [sflag:s21], $0x4E20  }
0x37: {  	[sflag:s21] =	ssyncset.done $0x0  }
0x38: {  	[sflag:s21] =	ssyncadd.s32 $0xFFFFB1E0  }
0x39: {  	_ =	swait.ge [sflag:s22], $0x4E20  }
0x3a: {  	[sflag:s22] =	ssyncset.done $0x0  }
0x3b: {  	[sflag:s22] =	ssyncadd.s32 $0xFFFFB1E0  }
0x3c: {  	[tilespmem:s14], [sflag:$0x2] =	stream.linear.gather [hbm4b:s9+s3], $0x4E20, $0x38;
	[tilespmem:$0x16B00] =	vst v63  }
0x3d: {  	_ = 	snop  }
0x3e: {  	[spmem:s1] =	stream.indirect.scatter.add.f32 [tilespmem:s18], [sflag:$0x6], $0x1, s16, s17, $0xb8;
	[tilespmem:$0x16B00] =	vst v63  }
0x3f: {  	_ =	swait.ge [sflag:s15], $0x4E20  }
0x40: {  	[sflag:s15] =	ssyncset.done $0x0  }
0x41: {  	[sflag:s15] =	ssyncadd.s32 $0xFFFFB1E0  }
0x42: {  	_ =	swait.ge [sflag:s23], $0x4E20  }
0x43: {  	[sflag:s23] =	ssyncset.done $0x0  }
0x44: {  	[sflag:s23] =	ssyncadd.s32 $0xFFFFB1E0  }
0x45: {  	[spmem:s1] =	stream.indirect.scatter.add.f32 [tilespmem:s18], [sflag:$0x4], $0x1, s3, s17, $0xb8;
	[tilespmem:$0x16B00] =	vst v63  }
0x46: {  	_ =	swait.ge [sflag:s19], $0x4E20  }
0x47: {  	[sflag:s19] =	ssyncset.done $0x0  }
0x48: {  	[sflag:s19] =	ssyncadd.s32 $0xFFFFB1E0  }
0x49: {  	_ =	swait.ge [sflag:s20], $0x4E20  }
0x4a: {  	[sflag:s20] =	ssyncset.done $0x0  }
0x4b: {  	[sflag:s20] =	ssyncadd.s32 $0xFFFFB1E0  }
0x4c: {  	[spmem:s1] =	stream.indirect.scatter.add.f32 [tilespmem:s18], [sflag:$0x5], $0x1, s14, s17, $0xb8;
	[tilespmem:$0x16B00] =	vst v63  }
0x4d: {  	_ =	swait.ge [sflag:s22], $0x4E20  }
0x4e: {  	s28 =	sshll.u32 s2, $0x6;
	s26 =	sadd.s32 $0x1, s26;
	[sflag:s22] =	ssyncset.done $0x0  }
0x4f: {  	s31 =	sshrl.u32 s4, $0x3;
	p0 =	sne.s32 s26, s11;
	[sflag:s22] =	ssyncadd.s32 $0xFFFFB1E0  }
.Ltmp2:
0x50: {  	s28 =	sor.u32 $0x1C07, s28;
	[bflag:$0x0] =	sbarrier.arrive $0xFFFF;
	(pc) =	sbr.rel @p0 .LBB2_1-.Ltmp2, $4  }
0x51: {  	[hbm:s10@s24], [sflag:s28] =	dma.strided [spmem:s31@s25], $0x310, s15, $0x10   }
0x52: {  	_ =	swait.ge [sflag:s13], $0x310  }
0x53: {  	[sflag:s13] =	ssyncset.done $0x0  }
0x54: {  	[sflag:s13] =	ssyncadd.s32 $0xFFFFFCF0  }
0x55: {  	_ =	sfence.sel $0x180000  }
0x56: {  	[bflag:$0x0] =	sbarrier.arrive $0xFFFF  }
0x57: {  	p0 =	sne.s32 s2, $0x0;
	_ =	strace $0x90000047  }
0x58: {  	s0 =	sadd.s32 @!p0 $0x100000, s0;
	[bflag:$0x2] =	sbarrier.arrive $0xFFFF  }
0x59: {  	[sflag:s0] =	ssyncadd.tile.s32 @!p0 $0x1;
	_ =	shalt  }
.Lfunc_end2:
_tile_overlayer_lowered:
.L_overlay_start_2:
0x5a: {  	(tag) =	ssettag $0x2  }
0x5b: {  	s0 =	rddreg [dreg:$0x0];
	s2 =	stileid.u32  }
0x5c: {  	s1 =	rddreg [dreg:$0x1];
	p0 =	sne.s32 s2, $0x0  }
0x5d: {  	s3 =	rddreg [dreg:$0x2];
	[bflag:$0x3] =	sbarrier.arrive $0xFFFF;
	s2 =	simm.s32 @!p0 $0x1C07  }
0x5e: {  	[timem:s3], [sflag:s2] =	dma.local @!p0 [hbm:s0], s1  }
0x5f: {  	s0 =	simm.s32 @!p0 $0x7  }
0x60: {  	_ =	swait.ge @!p0 [sflag:s0], s1  }
0x61: {  	s1 =	ssub.s32 @!p0 $0x0, s1;
	[sflag:s0] =	ssyncset.done @!p0 $0x0  }
0x62: {  	[sflag:s0] =	ssyncadd.s32 @!p0 s1  }
0x63: {  	[bflag:$0x3] =	sbarrier.arrive $0xFFFF  }
0x64: {  	_ =	shalt  }

</sc_bundles>
